<compile_context>
chip_gen: v7x
topology: tpu7x:2x2x1
jax: 0.10.2.dev20260603
libtpu: 0.0.44.dev20260713+nightly
codegen_flags: <defaults>
</compile_context>

<pallas_src>
import functools

import jax
import jax.numpy as jnp
from jax import lax
from jax.experimental import pallas as pl
from jax.experimental.pallas import tpu as pltpu
from jax.experimental.pallas import tpu_sc as plsc

N = 10000
E = 320000
H = 128
G = 64

NC = 2
NS = 16
NW = NC * NS
CHUNK = 128
CPW = 80
EPW = CPW * CHUNK
EP = NW * EPW
N_ACC = 10112
RPT = N_ACC // NS
DEGW = 16
_ZCHUNKS = (128, 128, 128, 128, 120)

@functools.cache
def _mesh():
    return plsc.VectorSubcoreMesh(core_axis_name="c", subcore_axis_name="s",
                                  num_cores=NC, num_subcores=NS)


def _zero_vmem_2d(ref, rows, width):
    per_row = width // 16

    def zb(i, carry):
        r = i // per_row
        cc = (i % per_row) * 16
        ref[r, pl.ds(cc, 16)] = jnp.zeros((16,), jnp.float32)
        return carry

    lax.fori_loop(0, rows * per_row, zb, 0)


def _deg_body(dst_hbm, out_hbm, dst_v, ones_v, zbuf_v, sem, acc):
    c = lax.axis_index("c")
    s = lax.axis_index("s")
    wid = s * NC + c

    pltpu.sync_copy(dst_hbm.at[wid], dst_v)

    def fill_ones(r, carry):
        ones_v[r, :] = jnp.ones((16,), jnp.float32)
        return carry
    lax.fori_loop(0, CHUNK, fill_ones, 0)
    _zero_vmem_2d(zbuf_v, 128, DEGW)

    base = s * RPT
    off = 0
    for sz in _ZCHUNKS:
        pltpu.sync_copy(zbuf_v.at[pl.ds(0, sz)], acc.at[pl.ds(base + off, sz)])
        off += sz
    plsc.subcore_barrier()

    def step(j, carry):
        pltpu.sync_copy(ones_v, acc.at[dst_v.at[j]], add=True)
        return carry

    lax.fori_loop(0, CPW, step, 0)
    plsc.subcore_barrier()

    pltpu.sync_copy(acc.at[pl.ds(base, RPT)], out_hbm.at[c, pl.ds(base, RPT)])


@functools.cache
def _deg_call():
    return functools.partial(
        pl.kernel,
        out_type=jax.ShapeDtypeStruct((NC, N_ACC, DEGW), jnp.float32),
        mesh=_mesh(),
        scratch_types=[
            pltpu.VMEM((CPW, CHUNK), jnp.int32),
            pltpu.VMEM((CHUNK, DEGW), jnp.float32),
            pltpu.VMEM((128, DEGW), jnp.float32),
            pltpu.SemaphoreType.DMA,
            pltpu.VMEM_SHARED((N_ACC, DEGW), jnp.float32),
        ],
    )(_deg_body)


HALF = CPW // 2


def _edge_body(hs_hbm, src_hbm, dst_hbm, out_hbm,
               src_v, dst_v, rows0, rows1, sem0, sem1, acc):
    c = lax.axis_index("c")
    s = lax.axis_index("s")
    wid = s * NC + c

    _zero_vmem_2d(rows0, CHUNK, H)
    base = s * RPT
    off = 0
    for sz in _ZCHUNKS:
        pltpu.sync_copy(rows0.at[pl.ds(0, sz)], acc.at[pl.ds(base + off, sz)])
        off += sz
    plsc.subcore_barrier()

    for half in range(CPW // HALF):
        pltpu.sync_copy(src_hbm.at[wid, pl.ds(half * HALF, HALF)], src_v)
        pltpu.sync_copy(dst_hbm.at[wid, pl.ds(half * HALF, HALF)], dst_v)

        pltpu.async_copy(hs_hbm.at[src_v.at[0]], rows0, sem0)

        def pair(i, carry):
            j = 2 * i
            pltpu.make_async_copy(hs_hbm.at[src_v.at[j]], rows0, sem0).wait()
            pltpu.async_copy(hs_hbm.at[src_v.at[j + 1]], rows1, sem1)
            pltpu.sync_copy(rows0, acc.at[dst_v.at[j]], add=True)
            pltpu.make_async_copy(hs_hbm.at[src_v.at[j + 1]], rows1,
                                  sem1).wait()

            @pl.when(i < HALF // 2 - 1)
            def _():
                pltpu.async_copy(hs_hbm.at[src_v.at[j + 2]], rows0, sem0)
            pltpu.sync_copy(rows1, acc.at[dst_v.at[j + 1]], add=True)
            return carry

        lax.fori_loop(0, HALF // 2, pair, 0)

    plsc.subcore_barrier()
    pltpu.sync_copy(acc.at[pl.ds(base, RPT)], out_hbm.at[c, pl.ds(base, RPT)])


@functools.cache
def _edge_call():
    return functools.partial(
        pl.kernel,
        out_type=jax.ShapeDtypeStruct((NC, N_ACC, H), jnp.float32),
        mesh=_mesh(),
        scratch_types=[
            pltpu.VMEM((HALF, CHUNK), jnp.int32),
            pltpu.VMEM((HALF, CHUNK), jnp.int32),
            pltpu.VMEM((CHUNK, H), jnp.float32),
            pltpu.VMEM((CHUNK, H), jnp.float32),
            pltpu.SemaphoreType.DMA,
            pltpu.SemaphoreType.DMA,
            pltpu.VMEM_SHARED((N_ACC, H), jnp.float32),
        ],
    )(_edge_body)


def _dot(a, b):
    return lax.dot_general(a, b, (((1,), (0,)), ((), ())),
                           precision=lax.Precision.HIGHEST,
                           preferred_element_type=jnp.float32)


def _tcd_body(degp_ref, x_ref, w_ref, dinv_ref, hs1_ref):
    dp = degp_ref[0] + degp_ref[1]
    deg = jnp.sum(dp, axis=1, keepdims=True) * (1.0 / DEGW) + 1.0
    dinv = jnp.broadcast_to(lax.rsqrt(deg)[:N], (N, H))
    dinv_ref[...] = dinv
    hs1_ref[...] = _dot(x_ref[...], w_ref[...]) * dinv


_tcd_call = pl.pallas_call(
    _tcd_body, out_shape=[jax.ShapeDtypeStruct((N, H), jnp.float32),
                          jax.ShapeDtypeStruct((N, H), jnp.float32)])


def _bn_sigmoid(p_ref, hs_ref, dinv_ref, b_ref, g_ref, bt_ref):
    agg = (p_ref[0, :N] + p_ref[1, :N] + hs_ref[...]) * dinv_ref[...]
    z = agg + b_ref[...][None, :]
    m = jnp.mean(z, axis=0, keepdims=True)
    zc = z - m
    v = jnp.mean(zc * zc, axis=0, keepdims=True)
    zn = g_ref[...][None, :] * zc * lax.rsqrt(v + 1e-5) + bt_ref[...][None, :]
    return jax.nn.sigmoid(zn)


def _tcmid_body(p_ref, hs_ref, dinv_ref, b_ref, g_ref, bt_ref, w_ref, o_ref):
    a = _bn_sigmoid(p_ref, hs_ref, dinv_ref, b_ref, g_ref, bt_ref)
    o_ref[...] = _dot(a, w_ref[...]) * dinv_ref[...]


_tcmid_call = pl.pallas_call(
    _tcmid_body, out_shape=jax.ShapeDtypeStruct((N, H), jnp.float32))


def _tcfin_body(p_ref, hs_ref, dinv_ref, b_ref, g_ref, bt_ref, batch_ref,
                o_ref):
    a = _bn_sigmoid(p_ref, hs_ref, dinv_ref, b_ref, g_ref, bt_ref)
    ids = batch_ref[...]
    io = lax.broadcasted_iota(jnp.int32, (G, N), 0)
    oh = (io == ids).astype(jnp.float32)
    sums = _dot(oh, a)
    cnt = jnp.sum(oh, axis=1, keepdims=True)
    o_ref[...] = sums / jnp.maximum(cnt, 1.0)


_tcfin_call = pl.pallas_call(
    _tcfin_body, out_shape=jax.ShapeDtypeStruct((G, H), jnp.float32))


def kernel(x, edge_index, edge_attr, batch,
           W1, b1, g1, bt1, W2, b2, g2, bt2, W3, b3, g3, bt3):
    src = edge_index[0]
    dst = edge_index[1]
    pad = EP - E
    ar = jnp.arange(pad, dtype=jnp.int32)
    srcp = jnp.concatenate([src, ar % N]).reshape(NW, CPW, CHUNK)
    dstp = jnp.concatenate([dst, N + ar % (N_ACC - N)]).reshape(NW, CPW, CHUNK)

    degp = _deg_call()(dstp)
    dinvb, hs1 = _tcd_call(degp, x, W1)
    p1 = _edge_call()(hs1, srcp, dstp)
    hs2 = _tcmid_call(p1, hs1, dinvb, b1, g1, bt1, W2)
    p2 = _edge_call()(hs2, srcp, dstp)
    hs3 = _tcmid_call(p2, hs2, dinvb, b2, g2, bt2, W3)
    p3 = _edge_call()(hs3, srcp, dstp)
    return _tcfin_call(p3, hs3, dinvb, b3, g3, bt3, batch.reshape(1, N))

# --- scband reference (transcript-rebuilt; emitter-appended) ---
"""Pipeline reference for scband-cgcnnencoder-86586540687375 (READ-ONLY COPY).

The authoritative reference and input builder live on the scoring server;
editing this copy changes nothing except your own understanding.
"""

import jax, jax.numpy as jnp
import numpy as np

N = 10000
E = 320000
D = 128
H = 128
G = 64


def setup_inputs(seed: int = 0) -> dict:
    key = jax.random.key(seed)
    ks = jax.random.split(key, 12)
    x = jax.random.normal(ks[0], (N, D), dtype=jnp.float32)
    edge_index = jax.random.randint(ks[1], (2, E), 0, N, dtype=jnp.int32)
    edge_attr = jax.random.normal(ks[2], (E, 16), dtype=jnp.float32)
    batch = jnp.sort(jax.random.randint(ks[3], (N,), 0, G, dtype=jnp.int32))
    def lin(k, fan_in, fan_out):
        bound = 1.0 / np.sqrt(fan_in)
        kw, kb = jax.random.split(k)
        W = jax.random.uniform(kw, (fan_in, fan_out), jnp.float32, -bound, bound)
        b = jax.random.uniform(kb, (fan_out,), jnp.float32, -bound, bound)
        return W, b
    W1, b1 = lin(ks[4], D, H)
    W2, b2 = lin(ks[5], H, H)
    W3, b3 = lin(ks[6], H, H)
    g1 = jnp.ones((H,), jnp.float32); bt1 = jnp.zeros((H,), jnp.float32)
    g2 = jnp.ones((H,), jnp.float32); bt2 = jnp.zeros((H,), jnp.float32)
    g3 = jnp.ones((H,), jnp.float32); bt3 = jnp.zeros((H,), jnp.float32)
    return {"x": x, "edge_index": edge_index, "edge_attr": edge_attr, "batch": batch,
            "W1": W1, "b1": b1, "g1": g1, "bt1": bt1,
            "W2": W2, "b2": b2, "g2": g2, "bt2": bt2,
            "W3": W3, "b3": b3, "g3": g3, "bt3": bt3}


def _gcn_conv(x, W, b, src, dst):
    # PyG GCNConv: symmetric normalization with added self loops
    h = x @ W
    loop = jnp.arange(N, dtype=src.dtype)
    s = jnp.concatenate([src, loop])
    d = jnp.concatenate([dst, loop])
    deg = jax.ops.segment_sum(jnp.ones((s.shape[0],), x.dtype), d, num_segments=N)
    dinv = jnp.where(deg > 0, jax.lax.rsqrt(deg), 0.0)
    norm = dinv[s] * dinv[d]
    out = jax.ops.segment_sum(h[s] * norm[:, None], d, num_segments=N)
    return out + b


def _bn(x, g, beta):
    # BatchNorm1d in training mode: batch stats, biased variance
    m = jnp.mean(x, axis=0)
    v = jnp.var(x, axis=0)
    return g * (x - m) * jax.lax.rsqrt(v + 1e-5) + beta


def reference(x, edge_index, edge_attr, batch,
              W1, b1, g1, bt1, W2, b2, g2, bt2, W3, b3, g3, bt3):
    src = edge_index[0]
    dst = edge_index[1]
    h = jax.nn.sigmoid(_bn(_gcn_conv(x, W1, b1, src, dst), g1, bt1))
    h = jax.nn.sigmoid(_bn(_gcn_conv(h, W2, b2, src, dst), g2, bt2))
    h = jax.nn.sigmoid(_bn(_gcn_conv(h, W3, b3, src, dst), g3, bt3))
    sums = jax.ops.segment_sum(h, batch, num_segments=G)
    cnt = jax.ops.segment_sum(jnp.ones((N,), h.dtype), batch, num_segments=G)
    return sums / jnp.maximum(cnt, 1.0)[:, None]

if __name__ == "__main__":
    import jax
    _d = setup_inputs()
    print(jax.jit(kernel)(*tuple(_d.values())))

</pallas_src>

<mosaic_0001>
#map = affine_map<(d0, d1) -> (0, 0)>
#map1 = affine_map<(d0, d1) -> (0, 0, 0)>
module attributes {stable_mosaic.version = 14 : i64} {
  func.func @_edge_body(%arg0: i32, %arg1: i32, %arg2: memref<10000x128xf32, #tpu.memory_space<hbm>>, %arg3: memref<32x80x128xi32, #tpu.memory_space<hbm>>, %arg4: memref<32x80x128xi32, #tpu.memory_space<hbm>>, %arg5: memref<2x10112x128xf32, #tpu.memory_space<hbm>>, %arg6: memref<40x128xi32, #tpu.memory_space<vmem>>, %arg7: memref<40x128xi32, #tpu.memory_space<vmem>>, %arg8: memref<128x128xf32, #tpu.memory_space<vmem>>, %arg9: memref<128x128xf32, #tpu.memory_space<vmem>>, %arg10: memref<!tpu.dma_semaphore, #tpu.memory_space<semaphore_mem>>, %arg11: memref<!tpu.dma_semaphore, #tpu.memory_space<semaphore_mem>>, %arg12: memref<10112x128xf32, #tpu.memory_space<vmem_shared>>) attributes {dimension_semantics = [#tpu.dimension_semantics<core_parallel>, #tpu.dimension_semantics<subcore_parallel>], iteration_bounds = array<i64: 2, 16>, scalar_prefetch = 0 : i64, scratch_operands = 7 : i64, tpu.core_type = #tpu.core_type<sc_vector_subcore>, window_params = [{transform_indices = #map}, {transform_indices = #map1}, {transform_indices = #map1}, {transform_indices = #map1}]} {
    %mul3A = arith.constant 2 : i32
    %mul3A_0 = arith.muli %arg1, %mul3A : i32
    %add3A = arith.addi %mul3A_0, %arg0 : i32
    %scan3A = arith.constant 0 : i32
    %scan3A_1 = arith.constant 0 : i32
    %scan3A_2 = arith.constant 1024 : i32
    %scan3A_3 = arith.addi %scan3A_1, %scan3A_2 : i32
    %scan3A_4 = arith.constant 1 : i32
    scf.for %scan3A_44 = %scan3A_1 to %scan3A_3 step %scan3A_4  : i32 {
      %jit3A = arith.constant 8 : i32
      %div3A = arith.divsi %scan3A_44, %jit3A : i32
      %sign3A = arith.constant 0 : i32
      %sign3A_45 = arith.cmpi sgt, %scan3A_44, %sign3A : i32
      %sign3A_46 = arith.extui %sign3A_45 : i1 to i32
      %sign3A_47 = arith.constant 0 : i32
      %sign3A_48 = arith.cmpi slt, %scan3A_44, %sign3A_47 : i32
      %sign3A_49 = arith.extui %sign3A_48 : i1 to i32
      %sign3A_50 = arith.subi %sign3A_46, %sign3A_49 : i32
      %sign3A_51 = arith.constant 0 : i32
      %sign3A_52 = arith.cmpi sgt, %jit3A, %sign3A_51 : i32
      %sign3A_53 = arith.extui %sign3A_52 : i1 to i32
      %sign3A_54 = arith.constant 0 : i32
      %sign3A_55 = arith.cmpi slt, %jit3A, %sign3A_54 : i32
      %sign3A_56 = arith.extui %sign3A_55 : i1 to i32
      %sign3A_57 = arith.subi %sign3A_53, %sign3A_56 : i32
      %ne3A = arith.cmpi ne, %sign3A_50, %sign3A_57 : i32
      %rem3A = arith.remsi %scan3A_44, %jit3A : i32
      %ne3A_58 = arith.constant 0 : i32
      %ne3A_59 = arith.cmpi ne, %rem3A, %ne3A_58 : i32
      %and3A = arith.andi %ne3A, %ne3A_59 : i1
      %sub3A = arith.constant 1 : i32
      %sub3A_60 = arith.subi %div3A, %sub3A : i32
      %select_n3A = arith.select %and3A, %sub3A_60, %div3A : i32
      %jit3A_61 = arith.constant 8 : i32
      %eq3A = arith.constant 0 : i32
      %eq3A_62 = arith.cmpi eq, %jit3A_61, %eq3A : i32
      %jit3A_63 = arith.constant 1 : i32
      %select_n3A_64 = arith.select %eq3A_62, %jit3A_63, %jit3A_61 : i32
      %rem3A_65 = arith.remsi %scan3A_44, %select_n3A_64 : i32
      %ne3A_66 = arith.constant 0 : i32
      %ne3A_67 = arith.cmpi ne, %rem3A_65, %ne3A_66 : i32
      %lt3A = arith.constant 0 : i32
      %lt3A_68 = arith.cmpi slt, %rem3A_65, %lt3A : i32
      %lt3A_69 = arith.constant 0 : i32
      %lt3A_70 = arith.cmpi slt, %select_n3A_64, %lt3A_69 : i32
      %ne3A_71 = arith.xori %lt3A_68, %lt3A_70 : i1
      %and3A_72 = arith.andi %ne3A_71, %ne3A_67 : i1
      %add3A_73 = arith.addi %rem3A_65, %select_n3A_64 : i32
      %select_n3A_74 = arith.select %and3A_72, %add3A_73, %rem3A_65 : i32
      %mul3A_75 = arith.constant 16 : i32
      %mul3A_76 = arith.muli %select_n3A_74, %mul3A_75 : i32
      %broadcast_in_dim3A = arith.constant 0.000000e+00 : f32
      %broadcast_in_dim3A_77 = vector.broadcast %broadcast_in_dim3A : f32 to vector<16xf32>
      %swap3A = arith.index_cast %select_n3A : i32 to index
      %swap3A_78 = arith.index_cast %mul3A_76 : i32 to index
      %swap3A_79 = tpu.vector_load %arg8[%swap3A, %swap3A_78] {strides = array<i32>} : memref<128x128xf32, #tpu.memory_space<vmem>>, vector<1x16xf32>,
      %swap3A_80 = vector.shape_cast %swap3A_79 : vector<1x16xf32> to vector<16xf32>
      %swap3A_81 = vector.shape_cast %broadcast_in_dim3A_77 : vector<16xf32> to vector<1x16xf32>
      tpu.vector_store %arg8[%swap3A, %swap3A_78], %swap3A_81 {strides = array<i32>} : memref<128x128xf32, #tpu.memory_space<vmem>>, vector<1x16xf32>,
    }
    %scan3A_5 = arith.constant 1024 : i32
    %mul3A_6 = arith.constant 632 : i32
    %mul3A_7 = arith.muli %arg1, %mul3A_6 : i32
    %add3A_8 = arith.constant 0 : i32
    %add3A_9 = arith.addi %mul3A_7, %add3A_8 : i32
    "tpu.region"() ({
      %run_scoped3A = tpu.sem_alloc : memref<!tpu.dma_semaphore, #tpu.memory_space<semaphore_mem>>
      %dma_start3A_44 = arith.constant 0 : i32
      %dma_start3A_45 = arith.constant 0 : i32
      %dma_start3A_46 = tpu.memref_slice %arg8[%dma_start3A_44, %dma_start3A_45] : memref<128x128xf32, #tpu.memory_space<vmem>> -> memref<128x128xf32, #tpu.memory_space<vmem>>
      %dma_start3A_47 = arith.constant 0 : i32
      %dma_start3A_48 = tpu.memref_slice %arg12[%add3A_9, %dma_start3A_47] : memref<10112x128xf32, #tpu.memory_space<vmem_shared>> -> memref<128x128xf32, #tpu.memory_space<vmem_shared>>
      %dma_start3A_49 = arith.constant 0 : i32
      %dma_start3A_50 = tpu.memref_slice %arg12[%add3A_9, %dma_start3A_49] : memref<10112x128xf32, #tpu.memory_space<vmem_shared>> -> memref<128x128xf32, #tpu.memory_space<vmem_shared>>
      %dma_start3A_51 = arith.constant 0 : i32
      %dma_start3A_52 = arith.constant 0 : i32
      %dma_start3A_53 = tpu.memref_slice %arg8[%dma_start3A_51, %dma_start3A_52] : memref<128x128xf32, #tpu.memory_space<vmem>> -> memref<128x128xf32, #tpu.memory_space<vmem>>
      tpu.enqueue_dma source(%dma_start3A_53 : memref<128x128xf32, #tpu.memory_space<vmem>>) target(%dma_start3A_50 : memref<128x128xf32, #tpu.memory_space<vmem_shared>>) target_semaphore(%run_scoped3A : memref<!tpu.dma_semaphore, #tpu.memory_space<semaphore_mem>>)
      %dma_wait3A = arith.constant 0 : i32
      %dma_wait3A_54 = arith.constant 0 : i32
      %dma_wait3A_55 = tpu.memref_slice %arg8[%dma_wait3A, %dma_wait3A_54] : memref<128x128xf32, #tpu.memory_space<vmem>> -> memref<128x128xf32, #tpu.memory_space<vmem>>
      %dma_wait3A_56 = arith.constant 0 : i32
      %dma_wait3A_57 = tpu.memref_slice %arg12[%add3A_9, %dma_wait3A_56] : memref<10112x128xf32, #tpu.memory_space<vmem_shared>> -> memref<128x128xf32, #tpu.memory_space<vmem_shared>>
      %dma_wait3A_58 = arith.constant 0 : i32
      %dma_wait3A_59 = tpu.memref_slice %arg12[%add3A_9, %dma_wait3A_58] : memref<10112x128xf32, #tpu.memory_space<vmem_shared>> -> memref<128x128xf32, #tpu.memory_space<vmem_shared>>
      %dma_wait3A_60 = arith.constant 0 : i32
      %dma_wait3A_61 = arith.constant 0 : i32
      %dma_wait3A_62 = tpu.memref_slice %arg8[%dma_wait3A_60, %dma_wait3A_61] : memref<128x128xf32, #tpu.memory_space<vmem>> -> memref<128x128xf32, #tpu.memory_space<vmem>>
      tpu.wait_dma2 semaphore(%run_scoped3A : memref<!tpu.dma_semaphore, #tpu.memory_space<semaphore_mem>>) src(%dma_wait3A_62 : memref<128x128xf32, #tpu.memory_space<vmem>>) dst(%dma_wait3A_59 : memref<128x128xf32, #tpu.memory_space<vmem_shared>>)
      tpu.yield
    }) : () -> ()
    %add3A_10 = arith.constant 128 : i32
    %add3A_11 = arith.addi %mul3A_7, %add3A_10 : i32
    "tpu.region"() ({
      %run_scoped3A = tpu.sem_alloc : memref<!tpu.dma_semaphore, #tpu.memory_space<semaphore_mem>>
      %dma_start3A_44 = arith.constant 0 : i32
      %dma_start3A_45 = arith.constant 0 : i32
      %dma_start3A_46 = tpu.memref_slice %arg8[%dma_start3A_44, %dma_start3A_45] : memref<128x128xf32, #tpu.memory_space<vmem>> -> memref<128x128xf32, #tpu.memory_space<vmem>>
      %dma_start3A_47 = arith.constant 0 : i32
      %dma_start3A_48 = tpu.memref_slice %arg12[%add3A_11, %dma_start3A_47] : memref<10112x128xf32, #tpu.memory_space<vmem_shared>> -> memref<128x128xf32, #tpu.memory_space<vmem_shared>>
      %dma_start3A_49 = arith.constant 0 : i32
      %dma_start3A_50 = tpu.memref_slice %arg12[%add3A_11, %dma_start3A_49] : memref<10112x128xf32, #tpu.memory_space<vmem_shared>> -> memref<128x128xf32, #tpu.memory_space<vmem_shared>>
      %dma_start3A_51 = arith.constant 0 : i32
      %dma_start3A_52 = arith.constant 0 : i32
      %dma_start3A_53 = tpu.memref_slice %arg8[%dma_start3A_51, %dma_start3A_52] : memref<128x128xf32, #tpu.memory_space<vmem>> -> memref<128x128xf32, #tpu.memory_space<vmem>>
      tpu.enqueue_dma source(%dma_start3A_53 : memref<128x128xf32, #tpu.memory_space<vmem>>) target(%dma_start3A_50 : memref<128x128xf32, #tpu.memory_space<vmem_shared>>) target_semaphore(%run_scoped3A : memref<!tpu.dma_semaphore, #tpu.memory_space<semaphore_mem>>)
      %dma_wait3A = arith.constant 0 : i32
      %dma_wait3A_54 = arith.constant 0 : i32
      %dma_wait3A_55 = tpu.memref_slice %arg8[%dma_wait3A, %dma_wait3A_54] : memref<128x128xf32, #tpu.memory_space<vmem>> -> memref<128x128xf32, #tpu.memory_space<vmem>>
      %dma_wait3A_56 = arith.constant 0 : i32
      %dma_wait3A_57 = tpu.memref_slice %arg12[%add3A_11, %dma_wait3A_56] : memref<10112x128xf32, #tpu.memory_space<vmem_shared>> -> memref<128x128xf32, #tpu.memory_space<vmem_shared>>
      %dma_wait3A_58 = arith.constant 0 : i32
      %dma_wait3A_59 = tpu.memref_slice %arg12[%add3A_11, %dma_wait3A_58] : memref<10112x128xf32, #tpu.memory_space<vmem_shared>> -> memref<128x128xf32, #tpu.memory_space<vmem_shared>>
      %dma_wait3A_60 = arith.constant 0 : i32
      %dma_wait3A_61 = arith.constant 0 : i32
      %dma_wait3A_62 = tpu.memref_slice %arg8[%dma_wait3A_60, %dma_wait3A_61] : memref<128x128xf32, #tpu.memory_space<vmem>> -> memref<128x128xf32, #tpu.memory_space<vmem>>
      tpu.wait_dma2 semaphore(%run_scoped3A : memref<!tpu.dma_semaphore, #tpu.memory_space<semaphore_mem>>) src(%dma_wait3A_62 : memref<128x128xf32, #tpu.memory_space<vmem>>) dst(%dma_wait3A_59 : memref<128x128xf32, #tpu.memory_space<vmem_shared>>)
      tpu.yield
    }) : () -> ()
    %add3A_12 = arith.constant 256 : i32
    %add3A_13 = arith.addi %mul3A_7, %add3A_12 : i32
    "tpu.region"() ({
      %run_scoped3A = tpu.sem_alloc : memref<!tpu.dma_semaphore, #tpu.memory_space<semaphore_mem>>
      %dma_start3A_44 = arith.constant 0 : i32
      %dma_start3A_45 = arith.constant 0 : i32
      %dma_start3A_46 = tpu.memref_slice %arg8[%dma_start3A_44, %dma_start3A_45] : memref<128x128xf32, #tpu.memory_space<vmem>> -> memref<128x128xf32, #tpu.memory_space<vmem>>
      %dma_start3A_47 = arith.constant 0 : i32
      %dma_start3A_48 = tpu.memref_slice %arg12[%add3A_13, %dma_start3A_47] : memref<10112x128xf32, #tpu.memory_space<vmem_shared>> -> memref<128x128xf32, #tpu.memory_space<vmem_shared>>
      %dma_start3A_49 = arith.constant 0 : i32
      %dma_start3A_50 = tpu.memref_slice %arg12[%add3A_13, %dma_start3A_49] : memref<10112x128xf32, #tpu.memory_space<vmem_shared>> -> memref<128x128xf32, #tpu.memory_space<vmem_shared>>
      %dma_start3A_51 = arith.constant 0 : i32
      %dma_start3A_52 = arith.constant 0 : i32
      %dma_start3A_53 = tpu.memref_slice %arg8[%dma_start3A_51, %dma_start3A_52] : memref<128x128xf32, #tpu.memory_space<vmem>> -> memref<128x128xf32, #tpu.memory_space<vmem>>
      tpu.enqueue_dma source(%dma_start3A_53 : memref<128x128xf32, #tpu.memory_space<vmem>>) target(%dma_start3A_50 : memref<128x128xf32, #tpu.memory_space<vmem_shared>>) target_semaphore(%run_scoped3A : memref<!tpu.dma_semaphore, #tpu.memory_space<semaphore_mem>>)
      %dma_wait3A = arith.constant 0 : i32
      %dma_wait3A_54 = arith.constant 0 : i32
      %dma_wait3A_55 = tpu.memref_slice %arg8[%dma_wait3A, %dma_wait3A_54] : memref<128x128xf32, #tpu.memory_space<vmem>> -> memref<128x128xf32, #tpu.memory_space<vmem>>
      %dma_wait3A_56 = arith.constant 0 : i32
      %dma_wait3A_57 = tpu.memref_slice %arg12[%add3A_13, %dma_wait3A_56] : memref<10112x128xf32, #tpu.memory_space<vmem_shared>> -> memref<128x128xf32, #tpu.memory_space<vmem_shared>>
      %dma_wait3A_58 = arith.constant 0 : i32
      %dma_wait3A_59 = tpu.memref_slice %arg12[%add3A_13, %dma_wait3A_58] : memref<10112x128xf32, #tpu.memory_space<vmem_shared>> -> memref<128x128xf32, #tpu.memory_space<vmem_shared>>
      %dma_wait3A_60 = arith.constant 0 : i32
      %dma_wait3A_61 = arith.constant 0 : i32
      %dma_wait3A_62 = tpu.memref_slice %arg8[%dma_wait3A_60, %dma_wait3A_61] : memref<128x128xf32, #tpu.memory_space<vmem>> -> memref<128x128xf32, #tpu.memory_space<vmem>>
      tpu.wait_dma2 semaphore(%run_scoped3A : memref<!tpu.dma_semaphore, #tpu.memory_space<semaphore_mem>>) src(%dma_wait3A_62 : memref<128x128xf32, #tpu.memory_space<vmem>>) dst(%dma_wait3A_59 : memref<128x128xf32, #tpu.memory_space<vmem_shared>>)
      tpu.yield
    }) : () -> ()
    %add3A_14 = arith.constant 384 : i32
    %add3A_15 = arith.addi %mul3A_7, %add3A_14 : i32
    "tpu.region"() ({
      %run_scoped3A = tpu.sem_alloc : memref<!tpu.dma_semaphore, #tpu.memory_space<semaphore_mem>>
      %dma_start3A_44 = arith.constant 0 : i32
      %dma_start3A_45 = arith.constant 0 : i32
      %dma_start3A_46 = tpu.memref_slice %arg8[%dma_start3A_44, %dma_start3A_45] : memref<128x128xf32, #tpu.memory_space<vmem>> -> memref<128x128xf32, #tpu.memory_space<vmem>>
      %dma_start3A_47 = arith.constant 0 : i32
      %dma_start3A_48 = tpu.memref_slice %arg12[%add3A_15, %dma_start3A_47] : memref<10112x128xf32, #tpu.memory_space<vmem_shared>> -> memref<128x128xf32, #tpu.memory_space<vmem_shared>>
      %dma_start3A_49 = arith.constant 0 : i32
      %dma_start3A_50 = tpu.memref_slice %arg12[%add3A_15, %dma_start3A_49] : memref<10112x128xf32, #tpu.memory_space<vmem_shared>> -> memref<128x128xf32, #tpu.memory_space<vmem_shared>>
      %dma_start3A_51 = arith.constant 0 : i32
      %dma_start3A_52 = arith.constant 0 : i32
      %dma_start3A_53 = tpu.memref_slice %arg8[%dma_start3A_51, %dma_start3A_52] : memref<128x128xf32, #tpu.memory_space<vmem>> -> memref<128x128xf32, #tpu.memory_space<vmem>>
      tpu.enqueue_dma source(%dma_start3A_53 : memref<128x128xf32, #tpu.memory_space<vmem>>) target(%dma_start3A_50 : memref<128x128xf32, #tpu.memory_space<vmem_shared>>) target_semaphore(%run_scoped3A : memref<!tpu.dma_semaphore, #tpu.memory_space<semaphore_mem>>)
      %dma_wait3A = arith.constant 0 : i32
      %dma_wait3A_54 = arith.constant 0 : i32
      %dma_wait3A_55 = tpu.memref_slice %arg8[%dma_wait3A, %dma_wait3A_54] : memref<128x128xf32, #tpu.memory_space<vmem>> -> memref<128x128xf32, #tpu.memory_space<vmem>>
      %dma_wait3A_56 = arith.constant 0 : i32
      %dma_wait3A_57 = tpu.memref_slice %arg12[%add3A_15, %dma_wait3A_56] : memref<10112x128xf32, #tpu.memory_space<vmem_shared>> -> memref<128x128xf32, #tpu.memory_space<vmem_shared>>
      %dma_wait3A_58 = arith.constant 0 : i32
      %dma_wait3A_59 = tpu.memref_slice %arg12[%add3A_15, %dma_wait3A_58] : memref<10112x128xf32, #tpu.memory_space<vmem_shared>> -> memref<128x128xf32, #tpu.memory_space<vmem_shared>>
      %dma_wait3A_60 = arith.constant 0 : i32
      %dma_wait3A_61 = arith.constant 0 : i32
      %dma_wait3A_62 = tpu.memref_slice %arg8[%dma_wait3A_60, %dma_wait3A_61] : memref<128x128xf32, #tpu.memory_space<vmem>> -> memref<128x128xf32, #tpu.memory_space<vmem>>
      tpu.wait_dma2 semaphore(%run_scoped3A : memref<!tpu.dma_semaphore, #tpu.memory_space<semaphore_mem>>) src(%dma_wait3A_62 : memref<128x128xf32, #tpu.memory_space<vmem>>) dst(%dma_wait3A_59 : memref<128x128xf32, #tpu.memory_space<vmem_shared>>)
      tpu.yield
    }) : () -> ()
    %add3A_16 = arith.constant 512 : i32
    %add3A_17 = arith.addi %mul3A_7, %add3A_16 : i32
    "tpu.region"() ({
      %run_scoped3A = tpu.sem_alloc : memref<!tpu.dma_semaphore, #tpu.memory_space<semaphore_mem>>
      %dma_start3A_44 = arith.constant 0 : i32
      %dma_start3A_45 = arith.constant 0 : i32
      %dma_start3A_46 = tpu.memref_slice %arg8[%dma_start3A_44, %dma_start3A_45] : memref<128x128xf32, #tpu.memory_space<vmem>> -> memref<120x128xf32, #tpu.memory_space<vmem>>
      %dma_start3A_47 = arith.constant 0 : i32
      %dma_start3A_48 = tpu.memref_slice %arg12[%add3A_17, %dma_start3A_47] : memref<10112x128xf32, #tpu.memory_space<vmem_shared>> -> memref<120x128xf32, #tpu.memory_space<vmem_shared>>
      %dma_start3A_49 = arith.constant 0 : i32
      %dma_start3A_50 = tpu.memref_slice %arg12[%add3A_17, %dma_start3A_49] : memref<10112x128xf32, #tpu.memory_space<vmem_shared>> -> memref<120x128xf32, #tpu.memory_space<vmem_shared>>
      %dma_start3A_51 = arith.constant 0 : i32
      %dma_start3A_52 = arith.constant 0 : i32
      %dma_start3A_53 = tpu.memref_slice %arg8[%dma_start3A_51, %dma_start3A_52] : memref<128x128xf32, #tpu.memory_space<vmem>> -> memref<120x128xf32, #tpu.memory_space<vmem>>
      tpu.enqueue_dma source(%dma_start3A_53 : memref<120x128xf32, #tpu.memory_space<vmem>>) target(%dma_start3A_50 : memref<120x128xf32, #tpu.memory_space<vmem_shared>>) target_semaphore(%run_scoped3A : memref<!tpu.dma_semaphore, #tpu.memory_space<semaphore_mem>>)
      %dma_wait3A = arith.constant 0 : i32
      %dma_wait3A_54 = arith.constant 0 : i32
      %dma_wait3A_55 = tpu.memref_slice %arg8[%dma_wait3A, %dma_wait3A_54] : memref<128x128xf32, #tpu.memory_space<vmem>> -> memref<120x128xf32, #tpu.memory_space<vmem>>
      %dma_wait3A_56 = arith.constant 0 : i32
      %dma_wait3A_57 = tpu.memref_slice %arg12[%add3A_17, %dma_wait3A_56] : memref<10112x128xf32, #tpu.memory_space<vmem_shared>> -> memref<120x128xf32, #tpu.memory_space<vmem_shared>>
      %dma_wait3A_58 = arith.constant 0 : i32
      %dma_wait3A_59 = tpu.memref_slice %arg12[%add3A_17, %dma_wait3A_58] : memref<10112x128xf32, #tpu.memory_space<vmem_shared>> -> memref<120x128xf32, #tpu.memory_space<vmem_shared>>
      %dma_wait3A_60 = arith.constant 0 : i32
      %dma_wait3A_61 = arith.constant 0 : i32
      %dma_wait3A_62 = tpu.memref_slice %arg8[%dma_wait3A_60, %dma_wait3A_61] : memref<128x128xf32, #tpu.memory_space<vmem>> -> memref<120x128xf32, #tpu.memory_space<vmem>>
      tpu.wait_dma2 semaphore(%run_scoped3A : memref<!tpu.dma_semaphore, #tpu.memory_space<semaphore_mem>>) src(%dma_wait3A_62 : memref<120x128xf32, #tpu.memory_space<vmem>>) dst(%dma_wait3A_59 : memref<120x128xf32, #tpu.memory_space<vmem_shared>>)
      tpu.yield
    }) : () -> ()
    %barrier3A = arith.constant 0 : index
    tpu.barrier barrier_id(%barrier3A)
    "tpu.region"() ({
      %run_scoped3A = tpu.sem_alloc : memref<!tpu.dma_semaphore, #tpu.memory_space<semaphore_mem>>
      %dma_start3A_44 = arith.constant 0 : i32
      %dma_start3A_45 = arith.constant 0 : i32
      %dma_start3A_46 = tpu.memref_slice %arg3[%add3A, %dma_start3A_44, %dma_start3A_45] : memref<32x80x128xi32, #tpu.memory_space<hbm>> -> memref<1x40x128xi32, #tpu.memory_space<hbm>>
      %dma_start3A_47 = tpu.memref_squeeze %dma_start3A_46 : memref<1x40x128xi32, #tpu.memory_space<hbm>> -> memref<40x128xi32, #tpu.memory_space<hbm>>
      %dma_start3A_48 = arith.constant 0 : i32
      %dma_start3A_49 = arith.constant 0 : i32
      %dma_start3A_50 = tpu.memref_slice %arg3[%add3A, %dma_start3A_48, %dma_start3A_49] : memref<32x80x128xi32, #tpu.memory_space<hbm>> -> memref<1x40x128xi32, #tpu.memory_space<hbm>>
      %dma_start3A_51 = tpu.memref_squeeze %dma_start3A_50 : memref<1x40x128xi32, #tpu.memory_space<hbm>> -> memref<40x128xi32, #tpu.memory_space<hbm>>
      tpu.enqueue_dma source(%dma_start3A_51 : memref<40x128xi32, #tpu.memory_space<hbm>>) target(%arg6 : memref<40x128xi32, #tpu.memory_space<vmem>>) target_semaphore(%run_scoped3A : memref<!tpu.dma_semaphore, #tpu.memory_space<semaphore_mem>>)
      %dma_wait3A = arith.constant 0 : i32
      %dma_wait3A_52 = arith.constant 0 : i32
      %dma_wait3A_53 = tpu.memref_slice %arg3[%add3A, %dma_wait3A, %dma_wait3A_52] : memref<32x80x128xi32, #tpu.memory_space<hbm>> -> memref<1x40x128xi32, #tpu.memory_space<hbm>>
      %dma_wait3A_54 = tpu.memref_squeeze %dma_wait3A_53 : memref<1x40x128xi32, #tpu.memory_space<hbm>> -> memref<40x128xi32, #tpu.memory_space<hbm>>
      %dma_wait3A_55 = arith.constant 0 : i32
      %dma_wait3A_56 = arith.constant 0 : i32
      %dma_wait3A_57 = tpu.memref_slice %arg3[%add3A, %dma_wait3A_55, %dma_wait3A_56] : memref<32x80x128xi32, #tpu.memory_space<hbm>> -> memref<1x40x128xi32, #tpu.memory_space<hbm>>
      %dma_wait3A_58 = tpu.memref_squeeze %dma_wait3A_57 : memref<1x40x128xi32, #tpu.memory_space<hbm>> -> memref<40x128xi32, #tpu.memory_space<hbm>>
      tpu.wait_dma2 semaphore(%run_scoped3A : memref<!tpu.dma_semaphore, #tpu.memory_space<semaphore_mem>>) src(%dma_wait3A_58 : memref<40x128xi32, #tpu.memory_space<hbm>>) dst(%arg6 : memref<40x128xi32, #tpu.memory_space<vmem>>)
      tpu.yield
    }) : () -> ()
    "tpu.region"() ({
      %run_scoped3A = tpu.sem_alloc : memref<!tpu.dma_semaphore, #tpu.memory_space<semaphore_mem>>
      %dma_start3A_44 = arith.constant 0 : i32
      %dma_start3A_45 = arith.constant 0 : i32
      %dma_start3A_46 = tpu.memref_slice %arg4[%add3A, %dma_start3A_44, %dma_start3A_45] : memref<32x80x128xi32, #tpu.memory_space<hbm>> -> memref<1x40x128xi32, #tpu.memory_space<hbm>>
      %dma_start3A_47 = tpu.memref_squeeze %dma_start3A_46 : memref<1x40x128xi32, #tpu.memory_space<hbm>> -> memref<40x128xi32, #tpu.memory_space<hbm>>
      %dma_start3A_48 = arith.constant 0 : i32
      %dma_start3A_49 = arith.constant 0 : i32
      %dma_start3A_50 = tpu.memref_slice %arg4[%add3A, %dma_start3A_48, %dma_start3A_49] : memref<32x80x128xi32, #tpu.memory_space<hbm>> -> memref<1x40x128xi32, #tpu.memory_space<hbm>>
      %dma_start3A_51 = tpu.memref_squeeze %dma_start3A_50 : memref<1x40x128xi32, #tpu.memory_space<hbm>> -> memref<40x128xi32, #tpu.memory_space<hbm>>
      tpu.enqueue_dma source(%dma_start3A_51 : memref<40x128xi32, #tpu.memory_space<hbm>>) target(%arg7 : memref<40x128xi32, #tpu.memory_space<vmem>>) target_semaphore(%run_scoped3A : memref<!tpu.dma_semaphore, #tpu.memory_space<semaphore_mem>>)
      %dma_wait3A = arith.constant 0 : i32
      %dma_wait3A_52 = arith.constant 0 : i32
      %dma_wait3A_53 = tpu.memref_slice %arg4[%add3A, %dma_wait3A, %dma_wait3A_52] : memref<32x80x128xi32, #tpu.memory_space<hbm>> -> memref<1x40x128xi32, #tpu.memory_space<hbm>>
      %dma_wait3A_54 = tpu.memref_squeeze %dma_wait3A_53 : memref<1x40x128xi32, #tpu.memory_space<hbm>> -> memref<40x128xi32, #tpu.memory_space<hbm>>
      %dma_wait3A_55 = arith.constant 0 : i32
      %dma_wait3A_56 = arith.constant 0 : i32
      %dma_wait3A_57 = tpu.memref_slice %arg4[%add3A, %dma_wait3A_55, %dma_wait3A_56] : memref<32x80x128xi32, #tpu.memory_space<hbm>> -> memref<1x40x128xi32, #tpu.memory_space<hbm>>
      %dma_wait3A_58 = tpu.memref_squeeze %dma_wait3A_57 : memref<1x40x128xi32, #tpu.memory_space<hbm>> -> memref<40x128xi32, #tpu.memory_space<hbm>>
      tpu.wait_dma2 semaphore(%run_scoped3A : memref<!tpu.dma_semaphore, #tpu.memory_space<semaphore_mem>>) src(%dma_wait3A_58 : memref<40x128xi32, #tpu.memory_space<hbm>>) dst(%arg7 : memref<40x128xi32, #tpu.memory_space<vmem>>)
      tpu.yield
    }) : () -> ()
    %dma_start3A = arith.constant 0 : i32
    %dma_start3A_18 = arith.constant 0 : i32
    %dma_start3A_19 = tpu.memref_slice %arg6[%dma_start3A, %dma_start3A_18] : memref<40x128xi32, #tpu.memory_space<vmem>> -> memref<1x128xi32, #tpu.memory_space<vmem>>
    %dma_start3A_20 = tpu.memref_squeeze %dma_start3A_19 : memref<1x128xi32, #tpu.memory_space<vmem>> -> memref<128xi32, #tpu.memory_space<vmem>>
    %dma_start3A_21 = arith.constant 0 : i32
    %dma_start3A_22 = arith.constant 0 : i32
    %dma_start3A_23 = tpu.memref_slice %arg2[%dma_start3A_21, %dma_start3A_22] : memref<10000x128xf32, #tpu.memory_space<hbm>> -> memref<10000x128xf32, #tpu.memory_space<hbm>>
    tpu.enqueue_indirect_dma source(%dma_start3A_23 : memref<10000x128xf32, #tpu.memory_space<hbm>>) target(%arg8 : memref<128x128xf32, #tpu.memory_space<vmem>>) offsets(%dma_start3A_20 : memref<128xi32, #tpu.memory_space<vmem>>) semaphore(%arg10 : memref<!tpu.dma_semaphore, #tpu.memory_space<semaphore_mem>>)
    %scan3A_24 = arith.constant 0 : i32
    %scan3A_25 = arith.constant 0 : i32
    %scan3A_26 = arith.constant 20 : i32
    %scan3A_27 = arith.addi %scan3A_25, %scan3A_26 : i32
    %scan3A_28 = arith.constant 1 : i32
    scf.for %scan3A_44 = %scan3A_25 to %scan3A_27 step %scan3A_28  : i32 {
      %mul3A_45 = arith.constant 2 : i32
      %mul3A_46 = arith.muli %mul3A_45, %scan3A_44 : i32
      %dma_wait3A = arith.constant 0 : i32
      %dma_wait3A_47 = tpu.memref_slice %arg6[%mul3A_46, %dma_wait3A] : memref<40x128xi32, #tpu.memory_space<vmem>> -> memref<1x128xi32, #tpu.memory_space<vmem>>
      %dma_wait3A_48 = tpu.memref_squeeze %dma_wait3A_47 : memref<1x128xi32, #tpu.memory_space<vmem>> -> memref<128xi32, #tpu.memory_space<vmem>>
      %dma_wait3A_49 = arith.constant 0 : i32
      %dma_wait3A_50 = arith.constant 0 : i32
      %dma_wait3A_51 = tpu.memref_slice %arg2[%dma_wait3A_49, %dma_wait3A_50] : memref<10000x128xf32, #tpu.memory_space<hbm>> -> memref<10000x128xf32, #tpu.memory_space<hbm>>
      tpu.wait_indirect_dma semaphore(%arg10 : memref<!tpu.dma_semaphore, #tpu.memory_space<semaphore_mem>>) src(%dma_wait3A_51 : memref<10000x128xf32, #tpu.memory_space<hbm>>) dst(%arg8 : memref<128x128xf32, #tpu.memory_space<vmem>>)
      %add3A_52 = arith.constant 1 : i32
      %add3A_53 = arith.addi %mul3A_46, %add3A_52 : i32
      %dma_start3A_54 = arith.constant 0 : i32
      %dma_start3A_55 = tpu.memref_slice %arg6[%add3A_53, %dma_start3A_54] : memref<40x128xi32, #tpu.memory_space<vmem>> -> memref<1x128xi32, #tpu.memory_space<vmem>>
      %dma_start3A_56 = tpu.memref_squeeze %dma_start3A_55 : memref<1x128xi32, #tpu.memory_space<vmem>> -> memref<128xi32, #tpu.memory_space<vmem>>
      %dma_start3A_57 = arith.constant 0 : i32
      %dma_start3A_58 = arith.constant 0 : i32
      %dma_start3A_59 = tpu.memref_slice %arg2[%dma_start3A_57, %dma_start3A_58] : memref<10000x128xf32, #tpu.memory_space<hbm>> -> memref<10000x128xf32, #tpu.memory_space<hbm>>
      tpu.enqueue_indirect_dma source(%dma_start3A_59 : memref<10000x128xf32, #tpu.memory_space<hbm>>) target(%arg9 : memref<128x128xf32, #tpu.memory_space<vmem>>) offsets(%dma_start3A_56 : memref<128xi32, #tpu.memory_space<vmem>>) semaphore(%arg11 : memref<!tpu.dma_semaphore, #tpu.memory_space<semaphore_mem>>)
      "tpu.region"() ({
        %run_scoped3A = tpu.sem_alloc : memref<!tpu.dma_semaphore, #tpu.memory_space<semaphore_mem>>
        %dma_start3A_72 = arith.constant 0 : i32
        %dma_start3A_73 = tpu.memref_slice %arg7[%mul3A_46, %dma_start3A_72] : memref<40x128xi32, #tpu.memory_space<vmem>> -> memref<1x128xi32, #tpu.memory_space<vmem>>
        %dma_start3A_74 = tpu.memref_squeeze %dma_start3A_73 : memref<1x128xi32, #tpu.memory_space<vmem>> -> memref<128xi32, #tpu.memory_space<vmem>>
        %dma_start3A_75 = arith.constant 0 : i32
        %dma_start3A_76 = arith.constant 0 : i32
        %dma_start3A_77 = tpu.memref_slice %arg12[%dma_start3A_75, %dma_start3A_76] : memref<10112x128xf32, #tpu.memory_space<vmem_shared>> -> memref<10112x128xf32, #tpu.memory_space<vmem_shared>>
        tpu.enqueue_indirect_dma source(%arg8 : memref<128x128xf32, #tpu.memory_space<vmem>>) target(%dma_start3A_77 : memref<10112x128xf32, #tpu.memory_space<vmem_shared>>) offsets(%dma_start3A_74 : memref<128xi32, #tpu.memory_space<vmem>>) semaphore(%run_scoped3A : memref<!tpu.dma_semaphore, #tpu.memory_space<semaphore_mem>>) {add = true}
        %dma_wait3A_78 = arith.constant 0 : i32
        %dma_wait3A_79 = tpu.memref_slice %arg7[%mul3A_46, %dma_wait3A_78] : memref<40x128xi32, #tpu.memory_space<vmem>> -> memref<1x128xi32, #tpu.memory_space<vmem>>
        %dma_wait3A_80 = tpu.memref_squeeze %dma_wait3A_79 : memref<1x128xi32, #tpu.memory_space<vmem>> -> memref<128xi32, #tpu.memory_space<vmem>>
        %dma_wait3A_81 = arith.constant 0 : i32
        %dma_wait3A_82 = arith.constant 0 : i32
        %dma_wait3A_83 = tpu.memref_slice %arg12[%dma_wait3A_81, %dma_wait3A_82] : memref<10112x128xf32, #tpu.memory_space<vmem_shared>> -> memref<10112x128xf32, #tpu.memory_space<vmem_shared>>
        tpu.wait_indirect_dma semaphore(%run_scoped3A : memref<!tpu.dma_semaphore, #tpu.memory_space<semaphore_mem>>) src(%arg8 : memref<128x128xf32, #tpu.memory_space<vmem>>) dst(%dma_wait3A_83 : memref<10112x128xf32, #tpu.memory_space<vmem_shared>>)
        tpu.yield
      }) : () -> ()
      %add3A_60 = arith.constant 1 : i32
      %add3A_61 = arith.addi %mul3A_46, %add3A_60 : i32
      %dma_wait3A_62 = arith.constant 0 : i32
      %dma_wait3A_63 = tpu.memref_slice %arg6[%add3A_61, %dma_wait3A_62] : memref<40x128xi32, #tpu.memory_space<vmem>> -> memref<1x128xi32, #tpu.memory_space<vmem>>
      %dma_wait3A_64 = tpu.memref_squeeze %dma_wait3A_63 : memref<1x128xi32, #tpu.memory_space<vmem>> -> memref<128xi32, #tpu.memory_space<vmem>>
      %dma_wait3A_65 = arith.constant 0 : i32
      %dma_wait3A_66 = arith.constant 0 : i32
      %dma_wait3A_67 = tpu.memref_slice %arg2[%dma_wait3A_65, %dma_wait3A_66] : memref<10000x128xf32, #tpu.memory_space<hbm>> -> memref<10000x128xf32, #tpu.memory_space<hbm>>
      tpu.wait_indirect_dma semaphore(%arg11 : memref<!tpu.dma_semaphore, #tpu.memory_space<semaphore_mem>>) src(%dma_wait3A_67 : memref<10000x128xf32, #tpu.memory_space<hbm>>) dst(%arg9 : memref<128x128xf32, #tpu.memory_space<vmem>>)
      %lt3A = arith.constant 19 : i32
      %lt3A_68 = arith.cmpi slt, %scan3A_44, %lt3A : i32
      %convert_element_type3A = arith.extui %lt3A_68 : i1 to i32
      %cond3A = arith.constant 0 : i32
      %cond3A_69 = arith.cmpi ne, %convert_element_type3A, %cond3A : i32
      scf.if %cond3A_69 {
        %add3A_72 = arith.constant 2 : i32
        %add3A_73 = arith.addi %mul3A_46, %add3A_72 : i32
        %dma_start3A_74 = arith.constant 0 : i32
        %dma_start3A_75 = tpu.memref_slice %arg6[%add3A_73, %dma_start3A_74] : memref<40x128xi32, #tpu.memory_space<vmem>> -> memref<1x128xi32, #tpu.memory_space<vmem>>
        %dma_start3A_76 = tpu.memref_squeeze %dma_start3A_75 : memref<1x128xi32, #tpu.memory_space<vmem>> -> memref<128xi32, #tpu.memory_space<vmem>>
        %dma_start3A_77 = arith.constant 0 : i32
        %dma_start3A_78 = arith.constant 0 : i32
        %dma_start3A_79 = tpu.memref_slice %arg2[%dma_start3A_77, %dma_start3A_78] : memref<10000x128xf32, #tpu.memory_space<hbm>> -> memref<10000x128xf32, #tpu.memory_space<hbm>>
        tpu.enqueue_indirect_dma source(%dma_start3A_79 : memref<10000x128xf32, #tpu.memory_space<hbm>>) target(%arg8 : memref<128x128xf32, #tpu.memory_space<vmem>>) offsets(%dma_start3A_76 : memref<128xi32, #tpu.memory_space<vmem>>) semaphore(%arg10 : memref<!tpu.dma_semaphore, #tpu.memory_space<semaphore_mem>>)
      } else {
      }
      %add3A_70 = arith.constant 1 : i32
      %add3A_71 = arith.addi %mul3A_46, %add3A_70 : i32
      "tpu.region"() ({
        %run_scoped3A = tpu.sem_alloc : memref<!tpu.dma_semaphore, #tpu.memory_space<semaphore_mem>>
        %dma_start3A_72 = arith.constant 0 : i32
        %dma_start3A_73 = tpu.memref_slice %arg7[%add3A_71, %dma_start3A_72] : memref<40x128xi32, #tpu.memory_space<vmem>> -> memref<1x128xi32, #tpu.memory_space<vmem>>
        %dma_start3A_74 = tpu.memref_squeeze %dma_start3A_73 : memref<1x128xi32, #tpu.memory_space<vmem>> -> memref<128xi32, #tpu.memory_space<vmem>>
        %dma_start3A_75 = arith.constant 0 : i32
        %dma_start3A_76 = arith.constant 0 : i32
        %dma_start3A_77 = tpu.memref_slice %arg12[%dma_start3A_75, %dma_start3A_76] : memref<10112x128xf32, #tpu.memory_space<vmem_shared>> -> memref<10112x128xf32, #tpu.memory_space<vmem_shared>>
        tpu.enqueue_indirect_dma source(%arg9 : memref<128x128xf32, #tpu.memory_space<vmem>>) target(%dma_start3A_77 : memref<10112x128xf32, #tpu.memory_space<vmem_shared>>) offsets(%dma_start3A_74 : memref<128xi32, #tpu.memory_space<vmem>>) semaphore(%run_scoped3A : memref<!tpu.dma_semaphore, #tpu.memory_space<semaphore_mem>>) {add = true}
        %dma_wait3A_78 = arith.constant 0 : i32
        %dma_wait3A_79 = tpu.memref_slice %arg7[%add3A_71, %dma_wait3A_78] : memref<40x128xi32, #tpu.memory_space<vmem>> -> memref<1x128xi32, #tpu.memory_space<vmem>>
        %dma_wait3A_80 = tpu.memref_squeeze %dma_wait3A_79 : memref<1x128xi32, #tpu.memory_space<vmem>> -> memref<128xi32, #tpu.memory_space<vmem>>
        %dma_wait3A_81 = arith.constant 0 : i32
        %dma_wait3A_82 = arith.constant 0 : i32
        %dma_wait3A_83 = tpu.memref_slice %arg12[%dma_wait3A_81, %dma_wait3A_82] : memref<10112x128xf32, #tpu.memory_space<vmem_shared>> -> memref<10112x128xf32, #tpu.memory_space<vmem_shared>>
        tpu.wait_indirect_dma semaphore(%run_scoped3A : memref<!tpu.dma_semaphore, #tpu.memory_space<semaphore_mem>>) src(%arg9 : memref<128x128xf32, #tpu.memory_space<vmem>>) dst(%dma_wait3A_83 : memref<10112x128xf32, #tpu.memory_space<vmem_shared>>)
        tpu.yield
      }) : () -> ()
    }
    %scan3A_29 = arith.constant 20 : i32
    "tpu.region"() ({
      %run_scoped3A = tpu.sem_alloc : memref<!tpu.dma_semaphore, #tpu.memory_space<semaphore_mem>>
      %dma_start3A_44 = arith.constant 40 : i32
      %dma_start3A_45 = arith.constant 0 : i32
      %dma_start3A_46 = tpu.memref_slice %arg3[%add3A, %dma_start3A_44, %dma_start3A_45] : memref<32x80x128xi32, #tpu.memory_space<hbm>> -> memref<1x40x128xi32, #tpu.memory_space<hbm>>
      %dma_start3A_47 = tpu.memref_squeeze %dma_start3A_46 : memref<1x40x128xi32, #tpu.memory_space<hbm>> -> memref<40x128xi32, #tpu.memory_space<hbm>>
      %dma_start3A_48 = arith.constant 40 : i32
      %dma_start3A_49 = arith.constant 0 : i32
      %dma_start3A_50 = tpu.memref_slice %arg3[%add3A, %dma_start3A_48, %dma_start3A_49] : memref<32x80x128xi32, #tpu.memory_space<hbm>> -> memref<1x40x128xi32, #tpu.memory_space<hbm>>
      %dma_start3A_51 = tpu.memref_squeeze %dma_start3A_50 : memref<1x40x128xi32, #tpu.memory_space<hbm>> -> memref<40x128xi32, #tpu.memory_space<hbm>>
      tpu.enqueue_dma source(%dma_start3A_51 : memref<40x128xi32, #tpu.memory_space<hbm>>) target(%arg6 : memref<40x128xi32, #tpu.memory_space<vmem>>) target_semaphore(%run_scoped3A : memref<!tpu.dma_semaphore, #tpu.memory_space<semaphore_mem>>)
      %dma_wait3A = arith.constant 40 : i32
      %dma_wait3A_52 = arith.constant 0 : i32
      %dma_wait3A_53 = tpu.memref_slice %arg3[%add3A, %dma_wait3A, %dma_wait3A_52] : memref<32x80x128xi32, #tpu.memory_space<hbm>> -> memref<1x40x128xi32, #tpu.memory_space<hbm>>
      %dma_wait3A_54 = tpu.memref_squeeze %dma_wait3A_53 : memref<1x40x128xi32, #tpu.memory_space<hbm>> -> memref<40x128xi32, #tpu.memory_space<hbm>>
      %dma_wait3A_55 = arith.constant 40 : i32
      %dma_wait3A_56 = arith.constant 0 : i32
      %dma_wait3A_57 = tpu.memref_slice %arg3[%add3A, %dma_wait3A_55, %dma_wait3A_56] : memref<32x80x128xi32, #tpu.memory_space<hbm>> -> memref<1x40x128xi32, #tpu.memory_space<hbm>>
      %dma_wait3A_58 = tpu.memref_squeeze %dma_wait3A_57 : memref<1x40x128xi32, #tpu.memory_space<hbm>> -> memref<40x128xi32, #tpu.memory_space<hbm>>
      tpu.wait_dma2 semaphore(%run_scoped3A : memref<!tpu.dma_semaphore, #tpu.memory_space<semaphore_mem>>) src(%dma_wait3A_58 : memref<40x128xi32, #tpu.memory_space<hbm>>) dst(%arg6 : memref<40x128xi32, #tpu.memory_space<vmem>>)
      tpu.yield
    }) : () -> ()
    "tpu.region"() ({
      %run_scoped3A = tpu.sem_alloc : memref<!tpu.dma_semaphore, #tpu.memory_space<semaphore_mem>>
      %dma_start3A_44 = arith.constant 40 : i32
      %dma_start3A_45 = arith.constant 0 : i32
      %dma_start3A_46 = tpu.memref_slice %arg4[%add3A, %dma_start3A_44, %dma_start3A_45] : memref<32x80x128xi32, #tpu.memory_space<hbm>> -> memref<1x40x128xi32, #tpu.memory_space<hbm>>
      %dma_start3A_47 = tpu.memref_squeeze %dma_start3A_46 : memref<1x40x128xi32, #tpu.memory_space<hbm>> -> memref<40x128xi32, #tpu.memory_space<hbm>>
      %dma_start3A_48 = arith.constant 40 : i32
      %dma_start3A_49 = arith.constant 0 : i32
      %dma_start3A_50 = tpu.memref_slice %arg4[%add3A, %dma_start3A_48, %dma_start3A_49] : memref<32x80x128xi32, #tpu.memory_space<hbm>> -> memref<1x40x128xi32, #tpu.memory_space<hbm>>
      %dma_start3A_51 = tpu.memref_squeeze %dma_start3A_50 : memref<1x40x128xi32, #tpu.memory_space<hbm>> -> memref<40x128xi32, #tpu.memory_space<hbm>>
      tpu.enqueue_dma source(%dma_start3A_51 : memref<40x128xi32, #tpu.memory_space<hbm>>) target(%arg7 : memref<40x128xi32, #tpu.memory_space<vmem>>) target_semaphore(%run_scoped3A : memref<!tpu.dma_semaphore, #tpu.memory_space<semaphore_mem>>)
      %dma_wait3A = arith.constant 40 : i32
      %dma_wait3A_52 = arith.constant 0 : i32
      %dma_wait3A_53 = tpu.memref_slice %arg4[%add3A, %dma_wait3A, %dma_wait3A_52] : memref<32x80x128xi32, #tpu.memory_space<hbm>> -> memref<1x40x128xi32, #tpu.memory_space<hbm>>
      %dma_wait3A_54 = tpu.memref_squeeze %dma_wait3A_53 : memref<1x40x128xi32, #tpu.memory_space<hbm>> -> memref<40x128xi32, #tpu.memory_space<hbm>>
      %dma_wait3A_55 = arith.constant 40 : i32
      %dma_wait3A_56 = arith.constant 0 : i32
      %dma_wait3A_57 = tpu.memref_slice %arg4[%add3A, %dma_wait3A_55, %dma_wait3A_56] : memref<32x80x128xi32, #tpu.memory_space<hbm>> -> memref<1x40x128xi32, #tpu.memory_space<hbm>>
      %dma_wait3A_58 = tpu.memref_squeeze %dma_wait3A_57 : memref<1x40x128xi32, #tpu.memory_space<hbm>> -> memref<40x128xi32, #tpu.memory_space<hbm>>
      tpu.wait_dma2 semaphore(%run_scoped3A : memref<!tpu.dma_semaphore, #tpu.memory_space<semaphore_mem>>) src(%dma_wait3A_58 : memref<40x128xi32, #tpu.memory_space<hbm>>) dst(%arg7 : memref<40x128xi32, #tpu.memory_space<vmem>>)
      tpu.yield
    }) : () -> ()
    %dma_start3A_30 = arith.constant 0 : i32
    %dma_start3A_31 = arith.constant 0 : i32
    %dma_start3A_32 = tpu.memref_slice %arg6[%dma_start3A_30, %dma_start3A_31] : memref<40x128xi32, #tpu.memory_space<vmem>> -> memref<1x128xi32, #tpu.memory_space<vmem>>
    %dma_start3A_33 = tpu.memref_squeeze %dma_start3A_32 : memref<1x128xi32, #tpu.memory_space<vmem>> -> memref<128xi32, #tpu.memory_space<vmem>>
    %dma_start3A_34 = arith.constant 0 : i32
    %dma_start3A_35 = arith.constant 0 : i32
    %dma_start3A_36 = tpu.memref_slice %arg2[%dma_start3A_34, %dma_start3A_35] : memref<10000x128xf32, #tpu.memory_space<hbm>> -> memref<10000x128xf32, #tpu.memory_space<hbm>>
    tpu.enqueue_indirect_dma source(%dma_start3A_36 : memref<10000x128xf32, #tpu.memory_space<hbm>>) target(%arg8 : memref<128x128xf32, #tpu.memory_space<vmem>>) offsets(%dma_start3A_33 : memref<128xi32, #tpu.memory_space<vmem>>) semaphore(%arg10 : memref<!tpu.dma_semaphore, #tpu.memory_space<semaphore_mem>>)
    %scan3A_37 = arith.constant 0 : i32
    %scan3A_38 = arith.constant 0 : i32
    %scan3A_39 = arith.constant 20 : i32
    %scan3A_40 = arith.addi %scan3A_38, %scan3A_39 : i32
    %scan3A_41 = arith.constant 1 : i32
    scf.for %scan3A_44 = %scan3A_38 to %scan3A_40 step %scan3A_41  : i32 {
      %mul3A_45 = arith.constant 2 : i32
      %mul3A_46 = arith.muli %mul3A_45, %scan3A_44 : i32
      %dma_wait3A = arith.constant 0 : i32
      %dma_wait3A_47 = tpu.memref_slice %arg6[%mul3A_46, %dma_wait3A] : memref<40x128xi32, #tpu.memory_space<vmem>> -> memref<1x128xi32, #tpu.memory_space<vmem>>
      %dma_wait3A_48 = tpu.memref_squeeze %dma_wait3A_47 : memref<1x128xi32, #tpu.memory_space<vmem>> -> memref<128xi32, #tpu.memory_space<vmem>>
      %dma_wait3A_49 = arith.constant 0 : i32
      %dma_wait3A_50 = arith.constant 0 : i32
      %dma_wait3A_51 = tpu.memref_slice %arg2[%dma_wait3A_49, %dma_wait3A_50] : memref<10000x128xf32, #tpu.memory_space<hbm>> -> memref<10000x128xf32, #tpu.memory_space<hbm>>
      tpu.wait_indirect_dma semaphore(%arg10 : memref<!tpu.dma_semaphore, #tpu.memory_space<semaphore_mem>>) src(%dma_wait3A_51 : memref<10000x128xf32, #tpu.memory_space<hbm>>) dst(%arg8 : memref<128x128xf32, #tpu.memory_space<vmem>>)
      %add3A_52 = arith.constant 1 : i32
      %add3A_53 = arith.addi %mul3A_46, %add3A_52 : i32
      %dma_start3A_54 = arith.constant 0 : i32
      %dma_start3A_55 = tpu.memref_slice %arg6[%add3A_53, %dma_start3A_54] : memref<40x128xi32, #tpu.memory_space<vmem>> -> memref<1x128xi32, #tpu.memory_space<vmem>>
      %dma_start3A_56 = tpu.memref_squeeze %dma_start3A_55 : memref<1x128xi32, #tpu.memory_space<vmem>> -> memref<128xi32, #tpu.memory_space<vmem>>
      %dma_start3A_57 = arith.constant 0 : i32
      %dma_start3A_58 = arith.constant 0 : i32
      %dma_start3A_59 = tpu.memref_slice %arg2[%dma_start3A_57, %dma_start3A_58] : memref<10000x128xf32, #tpu.memory_space<hbm>> -> memref<10000x128xf32, #tpu.memory_space<hbm>>
      tpu.enqueue_indirect_dma source(%dma_start3A_59 : memref<10000x128xf32, #tpu.memory_space<hbm>>) target(%arg9 : memref<128x128xf32, #tpu.memory_space<vmem>>) offsets(%dma_start3A_56 : memref<128xi32, #tpu.memory_space<vmem>>) semaphore(%arg11 : memref<!tpu.dma_semaphore, #tpu.memory_space<semaphore_mem>>)
      "tpu.region"() ({
        %run_scoped3A = tpu.sem_alloc : memref<!tpu.dma_semaphore, #tpu.memory_space<semaphore_mem>>
        %dma_start3A_72 = arith.constant 0 : i32
        %dma_start3A_73 = tpu.memref_slice %arg7[%mul3A_46, %dma_start3A_72] : memref<40x128xi32, #tpu.memory_space<vmem>> -> memref<1x128xi32, #tpu.memory_space<vmem>>
        %dma_start3A_74 = tpu.memref_squeeze %dma_start3A_73 : memref<1x128xi32, #tpu.memory_space<vmem>> -> memref<128xi32, #tpu.memory_space<vmem>>
        %dma_start3A_75 = arith.constant 0 : i32
        %dma_start3A_76 = arith.constant 0 : i32
        %dma_start3A_77 = tpu.memref_slice %arg12[%dma_start3A_75, %dma_start3A_76] : memref<10112x128xf32, #tpu.memory_space<vmem_shared>> -> memref<10112x128xf32, #tpu.memory_space<vmem_shared>>
        tpu.enqueue_indirect_dma source(%arg8 : memref<128x128xf32, #tpu.memory_space<vmem>>) target(%dma_start3A_77 : memref<10112x128xf32, #tpu.memory_space<vmem_shared>>) offsets(%dma_start3A_74 : memref<128xi32, #tpu.memory_space<vmem>>) semaphore(%run_scoped3A : memref<!tpu.dma_semaphore, #tpu.memory_space<semaphore_mem>>) {add = true}
        %dma_wait3A_78 = arith.constant 0 : i32
        %dma_wait3A_79 = tpu.memref_slice %arg7[%mul3A_46, %dma_wait3A_78] : memref<40x128xi32, #tpu.memory_space<vmem>> -> memref<1x128xi32, #tpu.memory_space<vmem>>
        %dma_wait3A_80 = tpu.memref_squeeze %dma_wait3A_79 : memref<1x128xi32, #tpu.memory_space<vmem>> -> memref<128xi32, #tpu.memory_space<vmem>>
        %dma_wait3A_81 = arith.constant 0 : i32
        %dma_wait3A_82 = arith.constant 0 : i32
        %dma_wait3A_83 = tpu.memref_slice %arg12[%dma_wait3A_81, %dma_wait3A_82] : memref<10112x128xf32, #tpu.memory_space<vmem_shared>> -> memref<10112x128xf32, #tpu.memory_space<vmem_shared>>
        tpu.wait_indirect_dma semaphore(%run_scoped3A : memref<!tpu.dma_semaphore, #tpu.memory_space<semaphore_mem>>) src(%arg8 : memref<128x128xf32, #tpu.memory_space<vmem>>) dst(%dma_wait3A_83 : memref<10112x128xf32, #tpu.memory_space<vmem_shared>>)
        tpu.yield
      }) : () -> ()
      %add3A_60 = arith.constant 1 : i32
      %add3A_61 = arith.addi %mul3A_46, %add3A_60 : i32
      %dma_wait3A_62 = arith.constant 0 : i32
      %dma_wait3A_63 = tpu.memref_slice %arg6[%add3A_61, %dma_wait3A_62] : memref<40x128xi32, #tpu.memory_space<vmem>> -> memref<1x128xi32, #tpu.memory_space<vmem>>
      %dma_wait3A_64 = tpu.memref_squeeze %dma_wait3A_63 : memref<1x128xi32, #tpu.memory_space<vmem>> -> memref<128xi32, #tpu.memory_space<vmem>>
      %dma_wait3A_65 = arith.constant 0 : i32
      %dma_wait3A_66 = arith.constant 0 : i32
      %dma_wait3A_67 = tpu.memref_slice %arg2[%dma_wait3A_65, %dma_wait3A_66] : memref<10000x128xf32, #tpu.memory_space<hbm>> -> memref<10000x128xf32, #tpu.memory_space<hbm>>
      tpu.wait_indirect_dma semaphore(%arg11 : memref<!tpu.dma_semaphore, #tpu.memory_space<semaphore_mem>>) src(%dma_wait3A_67 : memref<10000x128xf32, #tpu.memory_space<hbm>>) dst(%arg9 : memref<128x128xf32, #tpu.memory_space<vmem>>)
      %lt3A = arith.constant 19 : i32
      %lt3A_68 = arith.cmpi slt, %scan3A_44, %lt3A : i32
      %convert_element_type3A = arith.extui %lt3A_68 : i1 to i32
      %cond3A = arith.constant 0 : i32
      %cond3A_69 = arith.cmpi ne, %convert_element_type3A, %cond3A : i32
      scf.if %cond3A_69 {
        %add3A_72 = arith.constant 2 : i32
        %add3A_73 = arith.addi %mul3A_46, %add3A_72 : i32
        %dma_start3A_74 = arith.constant 0 : i32
        %dma_start3A_75 = tpu.memref_slice %arg6[%add3A_73, %dma_start3A_74] : memref<40x128xi32, #tpu.memory_space<vmem>> -> memref<1x128xi32, #tpu.memory_space<vmem>>
        %dma_start3A_76 = tpu.memref_squeeze %dma_start3A_75 : memref<1x128xi32, #tpu.memory_space<vmem>> -> memref<128xi32, #tpu.memory_space<vmem>>
        %dma_start3A_77 = arith.constant 0 : i32
        %dma_start3A_78 = arith.constant 0 : i32
        %dma_start3A_79 = tpu.memref_slice %arg2[%dma_start3A_77, %dma_start3A_78] : memref<10000x128xf32, #tpu.memory_space<hbm>> -> memref<10000x128xf32, #tpu.memory_space<hbm>>
        tpu.enqueue_indirect_dma source(%dma_start3A_79 : memref<10000x128xf32, #tpu.memory_space<hbm>>) target(%arg8 : memref<128x128xf32, #tpu.memory_space<vmem>>) offsets(%dma_start3A_76 : memref<128xi32, #tpu.memory_space<vmem>>) semaphore(%arg10 : memref<!tpu.dma_semaphore, #tpu.memory_space<semaphore_mem>>)
      } else {
      }
      %add3A_70 = arith.constant 1 : i32
      %add3A_71 = arith.addi %mul3A_46, %add3A_70 : i32
      "tpu.region"() ({
        %run_scoped3A = tpu.sem_alloc : memref<!tpu.dma_semaphore, #tpu.memory_space<semaphore_mem>>
        %dma_start3A_72 = arith.constant 0 : i32
        %dma_start3A_73 = tpu.memref_slice %arg7[%add3A_71, %dma_start3A_72] : memref<40x128xi32, #tpu.memory_space<vmem>> -> memref<1x128xi32, #tpu.memory_space<vmem>>
        %dma_start3A_74 = tpu.memref_squeeze %dma_start3A_73 : memref<1x128xi32, #tpu.memory_space<vmem>> -> memref<128xi32, #tpu.memory_space<vmem>>
        %dma_start3A_75 = arith.constant 0 : i32
        %dma_start3A_76 = arith.constant 0 : i32
        %dma_start3A_77 = tpu.memref_slice %arg12[%dma_start3A_75, %dma_start3A_76] : memref<10112x128xf32, #tpu.memory_space<vmem_shared>> -> memref<10112x128xf32, #tpu.memory_space<vmem_shared>>
        tpu.enqueue_indirect_dma source(%arg9 : memref<128x128xf32, #tpu.memory_space<vmem>>) target(%dma_start3A_77 : memref<10112x128xf32, #tpu.memory_space<vmem_shared>>) offsets(%dma_start3A_74 : memref<128xi32, #tpu.memory_space<vmem>>) semaphore(%run_scoped3A : memref<!tpu.dma_semaphore, #tpu.memory_space<semaphore_mem>>) {add = true}
        %dma_wait3A_78 = arith.constant 0 : i32
        %dma_wait3A_79 = tpu.memref_slice %arg7[%add3A_71, %dma_wait3A_78] : memref<40x128xi32, #tpu.memory_space<vmem>> -> memref<1x128xi32, #tpu.memory_space<vmem>>
        %dma_wait3A_80 = tpu.memref_squeeze %dma_wait3A_79 : memref<1x128xi32, #tpu.memory_space<vmem>> -> memref<128xi32, #tpu.memory_space<vmem>>
        %dma_wait3A_81 = arith.constant 0 : i32
        %dma_wait3A_82 = arith.constant 0 : i32
        %dma_wait3A_83 = tpu.memref_slice %arg12[%dma_wait3A_81, %dma_wait3A_82] : memref<10112x128xf32, #tpu.memory_space<vmem_shared>> -> memref<10112x128xf32, #tpu.memory_space<vmem_shared>>
        tpu.wait_indirect_dma semaphore(%run_scoped3A : memref<!tpu.dma_semaphore, #tpu.memory_space<semaphore_mem>>) src(%arg9 : memref<128x128xf32, #tpu.memory_space<vmem>>) dst(%dma_wait3A_83 : memref<10112x128xf32, #tpu.memory_space<vmem_shared>>)
        tpu.yield
      }) : () -> ()
    }
    %scan3A_42 = arith.constant 20 : i32
    %barrier3A_43 = arith.constant 0 : index
    tpu.barrier barrier_id(%barrier3A_43)
    "tpu.region"() ({
      %run_scoped3A = tpu.sem_alloc : memref<!tpu.dma_semaphore, #tpu.memory_space<semaphore_mem>>
      %dma_start3A_44 = arith.constant 0 : i32
      %dma_start3A_45 = tpu.memref_slice %arg5[%arg0, %mul3A_7, %dma_start3A_44] : memref<2x10112x128xf32, #tpu.memory_space<hbm>> -> memref<1x632x128xf32, #tpu.memory_space<hbm>>
      %dma_start3A_46 = tpu.memref_squeeze %dma_start3A_45 : memref<1x632x128xf32, #tpu.memory_space<hbm>> -> memref<632x128xf32, #tpu.memory_space<hbm>>
      %dma_start3A_47 = arith.constant 0 : i32
      %dma_start3A_48 = tpu.memref_slice %arg12[%mul3A_7, %dma_start3A_47] : memref<10112x128xf32, #tpu.memory_space<vmem_shared>> -> memref<632x128xf32, #tpu.memory_space<vmem_shared>>
      tpu.enqueue_dma source(%dma_start3A_48 : memref<632x128xf32, #tpu.memory_space<vmem_shared>>) target(%dma_start3A_46 : memref<632x128xf32, #tpu.memory_space<hbm>>) target_semaphore(%run_scoped3A : memref<!tpu.dma_semaphore, #tpu.memory_space<semaphore_mem>>)
      %dma_wait3A = arith.constant 0 : i32
      %dma_wait3A_49 = tpu.memref_slice %arg5[%arg0, %mul3A_7, %dma_wait3A] : memref<2x10112x128xf32, #tpu.memory_space<hbm>> -> memref<1x632x128xf32, #tpu.memory_space<hbm>>
      %dma_wait3A_50 = tpu.memref_squeeze %dma_wait3A_49 : memref<1x632x128xf32, #tpu.memory_space<hbm>> -> memref<632x128xf32, #tpu.memory_space<hbm>>
      %dma_wait3A_51 = arith.constant 0 : i32
      %dma_wait3A_52 = tpu.memref_slice %arg12[%mul3A_7, %dma_wait3A_51] : memref<10112x128xf32, #tpu.memory_space<vmem_shared>> -> memref<632x128xf32, #tpu.memory_space<vmem_shared>>
      tpu.wait_dma2 semaphore(%run_scoped3A : memref<!tpu.dma_semaphore, #tpu.memory_space<semaphore_mem>>) src(%dma_wait3A_52 : memref<632x128xf32, #tpu.memory_space<vmem_shared>>) dst(%dma_wait3A_50 : memref<632x128xf32, #tpu.memory_space<hbm>>)
      tpu.yield
    }) : () -> ()
    return
  }
}

#map = affine_map<(d0, d1) -> (0, 0, 0)>
module attributes {stable_mosaic.version = 14 : i64} {
  func.func @_deg_body(%arg0: i32, %arg1: i32, %arg2: memref<32x80x128xi32, #tpu.memory_space<hbm>>, %arg3: memref<2x10112x16xf32, #tpu.memory_space<hbm>>, %arg4: memref<80x128xi32, #tpu.memory_space<vmem>>, %arg5: memref<128x16xf32, #tpu.memory_space<vmem>>, %arg6: memref<128x16xf32, #tpu.memory_space<vmem>>, %arg7: memref<!tpu.dma_semaphore, #tpu.memory_space<semaphore_mem>>, %arg8: memref<10112x16xf32, #tpu.memory_space<vmem_shared>>) attributes {dimension_semantics = [#tpu.dimension_semantics<core_parallel>, #tpu.dimension_semantics<subcore_parallel>], iteration_bounds = array<i64: 2, 16>, scalar_prefetch = 0 : i64, scratch_operands = 5 : i64, tpu.core_type = #tpu.core_type<sc_vector_subcore>, window_params = [{transform_indices = #map}, {transform_indices = #map}]} {
    %mul3A = arith.constant 2 : i32
    %mul3A_0 = arith.muli %arg1, %mul3A : i32
    %add3A = arith.addi %mul3A_0, %arg0 : i32
    "tpu.region"() ({
      %run_scoped3A = tpu.sem_alloc : memref<!tpu.dma_semaphore, #tpu.memory_space<semaphore_mem>>
      %dma_start3A = arith.constant 0 : i32
      %dma_start3A_31 = arith.constant 0 : i32
      %dma_start3A_32 = tpu.memref_slice %arg2[%add3A, %dma_start3A, %dma_start3A_31] : memref<32x80x128xi32, #tpu.memory_space<hbm>> -> memref<1x80x128xi32, #tpu.memory_space<hbm>>
      %dma_start3A_33 = tpu.memref_squeeze %dma_start3A_32 : memref<1x80x128xi32, #tpu.memory_space<hbm>> -> memref<80x128xi32, #tpu.memory_space<hbm>>
      %dma_start3A_34 = arith.constant 0 : i32
      %dma_start3A_35 = arith.constant 0 : i32
      %dma_start3A_36 = tpu.memref_slice %arg2[%add3A, %dma_start3A_34, %dma_start3A_35] : memref<32x80x128xi32, #tpu.memory_space<hbm>> -> memref<1x80x128xi32, #tpu.memory_space<hbm>>
      %dma_start3A_37 = tpu.memref_squeeze %dma_start3A_36 : memref<1x80x128xi32, #tpu.memory_space<hbm>> -> memref<80x128xi32, #tpu.memory_space<hbm>>
      tpu.enqueue_dma source(%dma_start3A_37 : memref<80x128xi32, #tpu.memory_space<hbm>>) target(%arg4 : memref<80x128xi32, #tpu.memory_space<vmem>>) target_semaphore(%run_scoped3A : memref<!tpu.dma_semaphore, #tpu.memory_space<semaphore_mem>>)
      %dma_wait3A = arith.constant 0 : i32
      %dma_wait3A_38 = arith.constant 0 : i32
      %dma_wait3A_39 = tpu.memref_slice %arg2[%add3A, %dma_wait3A, %dma_wait3A_38] : memref<32x80x128xi32, #tpu.memory_space<hbm>> -> memref<1x80x128xi32, #tpu.memory_space<hbm>>
      %dma_wait3A_40 = tpu.memref_squeeze %dma_wait3A_39 : memref<1x80x128xi32, #tpu.memory_space<hbm>> -> memref<80x128xi32, #tpu.memory_space<hbm>>
      %dma_wait3A_41 = arith.constant 0 : i32
      %dma_wait3A_42 = arith.constant 0 : i32
      %dma_wait3A_43 = tpu.memref_slice %arg2[%add3A, %dma_wait3A_41, %dma_wait3A_42] : memref<32x80x128xi32, #tpu.memory_space<hbm>> -> memref<1x80x128xi32, #tpu.memory_space<hbm>>
      %dma_wait3A_44 = tpu.memref_squeeze %dma_wait3A_43 : memref<1x80x128xi32, #tpu.memory_space<hbm>> -> memref<80x128xi32, #tpu.memory_space<hbm>>
      tpu.wait_dma2 semaphore(%run_scoped3A : memref<!tpu.dma_semaphore, #tpu.memory_space<semaphore_mem>>) src(%dma_wait3A_44 : memref<80x128xi32, #tpu.memory_space<hbm>>) dst(%arg4 : memref<80x128xi32, #tpu.memory_space<vmem>>)
      tpu.yield
    }) : () -> ()
    %scan3A = arith.constant 0 : i32
    %scan3A_1 = arith.constant 0 : i32
    %scan3A_2 = arith.constant 128 : i32
    %scan3A_3 = arith.addi %scan3A_1, %scan3A_2 : i32
    %scan3A_4 = arith.constant 1 : i32
    scf.for %scan3A_31 = %scan3A_1 to %scan3A_3 step %scan3A_4  : i32 {
      %broadcast_in_dim3A = arith.constant 1.000000e+00 : f32
      %broadcast_in_dim3A_32 = vector.broadcast %broadcast_in_dim3A : f32 to vector<16xf32>
      %swap3A = arith.index_cast %scan3A_31 : i32 to index
      %swap3A_33 = arith.constant 0 : index
      %swap3A_34 = tpu.vector_load %arg5[%swap3A, %swap3A_33] {strides = array<i32>} : memref<128x16xf32, #tpu.memory_space<vmem>>, vector<1x16xf32>,
      %swap3A_35 = vector.shape_cast %swap3A_34 : vector<1x16xf32> to vector<16xf32>
      %swap3A_36 = vector.shape_cast %broadcast_in_dim3A_32 : vector<16xf32> to vector<1x16xf32>
      tpu.vector_store %arg5[%swap3A, %swap3A_33], %swap3A_36 {strides = array<i32>} : memref<128x16xf32, #tpu.memory_space<vmem>>, vector<1x16xf32>,
    }
    %scan3A_5 = arith.constant 128 : i32
    %scan3A_6 = arith.constant 0 : i32
    %scan3A_7 = arith.constant 0 : i32
    %scan3A_8 = arith.constant 128 : i32
    %scan3A_9 = arith.addi %scan3A_7, %scan3A_8 : i32
    %scan3A_10 = arith.constant 1 : i32
    scf.for %scan3A_31 = %scan3A_7 to %scan3A_9 step %scan3A_10  : i32 {
      %jit3A = arith.constant 1 : i32
      %div3A = arith.divsi %scan3A_31, %jit3A : i32
      %sign3A = arith.constant 0 : i32
      %sign3A_32 = arith.cmpi sgt, %scan3A_31, %sign3A : i32
      %sign3A_33 = arith.extui %sign3A_32 : i1 to i32
      %sign3A_34 = arith.constant 0 : i32
      %sign3A_35 = arith.cmpi slt, %scan3A_31, %sign3A_34 : i32
      %sign3A_36 = arith.extui %sign3A_35 : i1 to i32
      %sign3A_37 = arith.subi %sign3A_33, %sign3A_36 : i32
      %sign3A_38 = arith.constant 0 : i32
      %sign3A_39 = arith.cmpi sgt, %jit3A, %sign3A_38 : i32
      %sign3A_40 = arith.extui %sign3A_39 : i1 to i32
      %sign3A_41 = arith.constant 0 : i32
      %sign3A_42 = arith.cmpi slt, %jit3A, %sign3A_41 : i32
      %sign3A_43 = arith.extui %sign3A_42 : i1 to i32
      %sign3A_44 = arith.subi %sign3A_40, %sign3A_43 : i32
      %ne3A = arith.cmpi ne, %sign3A_37, %sign3A_44 : i32
      %rem3A = arith.remsi %scan3A_31, %jit3A : i32
      %ne3A_45 = arith.constant 0 : i32
      %ne3A_46 = arith.cmpi ne, %rem3A, %ne3A_45 : i32
      %and3A = arith.andi %ne3A, %ne3A_46 : i1
      %sub3A = arith.constant 1 : i32
      %sub3A_47 = arith.subi %div3A, %sub3A : i32
      %select_n3A = arith.select %and3A, %sub3A_47, %div3A : i32
      %jit3A_48 = arith.constant 1 : i32
      %eq3A = arith.constant 0 : i32
      %eq3A_49 = arith.cmpi eq, %jit3A_48, %eq3A : i32
      %jit3A_50 = arith.constant 1 : i32
      %select_n3A_51 = arith.select %eq3A_49, %jit3A_50, %jit3A_48 : i32
      %rem3A_52 = arith.remsi %scan3A_31, %select_n3A_51 : i32
      %ne3A_53 = arith.constant 0 : i32
      %ne3A_54 = arith.cmpi ne, %rem3A_52, %ne3A_53 : i32
      %lt3A = arith.constant 0 : i32
      %lt3A_55 = arith.cmpi slt, %rem3A_52, %lt3A : i32
      %lt3A_56 = arith.constant 0 : i32
      %lt3A_57 = arith.cmpi slt, %select_n3A_51, %lt3A_56 : i32
      %ne3A_58 = arith.xori %lt3A_55, %lt3A_57 : i1
      %and3A_59 = arith.andi %ne3A_58, %ne3A_54 : i1
      %add3A_60 = arith.addi %rem3A_52, %select_n3A_51 : i32
      %select_n3A_61 = arith.select %and3A_59, %add3A_60, %rem3A_52 : i32
      %mul3A_62 = arith.constant 16 : i32
      %mul3A_63 = arith.muli %select_n3A_61, %mul3A_62 : i32
      %broadcast_in_dim3A = arith.constant 0.000000e+00 : f32
      %broadcast_in_dim3A_64 = vector.broadcast %broadcast_in_dim3A : f32 to vector<16xf32>
      %swap3A = arith.index_cast %select_n3A : i32 to index
      %swap3A_65 = arith.index_cast %mul3A_63 : i32 to index
      %swap3A_66 = tpu.vector_load %arg6[%swap3A, %swap3A_65] {strides = array<i32>} : memref<128x16xf32, #tpu.memory_space<vmem>>, vector<1x16xf32>,
      %swap3A_67 = vector.shape_cast %swap3A_66 : vector<1x16xf32> to vector<16xf32>
      %swap3A_68 = vector.shape_cast %broadcast_in_dim3A_64 : vector<16xf32> to vector<1x16xf32>
      tpu.vector_store %arg6[%swap3A, %swap3A_65], %swap3A_68 {strides = array<i32>} : memref<128x16xf32, #tpu.memory_space<vmem>>, vector<1x16xf32>,
    }
    %scan3A_11 = arith.constant 128 : i32
    %mul3A_12 = arith.constant 632 : i32
    %mul3A_13 = arith.muli %arg1, %mul3A_12 : i32
    %add3A_14 = arith.constant 0 : i32
    %add3A_15 = arith.addi %mul3A_13, %add3A_14 : i32
    "tpu.region"() ({
      %run_scoped3A = tpu.sem_alloc : memref<!tpu.dma_semaphore, #tpu.memory_space<semaphore_mem>>
      %dma_start3A = arith.constant 0 : i32
      %dma_start3A_31 = arith.constant 0 : i32
      %dma_start3A_32 = tpu.memref_slice %arg6[%dma_start3A, %dma_start3A_31] : memref<128x16xf32, #tpu.memory_space<vmem>> -> memref<128x16xf32, #tpu.memory_space<vmem>>
      %dma_start3A_33 = arith.constant 0 : i32
      %dma_start3A_34 = tpu.memref_slice %arg8[%add3A_15, %dma_start3A_33] : memref<10112x16xf32, #tpu.memory_space<vmem_shared>> -> memref<128x16xf32, #tpu.memory_space<vmem_shared>>
      %dma_start3A_35 = arith.constant 0 : i32
      %dma_start3A_36 = tpu.memref_slice %arg8[%add3A_15, %dma_start3A_35] : memref<10112x16xf32, #tpu.memory_space<vmem_shared>> -> memref<128x16xf32, #tpu.memory_space<vmem_shared>>
      %dma_start3A_37 = arith.constant 0 : i32
      %dma_start3A_38 = arith.constant 0 : i32
      %dma_start3A_39 = tpu.memref_slice %arg6[%dma_start3A_37, %dma_start3A_38] : memref<128x16xf32, #tpu.memory_space<vmem>> -> memref<128x16xf32, #tpu.memory_space<vmem>>
      tpu.enqueue_dma source(%dma_start3A_39 : memref<128x16xf32, #tpu.memory_space<vmem>>) target(%dma_start3A_36 : memref<128x16xf32, #tpu.memory_space<vmem_shared>>) target_semaphore(%run_scoped3A : memref<!tpu.dma_semaphore, #tpu.memory_space<semaphore_mem>>)
      %dma_wait3A = arith.constant 0 : i32
      %dma_wait3A_40 = arith.constant 0 : i32
      %dma_wait3A_41 = tpu.memref_slice %arg6[%dma_wait3A, %dma_wait3A_40] : memref<128x16xf32, #tpu.memory_space<vmem>> -> memref<128x16xf32, #tpu.memory_space<vmem>>
      %dma_wait3A_42 = arith.constant 0 : i32
      %dma_wait3A_43 = tpu.memref_slice %arg8[%add3A_15, %dma_wait3A_42] : memref<10112x16xf32, #tpu.memory_space<vmem_shared>> -> memref<128x16xf32, #tpu.memory_space<vmem_shared>>
      %dma_wait3A_44 = arith.constant 0 : i32
      %dma_wait3A_45 = tpu.memref_slice %arg8[%add3A_15, %dma_wait3A_44] : memref<10112x16xf32, #tpu.memory_space<vmem_shared>> -> memref<128x16xf32, #tpu.memory_space<vmem_shared>>
      %dma_wait3A_46 = arith.constant 0 : i32
      %dma_wait3A_47 = arith.constant 0 : i32
      %dma_wait3A_48 = tpu.memref_slice %arg6[%dma_wait3A_46, %dma_wait3A_47] : memref<128x16xf32, #tpu.memory_space<vmem>> -> memref<128x16xf32, #tpu.memory_space<vmem>>
      tpu.wait_dma2 semaphore(%run_scoped3A : memref<!tpu.dma_semaphore, #tpu.memory_space<semaphore_mem>>) src(%dma_wait3A_48 : memref<128x16xf32, #tpu.memory_space<vmem>>) dst(%dma_wait3A_45 : memref<128x16xf32, #tpu.memory_space<vmem_shared>>)
      tpu.yield
    }) : () -> ()
    %add3A_16 = arith.constant 128 : i32
    %add3A_17 = arith.addi %mul3A_13, %add3A_16 : i32
    "tpu.region"() ({
      %run_scoped3A = tpu.sem_alloc : memref<!tpu.dma_semaphore, #tpu.memory_space<semaphore_mem>>
      %dma_start3A = arith.constant 0 : i32
      %dma_start3A_31 = arith.constant 0 : i32
      %dma_start3A_32 = tpu.memref_slice %arg6[%dma_start3A, %dma_start3A_31] : memref<128x16xf32, #tpu.memory_space<vmem>> -> memref<128x16xf32, #tpu.memory_space<vmem>>
      %dma_start3A_33 = arith.constant 0 : i32
      %dma_start3A_34 = tpu.memref_slice %arg8[%add3A_17, %dma_start3A_33] : memref<10112x16xf32, #tpu.memory_space<vmem_shared>> -> memref<128x16xf32, #tpu.memory_space<vmem_shared>>
      %dma_start3A_35 = arith.constant 0 : i32
      %dma_start3A_36 = tpu.memref_slice %arg8[%add3A_17, %dma_start3A_35] : memref<10112x16xf32, #tpu.memory_space<vmem_shared>> -> memref<128x16xf32, #tpu.memory_space<vmem_shared>>
      %dma_start3A_37 = arith.constant 0 : i32
      %dma_start3A_38 = arith.constant 0 : i32
      %dma_start3A_39 = tpu.memref_slice %arg6[%dma_start3A_37, %dma_start3A_38] : memref<128x16xf32, #tpu.memory_space<vmem>> -> memref<128x16xf32, #tpu.memory_space<vmem>>
      tpu.enqueue_dma source(%dma_start3A_39 : memref<128x16xf32, #tpu.memory_space<vmem>>) target(%dma_start3A_36 : memref<128x16xf32, #tpu.memory_space<vmem_shared>>) target_semaphore(%run_scoped3A : memref<!tpu.dma_semaphore, #tpu.memory_space<semaphore_mem>>)
      %dma_wait3A = arith.constant 0 : i32
      %dma_wait3A_40 = arith.constant 0 : i32
      %dma_wait3A_41 = tpu.memref_slice %arg6[%dma_wait3A, %dma_wait3A_40] : memref<128x16xf32, #tpu.memory_space<vmem>> -> memref<128x16xf32, #tpu.memory_space<vmem>>
      %dma_wait3A_42 = arith.constant 0 : i32
      %dma_wait3A_43 = tpu.memref_slice %arg8[%add3A_17, %dma_wait3A_42] : memref<10112x16xf32, #tpu.memory_space<vmem_shared>> -> memref<128x16xf32, #tpu.memory_space<vmem_shared>>
      %dma_wait3A_44 = arith.constant 0 : i32
      %dma_wait3A_45 = tpu.memref_slice %arg8[%add3A_17, %dma_wait3A_44] : memref<10112x16xf32, #tpu.memory_space<vmem_shared>> -> memref<128x16xf32, #tpu.memory_space<vmem_shared>>
      %dma_wait3A_46 = arith.constant 0 : i32
      %dma_wait3A_47 = arith.constant 0 : i32
      %dma_wait3A_48 = tpu.memref_slice %arg6[%dma_wait3A_46, %dma_wait3A_47] : memref<128x16xf32, #tpu.memory_space<vmem>> -> memref<128x16xf32, #tpu.memory_space<vmem>>
      tpu.wait_dma2 semaphore(%run_scoped3A : memref<!tpu.dma_semaphore, #tpu.memory_space<semaphore_mem>>) src(%dma_wait3A_48 : memref<128x16xf32, #tpu.memory_space<vmem>>) dst(%dma_wait3A_45 : memref<128x16xf32, #tpu.memory_space<vmem_shared>>)
      tpu.yield
    }) : () -> ()
    %add3A_18 = arith.constant 256 : i32
    %add3A_19 = arith.addi %mul3A_13, %add3A_18 : i32
    "tpu.region"() ({
      %run_scoped3A = tpu.sem_alloc : memref<!tpu.dma_semaphore, #tpu.memory_space<semaphore_mem>>
      %dma_start3A = arith.constant 0 : i32
      %dma_start3A_31 = arith.constant 0 : i32
      %dma_start3A_32 = tpu.memref_slice %arg6[%dma_start3A, %dma_start3A_31] : memref<128x16xf32, #tpu.memory_space<vmem>> -> memref<128x16xf32, #tpu.memory_space<vmem>>
      %dma_start3A_33 = arith.constant 0 : i32
      %dma_start3A_34 = tpu.memref_slice %arg8[%add3A_19, %dma_start3A_33] : memref<10112x16xf32, #tpu.memory_space<vmem_shared>> -> memref<128x16xf32, #tpu.memory_space<vmem_shared>>
      %dma_start3A_35 = arith.constant 0 : i32
      %dma_start3A_36 = tpu.memref_slice %arg8[%add3A_19, %dma_start3A_35] : memref<10112x16xf32, #tpu.memory_space<vmem_shared>> -> memref<128x16xf32, #tpu.memory_space<vmem_shared>>
      %dma_start3A_37 = arith.constant 0 : i32
      %dma_start3A_38 = arith.constant 0 : i32
      %dma_start3A_39 = tpu.memref_slice %arg6[%dma_start3A_37, %dma_start3A_38] : memref<128x16xf32, #tpu.memory_space<vmem>> -> memref<128x16xf32, #tpu.memory_space<vmem>>
      tpu.enqueue_dma source(%dma_start3A_39 : memref<128x16xf32, #tpu.memory_space<vmem>>) target(%dma_start3A_36 : memref<128x16xf32, #tpu.memory_space<vmem_shared>>) target_semaphore(%run_scoped3A : memref<!tpu.dma_semaphore, #tpu.memory_space<semaphore_mem>>)
      %dma_wait3A = arith.constant 0 : i32
      %dma_wait3A_40 = arith.constant 0 : i32
      %dma_wait3A_41 = tpu.memref_slice %arg6[%dma_wait3A, %dma_wait3A_40] : memref<128x16xf32, #tpu.memory_space<vmem>> -> memref<128x16xf32, #tpu.memory_space<vmem>>
      %dma_wait3A_42 = arith.constant 0 : i32
      %dma_wait3A_43 = tpu.memref_slice %arg8[%add3A_19, %dma_wait3A_42] : memref<10112x16xf32, #tpu.memory_space<vmem_shared>> -> memref<128x16xf32, #tpu.memory_space<vmem_shared>>
      %dma_wait3A_44 = arith.constant 0 : i32
      %dma_wait3A_45 = tpu.memref_slice %arg8[%add3A_19, %dma_wait3A_44] : memref<10112x16xf32, #tpu.memory_space<vmem_shared>> -> memref<128x16xf32, #tpu.memory_space<vmem_shared>>
      %dma_wait3A_46 = arith.constant 0 : i32
      %dma_wait3A_47 = arith.constant 0 : i32
      %dma_wait3A_48 = tpu.memref_slice %arg6[%dma_wait3A_46, %dma_wait3A_47] : memref<128x16xf32, #tpu.memory_space<vmem>> -> memref<128x16xf32, #tpu.memory_space<vmem>>
      tpu.wait_dma2 semaphore(%run_scoped3A : memref<!tpu.dma_semaphore, #tpu.memory_space<semaphore_mem>>) src(%dma_wait3A_48 : memref<128x16xf32, #tpu.memory_space<vmem>>) dst(%dma_wait3A_45 : memref<128x16xf32, #tpu.memory_space<vmem_shared>>)
      tpu.yield
    }) : () -> ()
    %add3A_20 = arith.constant 384 : i32
    %add3A_21 = arith.addi %mul3A_13, %add3A_20 : i32
    "tpu.region"() ({
      %run_scoped3A = tpu.sem_alloc : memref<!tpu.dma_semaphore, #tpu.memory_space<semaphore_mem>>
      %dma_start3A = arith.constant 0 : i32
      %dma_start3A_31 = arith.constant 0 : i32
      %dma_start3A_32 = tpu.memref_slice %arg6[%dma_start3A, %dma_start3A_31] : memref<128x16xf32, #tpu.memory_space<vmem>> -> memref<128x16xf32, #tpu.memory_space<vmem>>
      %dma_start3A_33 = arith.constant 0 : i32
      %dma_start3A_34 = tpu.memref_slice %arg8[%add3A_21, %dma_start3A_33] : memref<10112x16xf32, #tpu.memory_space<vmem_shared>> -> memref<128x16xf32, #tpu.memory_space<vmem_shared>>
      %dma_start3A_35 = arith.constant 0 : i32
      %dma_start3A_36 = tpu.memref_slice %arg8[%add3A_21, %dma_start3A_35] : memref<10112x16xf32, #tpu.memory_space<vmem_shared>> -> memref<128x16xf32, #tpu.memory_space<vmem_shared>>
      %dma_start3A_37 = arith.constant 0 : i32
      %dma_start3A_38 = arith.constant 0 : i32
      %dma_start3A_39 = tpu.memref_slice %arg6[%dma_start3A_37, %dma_start3A_38] : memref<128x16xf32, #tpu.memory_space<vmem>> -> memref<128x16xf32, #tpu.memory_space<vmem>>
      tpu.enqueue_dma source(%dma_start3A_39 : memref<128x16xf32, #tpu.memory_space<vmem>>) target(%dma_start3A_36 : memref<128x16xf32, #tpu.memory_space<vmem_shared>>) target_semaphore(%run_scoped3A : memref<!tpu.dma_semaphore, #tpu.memory_space<semaphore_mem>>)
      %dma_wait3A = arith.constant 0 : i32
      %dma_wait3A_40 = arith.constant 0 : i32
      %dma_wait3A_41 = tpu.memref_slice %arg6[%dma_wait3A, %dma_wait3A_40] : memref<128x16xf32, #tpu.memory_space<vmem>> -> memref<128x16xf32, #tpu.memory_space<vmem>>
      %dma_wait3A_42 = arith.constant 0 : i32
      %dma_wait3A_43 = tpu.memref_slice %arg8[%add3A_21, %dma_wait3A_42] : memref<10112x16xf32, #tpu.memory_space<vmem_shared>> -> memref<128x16xf32, #tpu.memory_space<vmem_shared>>
      %dma_wait3A_44 = arith.constant 0 : i32
      %dma_wait3A_45 = tpu.memref_slice %arg8[%add3A_21, %dma_wait3A_44] : memref<10112x16xf32, #tpu.memory_space<vmem_shared>> -> memref<128x16xf32, #tpu.memory_space<vmem_shared>>
      %dma_wait3A_46 = arith.constant 0 : i32
      %dma_wait3A_47 = arith.constant 0 : i32
      %dma_wait3A_48 = tpu.memref_slice %arg6[%dma_wait3A_46, %dma_wait3A_47] : memref<128x16xf32, #tpu.memory_space<vmem>> -> memref<128x16xf32, #tpu.memory_space<vmem>>
      tpu.wait_dma2 semaphore(%run_scoped3A : memref<!tpu.dma_semaphore, #tpu.memory_space<semaphore_mem>>) src(%dma_wait3A_48 : memref<128x16xf32, #tpu.memory_space<vmem>>) dst(%dma_wait3A_45 : memref<128x16xf32, #tpu.memory_space<vmem_shared>>)
      tpu.yield
    }) : () -> ()
    %add3A_22 = arith.constant 512 : i32
    %add3A_23 = arith.addi %mul3A_13, %add3A_22 : i32
    "tpu.region"() ({
      %run_scoped3A = tpu.sem_alloc : memref<!tpu.dma_semaphore, #tpu.memory_space<semaphore_mem>>
      %dma_start3A = arith.constant 0 : i32
      %dma_start3A_31 = arith.constant 0 : i32
      %dma_start3A_32 = tpu.memref_slice %arg6[%dma_start3A, %dma_start3A_31] : memref<128x16xf32, #tpu.memory_space<vmem>> -> memref<120x16xf32, #tpu.memory_space<vmem>>
      %dma_start3A_33 = arith.constant 0 : i32
      %dma_start3A_34 = tpu.memref_slice %arg8[%add3A_23, %dma_start3A_33] : memref<10112x16xf32, #tpu.memory_space<vmem_shared>> -> memref<120x16xf32, #tpu.memory_space<vmem_shared>>
      %dma_start3A_35 = arith.constant 0 : i32
      %dma_start3A_36 = tpu.memref_slice %arg8[%add3A_23, %dma_start3A_35] : memref<10112x16xf32, #tpu.memory_space<vmem_shared>> -> memref<120x16xf32, #tpu.memory_space<vmem_shared>>
      %dma_start3A_37 = arith.constant 0 : i32
      %dma_start3A_38 = arith.constant 0 : i32
      %dma_start3A_39 = tpu.memref_slice %arg6[%dma_start3A_37, %dma_start3A_38] : memref<128x16xf32, #tpu.memory_space<vmem>> -> memref<120x16xf32, #tpu.memory_space<vmem>>
      tpu.enqueue_dma source(%dma_start3A_39 : memref<120x16xf32, #tpu.memory_space<vmem>>) target(%dma_start3A_36 : memref<120x16xf32, #tpu.memory_space<vmem_shared>>) target_semaphore(%run_scoped3A : memref<!tpu.dma_semaphore, #tpu.memory_space<semaphore_mem>>)
      %dma_wait3A = arith.constant 0 : i32
      %dma_wait3A_40 = arith.constant 0 : i32
      %dma_wait3A_41 = tpu.memref_slice %arg6[%dma_wait3A, %dma_wait3A_40] : memref<128x16xf32, #tpu.memory_space<vmem>> -> memref<120x16xf32, #tpu.memory_space<vmem>>
      %dma_wait3A_42 = arith.constant 0 : i32
      %dma_wait3A_43 = tpu.memref_slice %arg8[%add3A_23, %dma_wait3A_42] : memref<10112x16xf32, #tpu.memory_space<vmem_shared>> -> memref<120x16xf32, #tpu.memory_space<vmem_shared>>
      %dma_wait3A_44 = arith.constant 0 : i32
      %dma_wait3A_45 = tpu.memref_slice %arg8[%add3A_23, %dma_wait3A_44] : memref<10112x16xf32, #tpu.memory_space<vmem_shared>> -> memref<120x16xf32, #tpu.memory_space<vmem_shared>>
      %dma_wait3A_46 = arith.constant 0 : i32
      %dma_wait3A_47 = arith.constant 0 : i32
      %dma_wait3A_48 = tpu.memref_slice %arg6[%dma_wait3A_46, %dma_wait3A_47] : memref<128x16xf32, #tpu.memory_space<vmem>> -> memref<120x16xf32, #tpu.memory_space<vmem>>
      tpu.wait_dma2 semaphore(%run_scoped3A : memref<!tpu.dma_semaphore, #tpu.memory_space<semaphore_mem>>) src(%dma_wait3A_48 : memref<120x16xf32, #tpu.memory_space<vmem>>) dst(%dma_wait3A_45 : memref<120x16xf32, #tpu.memory_space<vmem_shared>>)
      tpu.yield
    }) : () -> ()
    %barrier3A = arith.constant 0 : index
    tpu.barrier barrier_id(%barrier3A)
    %scan3A_24 = arith.constant 0 : i32
    %scan3A_25 = arith.constant 0 : i32
    %scan3A_26 = arith.constant 80 : i32
    %scan3A_27 = arith.addi %scan3A_25, %scan3A_26 : i32
    %scan3A_28 = arith.constant 1 : i32
    scf.for %scan3A_31 = %scan3A_25 to %scan3A_27 step %scan3A_28  : i32 {
      "tpu.region"() ({
        %run_scoped3A = tpu.sem_alloc : memref<!tpu.dma_semaphore, #tpu.memory_space<semaphore_mem>>
        %dma_start3A = arith.constant 0 : i32
        %dma_start3A_32 = tpu.memref_slice %arg4[%scan3A_31, %dma_start3A] : memref<80x128xi32, #tpu.memory_space<vmem>> -> memref<1x128xi32, #tpu.memory_space<vmem>>
        %dma_start3A_33 = tpu.memref_squeeze %dma_start3A_32 : memref<1x128xi32, #tpu.memory_space<vmem>> -> memref<128xi32, #tpu.memory_space<vmem>>
        %dma_start3A_34 = arith.constant 0 : i32
        %dma_start3A_35 = arith.constant 0 : i32
        %dma_start3A_36 = tpu.memref_slice %arg8[%dma_start3A_34, %dma_start3A_35] : memref<10112x16xf32, #tpu.memory_space<vmem_shared>> -> memref<10112x16xf32, #tpu.memory_space<vmem_shared>>
        tpu.enqueue_indirect_dma source(%arg5 : memref<128x16xf32, #tpu.memory_space<vmem>>) target(%dma_start3A_36 : memref<10112x16xf32, #tpu.memory_space<vmem_shared>>) offsets(%dma_start3A_33 : memref<128xi32, #tpu.memory_space<vmem>>) semaphore(%run_scoped3A : memref<!tpu.dma_semaphore, #tpu.memory_space<semaphore_mem>>) {add = true}
        %dma_wait3A = arith.constant 0 : i32
        %dma_wait3A_37 = tpu.memref_slice %arg4[%scan3A_31, %dma_wait3A] : memref<80x128xi32, #tpu.memory_space<vmem>> -> memref<1x128xi32, #tpu.memory_space<vmem>>
        %dma_wait3A_38 = tpu.memref_squeeze %dma_wait3A_37 : memref<1x128xi32, #tpu.memory_space<vmem>> -> memref<128xi32, #tpu.memory_space<vmem>>
        %dma_wait3A_39 = arith.constant 0 : i32
        %dma_wait3A_40 = arith.constant 0 : i32
        %dma_wait3A_41 = tpu.memref_slice %arg8[%dma_wait3A_39, %dma_wait3A_40] : memref<10112x16xf32, #tpu.memory_space<vmem_shared>> -> memref<10112x16xf32, #tpu.memory_space<vmem_shared>>
        tpu.wait_indirect_dma semaphore(%run_scoped3A : memref<!tpu.dma_semaphore, #tpu.memory_space<semaphore_mem>>) src(%arg5 : memref<128x16xf32, #tpu.memory_space<vmem>>) dst(%dma_wait3A_41 : memref<10112x16xf32, #tpu.memory_space<vmem_shared>>)
        tpu.yield
      }) : () -> ()
    }
    %scan3A_29 = arith.constant 80 : i32
    %barrier3A_30 = arith.constant 0 : index
    tpu.barrier barrier_id(%barrier3A_30)
    "tpu.region"() ({
      %run_scoped3A = tpu.sem_alloc : memref<!tpu.dma_semaphore, #tpu.memory_space<semaphore_mem>>
      %dma_start3A = arith.constant 0 : i32
      %dma_start3A_31 = tpu.memref_slice %arg3[%arg0, %mul3A_13, %dma_start3A] : memref<2x10112x16xf32, #tpu.memory_space<hbm>> -> memref<1x632x16xf32, #tpu.memory_space<hbm>>
      %dma_start3A_32 = tpu.memref_squeeze %dma_start3A_31 : memref<1x632x16xf32, #tpu.memory_space<hbm>> -> memref<632x16xf32, #tpu.memory_space<hbm>>
      %dma_start3A_33 = arith.constant 0 : i32
      %dma_start3A_34 = tpu.memref_slice %arg8[%mul3A_13, %dma_start3A_33] : memref<10112x16xf32, #tpu.memory_space<vmem_shared>> -> memref<632x16xf32, #tpu.memory_space<vmem_shared>>
      tpu.enqueue_dma source(%dma_start3A_34 : memref<632x16xf32, #tpu.memory_space<vmem_shared>>) target(%dma_start3A_32 : memref<632x16xf32, #tpu.memory_space<hbm>>) target_semaphore(%run_scoped3A : memref<!tpu.dma_semaphore, #tpu.memory_space<semaphore_mem>>)
      %dma_wait3A = arith.constant 0 : i32
      %dma_wait3A_35 = tpu.memref_slice %arg3[%arg0, %mul3A_13, %dma_wait3A] : memref<2x10112x16xf32, #tpu.memory_space<hbm>> -> memref<1x632x16xf32, #tpu.memory_space<hbm>>
      %dma_wait3A_36 = tpu.memref_squeeze %dma_wait3A_35 : memref<1x632x16xf32, #tpu.memory_space<hbm>> -> memref<632x16xf32, #tpu.memory_space<hbm>>
      %dma_wait3A_37 = arith.constant 0 : i32
      %dma_wait3A_38 = tpu.memref_slice %arg8[%mul3A_13, %dma_wait3A_37] : memref<10112x16xf32, #tpu.memory_space<vmem_shared>> -> memref<632x16xf32, #tpu.memory_space<vmem_shared>>
      tpu.wait_dma2 semaphore(%run_scoped3A : memref<!tpu.dma_semaphore, #tpu.memory_space<semaphore_mem>>) src(%dma_wait3A_38 : memref<632x16xf32, #tpu.memory_space<vmem_shared>>) dst(%dma_wait3A_36 : memref<632x16xf32, #tpu.memory_space<hbm>>)
      tpu.yield
    }) : () -> ()
    return
  }
}

#map = affine_map<(d0, d1) -> (0, 0)>
#map1 = affine_map<(d0, d1) -> (0, 0, 0)>
module attributes {stable_mosaic.version = 14 : i64} {
  func.func @_edge_body(%arg0: i32, %arg1: i32, %arg2: memref<10000x128xf32, #tpu.memory_space<hbm>>, %arg3: memref<32x80x128xi32, #tpu.memory_space<hbm>>, %arg4: memref<32x80x128xi32, #tpu.memory_space<hbm>>, %arg5: memref<2x10112x128xf32, #tpu.memory_space<hbm>>, %arg6: memref<40x128xi32, #tpu.memory_space<vmem>>, %arg7: memref<40x128xi32, #tpu.memory_space<vmem>>, %arg8: memref<128x128xf32, #tpu.memory_space<vmem>>, %arg9: memref<128x128xf32, #tpu.memory_space<vmem>>, %arg10: memref<!tpu.dma_semaphore, #tpu.memory_space<semaphore_mem>>, %arg11: memref<!tpu.dma_semaphore, #tpu.memory_space<semaphore_mem>>, %arg12: memref<10112x128xf32, #tpu.memory_space<vmem_shared>>) attributes {dimension_semantics = [#tpu.dimension_semantics<core_parallel>, #tpu.dimension_semantics<subcore_parallel>], iteration_bounds = array<i64: 2, 16>, scalar_prefetch = 0 : i64, scratch_operands = 7 : i64, tpu.core_type = #tpu.core_type<sc_vector_subcore>, window_params = [{transform_indices = #map}, {transform_indices = #map1}, {transform_indices = #map1}, {transform_indices = #map1}]} {
    %mul3A = arith.constant 2 : i32
    %mul3A_0 = arith.muli %arg1, %mul3A : i32
    %add3A = arith.addi %mul3A_0, %arg0 : i32
    %scan3A = arith.constant 0 : i32
    %scan3A_1 = arith.constant 0 : i32
    %scan3A_2 = arith.constant 1024 : i32
    %scan3A_3 = arith.addi %scan3A_1, %scan3A_2 : i32
    %scan3A_4 = arith.constant 1 : i32
    scf.for %scan3A_44 = %scan3A_1 to %scan3A_3 step %scan3A_4  : i32 {
      %jit3A = arith.constant 8 : i32
      %div3A = arith.divsi %scan3A_44, %jit3A : i32
      %sign3A = arith.constant 0 : i32
      %sign3A_45 = arith.cmpi sgt, %scan3A_44, %sign3A : i32
      %sign3A_46 = arith.extui %sign3A_45 : i1 to i32
      %sign3A_47 = arith.constant 0 : i32
      %sign3A_48 = arith.cmpi slt, %scan3A_44, %sign3A_47 : i32
      %sign3A_49 = arith.extui %sign3A_48 : i1 to i32
      %sign3A_50 = arith.subi %sign3A_46, %sign3A_49 : i32
      %sign3A_51 = arith.constant 0 : i32
      %sign3A_52 = arith.cmpi sgt, %jit3A, %sign3A_51 : i32
      %sign3A_53 = arith.extui %sign3A_52 : i1 to i32
      %sign3A_54 = arith.constant 0 : i32
      %sign3A_55 = arith.cmpi slt, %jit3A, %sign3A_54 : i32
      %sign3A_56 = arith.extui %sign3A_55 : i1 to i32
      %sign3A_57 = arith.subi %sign3A_53, %sign3A_56 : i32
      %ne3A = arith.cmpi ne, %sign3A_50, %sign3A_57 : i32
      %rem3A = arith.remsi %scan3A_44, %jit3A : i32
      %ne3A_58 = arith.constant 0 : i32
      %ne3A_59 = arith.cmpi ne, %rem3A, %ne3A_58 : i32
      %and3A = arith.andi %ne3A, %ne3A_59 : i1
      %sub3A = arith.constant 1 : i32
      %sub3A_60 = arith.subi %div3A, %sub3A : i32
      %select_n3A = arith.select %and3A, %sub3A_60, %div3A : i32
      %jit3A_61 = arith.constant 8 : i32
      %eq3A = arith.constant 0 : i32
      %eq3A_62 = arith.cmpi eq, %jit3A_61, %eq3A : i32
      %jit3A_63 = arith.constant 1 : i32
      %select_n3A_64 = arith.select %eq3A_62, %jit3A_63, %jit3A_61 : i32
      %rem3A_65 = arith.remsi %scan3A_44, %select_n3A_64 : i32
      %ne3A_66 = arith.constant 0 : i32
      %ne3A_67 = arith.cmpi ne, %rem3A_65, %ne3A_66 : i32
      %lt3A = arith.constant 0 : i32
      %lt3A_68 = arith.cmpi slt, %rem3A_65, %lt3A : i32
      %lt3A_69 = arith.constant 0 : i32
      %lt3A_70 = arith.cmpi slt, %select_n3A_64, %lt3A_69 : i32
      %ne3A_71 = arith.xori %lt3A_68, %lt3A_70 : i1
      %and3A_72 = arith.andi %ne3A_71, %ne3A_67 : i1
      %add3A_73 = arith.addi %rem3A_65, %select_n3A_64 : i32
      %select_n3A_74 = arith.select %and3A_72, %add3A_73, %rem3A_65 : i32
      %mul3A_75 = arith.constant 16 : i32
      %mul3A_76 = arith.muli %select_n3A_74, %mul3A_75 : i32
      %broadcast_in_dim3A = arith.constant 0.000000e+00 : f32
      %broadcast_in_dim3A_77 = vector.broadcast %broadcast_in_dim3A : f32 to vector<16xf32>
      %swap3A = arith.index_cast %select_n3A : i32 to index
      %swap3A_78 = arith.index_cast %mul3A_76 : i32 to index
      %swap3A_79 = tpu.vector_load %arg8[%swap3A, %swap3A_78] {strides = array<i32>} : memref<128x128xf32, #tpu.memory_space<vmem>>, vector<1x16xf32>,
      %swap3A_80 = vector.shape_cast %swap3A_79 : vector<1x16xf32> to vector<16xf32>
      %swap3A_81 = vector.shape_cast %broadcast_in_dim3A_77 : vector<16xf32> to vector<1x16xf32>
      tpu.vector_store %arg8[%swap3A, %swap3A_78], %swap3A_81 {strides = array<i32>} : memref<128x128xf32, #tpu.memory_space<vmem>>, vector<1x16xf32>,
    }
    %scan3A_5 = arith.constant 1024 : i32
    %mul3A_6 = arith.constant 632 : i32
    %mul3A_7 = arith.muli %arg1, %mul3A_6 : i32
    %add3A_8 = arith.constant 0 : i32
    %add3A_9 = arith.addi %mul3A_7, %add3A_8 : i32
    "tpu.region"() ({
      %run_scoped3A = tpu.sem_alloc : memref<!tpu.dma_semaphore, #tpu.memory_space<semaphore_mem>>
      %dma_start3A_44 = arith.constant 0 : i32
      %dma_start3A_45 = arith.constant 0 : i32
      %dma_start3A_46 = tpu.memref_slice %arg8[%dma_start3A_44, %dma_start3A_45] : memref<128x128xf32, #tpu.memory_space<vmem>> -> memref<128x128xf32, #tpu.memory_space<vmem>>
      %dma_start3A_47 = arith.constant 0 : i32
      %dma_start3A_48 = tpu.memref_slice %arg12[%add3A_9, %dma_start3A_47] : memref<10112x128xf32, #tpu.memory_space<vmem_shared>> -> memref<128x128xf32, #tpu.memory_space<vmem_shared>>
      %dma_start3A_49 = arith.constant 0 : i32
      %dma_start3A_50 = tpu.memref_slice %arg12[%add3A_9, %dma_start3A_49] : memref<10112x128xf32, #tpu.memory_space<vmem_shared>> -> memref<128x128xf32, #tpu.memory_space<vmem_shared>>
      %dma_start3A_51 = arith.constant 0 : i32
      %dma_start3A_52 = arith.constant 0 : i32
      %dma_start3A_53 = tpu.memref_slice %arg8[%dma_start3A_51, %dma_start3A_52] : memref<128x128xf32, #tpu.memory_space<vmem>> -> memref<128x128xf32, #tpu.memory_space<vmem>>
      tpu.enqueue_dma source(%dma_start3A_53 : memref<128x128xf32, #tpu.memory_space<vmem>>) target(%dma_start3A_50 : memref<128x128xf32, #tpu.memory_space<vmem_shared>>) target_semaphore(%run_scoped3A : memref<!tpu.dma_semaphore, #tpu.memory_space<semaphore_mem>>)
      %dma_wait3A = arith.constant 0 : i32
      %dma_wait3A_54 = arith.constant 0 : i32
      %dma_wait3A_55 = tpu.memref_slice %arg8[%dma_wait3A, %dma_wait3A_54] : memref<128x128xf32, #tpu.memory_space<vmem>> -> memref<128x128xf32, #tpu.memory_space<vmem>>
      %dma_wait3A_56 = arith.constant 0 : i32
      %dma_wait3A_57 = tpu.memref_slice %arg12[%add3A_9, %dma_wait3A_56] : memref<10112x128xf32, #tpu.memory_space<vmem_shared>> -> memref<128x128xf32, #tpu.memory_space<vmem_shared>>
      %dma_wait3A_58 = arith.constant 0 : i32
      %dma_wait3A_59 = tpu.memref_slice %arg12[%add3A_9, %dma_wait3A_58] : memref<10112x128xf32, #tpu.memory_space<vmem_shared>> -> memref<128x128xf32, #tpu.memory_space<vmem_shared>>
      %dma_wait3A_60 = arith.constant 0 : i32
      %dma_wait3A_61 = arith.constant 0 : i32
      %dma_wait3A_62 = tpu.memref_slice %arg8[%dma_wait3A_60, %dma_wait3A_61] : memref<128x128xf32, #tpu.memory_space<vmem>> -> memref<128x128xf32, #tpu.memory_space<vmem>>
      tpu.wait_dma2 semaphore(%run_scoped3A : memref<!tpu.dma_semaphore, #tpu.memory_space<semaphore_mem>>) src(%dma_wait3A_62 : memref<128x128xf32, #tpu.memory_space<vmem>>) dst(%dma_wait3A_59 : memref<128x128xf32, #tpu.memory_space<vmem_shared>>)
      tpu.yield
    }) : () -> ()
    %add3A_10 = arith.constant 128 : i32
    %add3A_11 = arith.addi %mul3A_7, %add3A_10 : i32
    "tpu.region"() ({
      %run_scoped3A = tpu.sem_alloc : memref<!tpu.dma_semaphore, #tpu.memory_space<semaphore_mem>>
      %dma_start3A_44 = arith.constant 0 : i32
      %dma_start3A_45 = arith.constant 0 : i32
      %dma_start3A_46 = tpu.memref_slice %arg8[%dma_start3A_44, %dma_start3A_45] : memref<128x128xf32, #tpu.memory_space<vmem>> -> memref<128x128xf32, #tpu.memory_space<vmem>>
      %dma_start3A_47 = arith.constant 0 : i32
      %dma_start3A_48 = tpu.memref_slice %arg12[%add3A_11, %dma_start3A_47] : memref<10112x128xf32, #tpu.memory_space<vmem_shared>> -> memref<128x128xf32, #tpu.memory_space<vmem_shared>>
      %dma_start3A_49 = arith.constant 0 : i32
      %dma_start3A_50 = tpu.memref_slice %arg12[%add3A_11, %dma_start3A_49] : memref<10112x128xf32, #tpu.memory_space<vmem_shared>> -> memref<128x128xf32, #tpu.memory_space<vmem_shared>>
      %dma_start3A_51 = arith.constant 0 : i32
      %dma_start3A_52 = arith.constant 0 : i32
      %dma_start3A_53 = tpu.memref_slice %arg8[%dma_start3A_51, %dma_start3A_52] : memref<128x128xf32, #tpu.memory_space<vmem>> -> memref<128x128xf32, #tpu.memory_space<vmem>>
      tpu.enqueue_dma source(%dma_start3A_53 : memref<128x128xf32, #tpu.memory_space<vmem>>) target(%dma_start3A_50 : memref<128x128xf32, #tpu.memory_space<vmem_shared>>) target_semaphore(%run_scoped3A : memref<!tpu.dma_semaphore, #tpu.memory_space<semaphore_mem>>)
      %dma_wait3A = arith.constant 0 : i32
      %dma_wait3A_54 = arith.constant 0 : i32
      %dma_wait3A_55 = tpu.memref_slice %arg8[%dma_wait3A, %dma_wait3A_54] : memref<128x128xf32, #tpu.memory_space<vmem>> -> memref<128x128xf32, #tpu.memory_space<vmem>>
      %dma_wait3A_56 = arith.constant 0 : i32
      %dma_wait3A_57 = tpu.memref_slice %arg12[%add3A_11, %dma_wait3A_56] : memref<10112x128xf32, #tpu.memory_space<vmem_shared>> -> memref<128x128xf32, #tpu.memory_space<vmem_shared>>
      %dma_wait3A_58 = arith.constant 0 : i32
      %dma_wait3A_59 = tpu.memref_slice %arg12[%add3A_11, %dma_wait3A_58] : memref<10112x128xf32, #tpu.memory_space<vmem_shared>> -> memref<128x128xf32, #tpu.memory_space<vmem_shared>>
      %dma_wait3A_60 = arith.constant 0 : i32
      %dma_wait3A_61 = arith.constant 0 : i32
      %dma_wait3A_62 = tpu.memref_slice %arg8[%dma_wait3A_60, %dma_wait3A_61] : memref<128x128xf32, #tpu.memory_space<vmem>> -> memref<128x128xf32, #tpu.memory_space<vmem>>
      tpu.wait_dma2 semaphore(%run_scoped3A : memref<!tpu.dma_semaphore, #tpu.memory_space<semaphore_mem>>) src(%dma_wait3A_62 : memref<128x128xf32, #tpu.memory_space<vmem>>) dst(%dma_wait3A_59 : memref<128x128xf32, #tpu.memory_space<vmem_shared>>)
      tpu.yield
    }) : () -> ()
    %add3A_12 = arith.constant 256 : i32
    %add3A_13 = arith.addi %mul3A_7, %add3A_12 : i32
    "tpu.region"() ({
      %run_scoped3A = tpu.sem_alloc : memref<!tpu.dma_semaphore, #tpu.memory_space<semaphore_mem>>
      %dma_start3A_44 = arith.constant 0 : i32
      %dma_start3A_45 = arith.constant 0 : i32
      %dma_start3A_46 = tpu.memref_slice %arg8[%dma_start3A_44, %dma_start3A_45] : memref<128x128xf32, #tpu.memory_space<vmem>> -> memref<128x128xf32, #tpu.memory_space<vmem>>
      %dma_start3A_47 = arith.constant 0 : i32
      %dma_start3A_48 = tpu.memref_slice %arg12[%add3A_13, %dma_start3A_47] : memref<10112x128xf32, #tpu.memory_space<vmem_shared>> -> memref<128x128xf32, #tpu.memory_space<vmem_shared>>
      %dma_start3A_49 = arith.constant 0 : i32
      %dma_start3A_50 = tpu.memref_slice %arg12[%add3A_13, %dma_start3A_49] : memref<10112x128xf32, #tpu.memory_space<vmem_shared>> -> memref<128x128xf32, #tpu.memory_space<vmem_shared>>
      %dma_start3A_51 = arith.constant 0 : i32
      %dma_start3A_52 = arith.constant 0 : i32
      %dma_start3A_53 = tpu.memref_slice %arg8[%dma_start3A_51, %dma_start3A_52] : memref<128x128xf32, #tpu.memory_space<vmem>> -> memref<128x128xf32, #tpu.memory_space<vmem>>
      tpu.enqueue_dma source(%dma_start3A_53 : memref<128x128xf32, #tpu.memory_space<vmem>>) target(%dma_start3A_50 : memref<128x128xf32, #tpu.memory_space<vmem_shared>>) target_semaphore(%run_scoped3A : memref<!tpu.dma_semaphore, #tpu.memory_space<semaphore_mem>>)
      %dma_wait3A = arith.constant 0 : i32
      %dma_wait3A_54 = arith.constant 0 : i32
      %dma_wait3A_55 = tpu.memref_slice %arg8[%dma_wait3A, %dma_wait3A_54] : memref<128x128xf32, #tpu.memory_space<vmem>> -> memref<128x128xf32, #tpu.memory_space<vmem>>
      %dma_wait3A_56 = arith.constant 0 : i32
      %dma_wait3A_57 = tpu.memref_slice %arg12[%add3A_13, %dma_wait3A_56] : memref<10112x128xf32, #tpu.memory_space<vmem_shared>> -> memref<128x128xf32, #tpu.memory_space<vmem_shared>>
      %dma_wait3A_58 = arith.constant 0 : i32
      %dma_wait3A_59 = tpu.memref_slice %arg12[%add3A_13, %dma_wait3A_58] : memref<10112x128xf32, #tpu.memory_space<vmem_shared>> -> memref<128x128xf32, #tpu.memory_space<vmem_shared>>
      %dma_wait3A_60 = arith.constant 0 : i32
      %dma_wait3A_61 = arith.constant 0 : i32
      %dma_wait3A_62 = tpu.memref_slice %arg8[%dma_wait3A_60, %dma_wait3A_61] : memref<128x128xf32, #tpu.memory_space<vmem>> -> memref<128x128xf32, #tpu.memory_space<vmem>>
      tpu.wait_dma2 semaphore(%run_scoped3A : memref<!tpu.dma_semaphore, #tpu.memory_space<semaphore_mem>>) src(%dma_wait3A_62 : memref<128x128xf32, #tpu.memory_space<vmem>>) dst(%dma_wait3A_59 : memref<128x128xf32, #tpu.memory_space<vmem_shared>>)
      tpu.yield
    }) : () -> ()
    %add3A_14 = arith.constant 384 : i32
    %add3A_15 = arith.addi %mul3A_7, %add3A_14 : i32
    "tpu.region"() ({
      %run_scoped3A = tpu.sem_alloc : memref<!tpu.dma_semaphore, #tpu.memory_space<semaphore_mem>>
      %dma_start3A_44 = arith.constant 0 : i32
      %dma_start3A_45 = arith.constant 0 : i32
      %dma_start3A_46 = tpu.memref_slice %arg8[%dma_start3A_44, %dma_start3A_45] : memref<128x128xf32, #tpu.memory_space<vmem>> -> memref<128x128xf32, #tpu.memory_space<vmem>>
      %dma_start3A_47 = arith.constant 0 : i32
      %dma_start3A_48 = tpu.memref_slice %arg12[%add3A_15, %dma_start3A_47] : memref<10112x128xf32, #tpu.memory_space<vmem_shared>> -> memref<128x128xf32, #tpu.memory_space<vmem_shared>>
      %dma_start3A_49 = arith.constant 0 : i32
      %dma_start3A_50 = tpu.memref_slice %arg12[%add3A_15, %dma_start3A_49] : memref<10112x128xf32, #tpu.memory_space<vmem_shared>> -> memref<128x128xf32, #tpu.memory_space<vmem_shared>>
      %dma_start3A_51 = arith.constant 0 : i32
      %dma_start3A_52 = arith.constant 0 : i32
      %dma_start3A_53 = tpu.memref_slice %arg8[%dma_start3A_51, %dma_start3A_52] : memref<128x128xf32, #tpu.memory_space<vmem>> -> memref<128x128xf32, #tpu.memory_space<vmem>>
      tpu.enqueue_dma source(%dma_start3A_53 : memref<128x128xf32, #tpu.memory_space<vmem>>) target(%dma_start3A_50 : memref<128x128xf32, #tpu.memory_space<vmem_shared>>) target_semaphore(%run_scoped3A : memref<!tpu.dma_semaphore, #tpu.memory_space<semaphore_mem>>)
      %dma_wait3A = arith.constant 0 : i32
      %dma_wait3A_54 = arith.constant 0 : i32
      %dma_wait3A_55 = tpu.memref_slice %arg8[%dma_wait3A, %dma_wait3A_54] : memref<128x128xf32, #tpu.memory_space<vmem>> -> memref<128x128xf32, #tpu.memory_space<vmem>>
      %dma_wait3A_56 = arith.constant 0 : i32
      %dma_wait3A_57 = tpu.memref_slice %arg12[%add3A_15, %dma_wait3A_56] : memref<10112x128xf32, #tpu.memory_space<vmem_shared>> -> memref<128x128xf32, #tpu.memory_space<vmem_shared>>
      %dma_wait3A_58 = arith.constant 0 : i32
      %dma_wait3A_59 = tpu.memref_slice %arg12[%add3A_15, %dma_wait3A_58] : memref<10112x128xf32, #tpu.memory_space<vmem_shared>> -> memref<128x128xf32, #tpu.memory_space<vmem_shared>>
      %dma_wait3A_60 = arith.constant 0 : i32
      %dma_wait3A_61 = arith.constant 0 : i32
      %dma_wait3A_62 = tpu.memref_slice %arg8[%dma_wait3A_60, %dma_wait3A_61] : memref<128x128xf32, #tpu.memory_space<vmem>> -> memref<128x128xf32, #tpu.memory_space<vmem>>
      tpu.wait_dma2 semaphore(%run_scoped3A : memref<!tpu.dma_semaphore, #tpu.memory_space<semaphore_mem>>) src(%dma_wait3A_62 : memref<128x128xf32, #tpu.memory_space<vmem>>) dst(%dma_wait3A_59 : memref<128x128xf32, #tpu.memory_space<vmem_shared>>)
      tpu.yield
    }) : () -> ()
    %add3A_16 = arith.constant 512 : i32
    %add3A_17 = arith.addi %mul3A_7, %add3A_16 : i32
    "tpu.region"() ({
      %run_scoped3A = tpu.sem_alloc : memref<!tpu.dma_semaphore, #tpu.memory_space<semaphore_mem>>
      %dma_start3A_44 = arith.constant 0 : i32
      %dma_start3A_45 = arith.constant 0 : i32
      %dma_start3A_46 = tpu.memref_slice %arg8[%dma_start3A_44, %dma_start3A_45] : memref<128x128xf32, #tpu.memory_space<vmem>> -> memref<120x128xf32, #tpu.memory_space<vmem>>
      %dma_start3A_47 = arith.constant 0 : i32
      %dma_start3A_48 = tpu.memref_slice %arg12[%add3A_17, %dma_start3A_47] : memref<10112x128xf32, #tpu.memory_space<vmem_shared>> -> memref<120x128xf32, #tpu.memory_space<vmem_shared>>
      %dma_start3A_49 = arith.constant 0 : i32
      %dma_start3A_50 = tpu.memref_slice %arg12[%add3A_17, %dma_start3A_49] : memref<10112x128xf32, #tpu.memory_space<vmem_shared>> -> memref<120x128xf32, #tpu.memory_space<vmem_shared>>
      %dma_start3A_51 = arith.constant 0 : i32
      %dma_start3A_52 = arith.constant 0 : i32
      %dma_start3A_53 = tpu.memref_slice %arg8[%dma_start3A_51, %dma_start3A_52] : memref<128x128xf32, #tpu.memory_space<vmem>> -> memref<120x128xf32, #tpu.memory_space<vmem>>
      tpu.enqueue_dma source(%dma_start3A_53 : memref<120x128xf32, #tpu.memory_space<vmem>>) target(%dma_start3A_50 : memref<120x128xf32, #tpu.memory_space<vmem_shared>>) target_semaphore(%run_scoped3A : memref<!tpu.dma_semaphore, #tpu.memory_space<semaphore_mem>>)
      %dma_wait3A = arith.constant 0 : i32
      %dma_wait3A_54 = arith.constant 0 : i32
      %dma_wait3A_55 = tpu.memref_slice %arg8[%dma_wait3A, %dma_wait3A_54] : memref<128x128xf32, #tpu.memory_space<vmem>> -> memref<120x128xf32, #tpu.memory_space<vmem>>
      %dma_wait3A_56 = arith.constant 0 : i32
      %dma_wait3A_57 = tpu.memref_slice %arg12[%add3A_17, %dma_wait3A_56] : memref<10112x128xf32, #tpu.memory_space<vmem_shared>> -> memref<120x128xf32, #tpu.memory_space<vmem_shared>>
      %dma_wait3A_58 = arith.constant 0 : i32
      %dma_wait3A_59 = tpu.memref_slice %arg12[%add3A_17, %dma_wait3A_58] : memref<10112x128xf32, #tpu.memory_space<vmem_shared>> -> memref<120x128xf32, #tpu.memory_space<vmem_shared>>
      %dma_wait3A_60 = arith.constant 0 : i32
      %dma_wait3A_61 = arith.constant 0 : i32
      %dma_wait3A_62 = tpu.memref_slice %arg8[%dma_wait3A_60, %dma_wait3A_61] : memref<128x128xf32, #tpu.memory_space<vmem>> -> memref<120x128xf32, #tpu.memory_space<vmem>>
      tpu.wait_dma2 semaphore(%run_scoped3A : memref<!tpu.dma_semaphore, #tpu.memory_space<semaphore_mem>>) src(%dma_wait3A_62 : memref<120x128xf32, #tpu.memory_space<vmem>>) dst(%dma_wait3A_59 : memref<120x128xf32, #tpu.memory_space<vmem_shared>>)
      tpu.yield
    }) : () -> ()
    %barrier3A = arith.constant 0 : index
    tpu.barrier barrier_id(%barrier3A)
    "tpu.region"() ({
      %run_scoped3A = tpu.sem_alloc : memref<!tpu.dma_semaphore, #tpu.memory_space<semaphore_mem>>
      %dma_start3A_44 = arith.constant 0 : i32
      %dma_start3A_45 = arith.constant 0 : i32
      %dma_start3A_46 = tpu.memref_slice %arg3[%add3A, %dma_start3A_44, %dma_start3A_45] : memref<32x80x128xi32, #tpu.memory_space<hbm>> -> memref<1x40x128xi32, #tpu.memory_space<hbm>>
      %dma_start3A_47 = tpu.memref_squeeze %dma_start3A_46 : memref<1x40x128xi32, #tpu.memory_space<hbm>> -> memref<40x128xi32, #tpu.memory_space<hbm>>
      %dma_start3A_48 = arith.constant 0 : i32
      %dma_start3A_49 = arith.constant 0 : i32
      %dma_start3A_50 = tpu.memref_slice %arg3[%add3A, %dma_start3A_48, %dma_start3A_49] : memref<32x80x128xi32, #tpu.memory_space<hbm>> -> memref<1x40x128xi32, #tpu.memory_space<hbm>>
      %dma_start3A_51 = tpu.memref_squeeze %dma_start3A_50 : memref<1x40x128xi32, #tpu.memory_space<hbm>> -> memref<40x128xi32, #tpu.memory_space<hbm>>
      tpu.enqueue_dma source(%dma_start3A_51 : memref<40x128xi32, #tpu.memory_space<hbm>>) target(%arg6 : memref<40x128xi32, #tpu.memory_space<vmem>>) target_semaphore(%run_scoped3A : memref<!tpu.dma_semaphore, #tpu.memory_space<semaphore_mem>>)
      %dma_wait3A = arith.constant 0 : i32
      %dma_wait3A_52 = arith.constant 0 : i32
      %dma_wait3A_53 = tpu.memref_slice %arg3[%add3A, %dma_wait3A, %dma_wait3A_52] : memref<32x80x128xi32, #tpu.memory_space<hbm>> -> memref<1x40x128xi32, #tpu.memory_space<hbm>>
      %dma_wait3A_54 = tpu.memref_squeeze %dma_wait3A_53 : memref<1x40x128xi32, #tpu.memory_space<hbm>> -> memref<40x128xi32, #tpu.memory_space<hbm>>
      %dma_wait3A_55 = arith.constant 0 : i32
      %dma_wait3A_56 = arith.constant 0 : i32
      %dma_wait3A_57 = tpu.memref_slice %arg3[%add3A, %dma_wait3A_55, %dma_wait3A_56] : memref<32x80x128xi32, #tpu.memory_space<hbm>> -> memref<1x40x128xi32, #tpu.memory_space<hbm>>
      %dma_wait3A_58 = tpu.memref_squeeze %dma_wait3A_57 : memref<1x40x128xi32, #tpu.memory_space<hbm>> -> memref<40x128xi32, #tpu.memory_space<hbm>>
      tpu.wait_dma2 semaphore(%run_scoped3A : memref<!tpu.dma_semaphore, #tpu.memory_space<semaphore_mem>>) src(%dma_wait3A_58 : memref<40x128xi32, #tpu.memory_space<hbm>>) dst(%arg6 : memref<40x128xi32, #tpu.memory_space<vmem>>)
      tpu.yield
    }) : () -> ()
    "tpu.region"() ({
      %run_scoped3A = tpu.sem_alloc : memref<!tpu.dma_semaphore, #tpu.memory_space<semaphore_mem>>
      %dma_start3A_44 = arith.constant 0 : i32
      %dma_start3A_45 = arith.constant 0 : i32
      %dma_start3A_46 = tpu.memref_slice %arg4[%add3A, %dma_start3A_44, %dma_start3A_45] : memref<32x80x128xi32, #tpu.memory_space<hbm>> -> memref<1x40x128xi32, #tpu.memory_space<hbm>>
      %dma_start3A_47 = tpu.memref_squeeze %dma_start3A_46 : memref<1x40x128xi32, #tpu.memory_space<hbm>> -> memref<40x128xi32, #tpu.memory_space<hbm>>
      %dma_start3A_48 = arith.constant 0 : i32
      %dma_start3A_49 = arith.constant 0 : i32
      %dma_start3A_50 = tpu.memref_slice %arg4[%add3A, %dma_start3A_48, %dma_start3A_49] : memref<32x80x128xi32, #tpu.memory_space<hbm>> -> memref<1x40x128xi32, #tpu.memory_space<hbm>>
      %dma_start3A_51 = tpu.memref_squeeze %dma_start3A_50 : memref<1x40x128xi32, #tpu.memory_space<hbm>> -> memref<40x128xi32, #tpu.memory_space<hbm>>
      tpu.enqueue_dma source(%dma_start3A_51 : memref<40x128xi32, #tpu.memory_space<hbm>>) target(%arg7 : memref<40x128xi32, #tpu.memory_space<vmem>>) target_semaphore(%run_scoped3A : memref<!tpu.dma_semaphore, #tpu.memory_space<semaphore_mem>>)
      %dma_wait3A = arith.constant 0 : i32
      %dma_wait3A_52 = arith.constant 0 : i32
      %dma_wait3A_53 = tpu.memref_slice %arg4[%add3A, %dma_wait3A, %dma_wait3A_52] : memref<32x80x128xi32, #tpu.memory_space<hbm>> -> memref<1x40x128xi32, #tpu.memory_space<hbm>>
      %dma_wait3A_54 = tpu.memref_squeeze %dma_wait3A_53 : memref<1x40x128xi32, #tpu.memory_space<hbm>> -> memref<40x128xi32, #tpu.memory_space<hbm>>
      %dma_wait3A_55 = arith.constant 0 : i32
      %dma_wait3A_56 = arith.constant 0 : i32
      %dma_wait3A_57 = tpu.memref_slice %arg4[%add3A, %dma_wait3A_55, %dma_wait3A_56] : memref<32x80x128xi32, #tpu.memory_space<hbm>> -> memref<1x40x128xi32, #tpu.memory_space<hbm>>
      %dma_wait3A_58 = tpu.memref_squeeze %dma_wait3A_57 : memref<1x40x128xi32, #tpu.memory_space<hbm>> -> memref<40x128xi32, #tpu.memory_space<hbm>>
      tpu.wait_dma2 semaphore(%run_scoped3A : memref<!tpu.dma_semaphore, #tpu.memory_space<semaphore_mem>>) src(%dma_wait3A_58 : memref<40x128xi32, #tpu.memory_space<hbm>>) dst(%arg7 : memref<40x128xi32, #tpu.memory_space<vmem>>)
      tpu.yield
    }) : () -> ()
    %dma_start3A = arith.constant 0 : i32
    %dma_start3A_18 = arith.constant 0 : i32
    %dma_start3A_19 = tpu.memref_slice %arg6[%dma_start3A, %dma_start3A_18] : memref<40x128xi32, #tpu.memory_space<vmem>> -> memref<1x128xi32, #tpu.memory_space<vmem>>
    %dma_start3A_20 = tpu.memref_squeeze %dma_start3A_19 : memref<1x128xi32, #tpu.memory_space<vmem>> -> memref<128xi32, #tpu.memory_space<vmem>>
    %dma_start3A_21 = arith.constant 0 : i32
    %dma_start3A_22 = arith.constant 0 : i32
    %dma_start3A_23 = tpu.memref_slice %arg2[%dma_start3A_21, %dma_start3A_22] : memref<10000x128xf32, #tpu.memory_space<hbm>> -> memref<10000x128xf32, #tpu.memory_space<hbm>>
    tpu.enqueue_indirect_dma source(%dma_start3A_23 : memref<10000x128xf32, #tpu.memory_space<hbm>>) target(%arg8 : memref<128x128xf32, #tpu.memory_space<vmem>>) offsets(%dma_start3A_20 : memref<128xi32, #tpu.memory_space<vmem>>) semaphore(%arg10 : memref<!tpu.dma_semaphore, #tpu.memory_space<semaphore_mem>>)
    %scan3A_24 = arith.constant 0 : i32
    %scan3A_25 = arith.constant 0 : i32
    %scan3A_26 = arith.constant 20 : i32
    %scan3A_27 = arith.addi %scan3A_25, %scan3A_26 : i32
    %scan3A_28 = arith.constant 1 : i32
    scf.for %scan3A_44 = %scan3A_25 to %scan3A_27 step %scan3A_28  : i32 {
      %mul3A_45 = arith.constant 2 : i32
      %mul3A_46 = arith.muli %mul3A_45, %scan3A_44 : i32
      %dma_wait3A = arith.constant 0 : i32
      %dma_wait3A_47 = tpu.memref_slice %arg6[%mul3A_46, %dma_wait3A] : memref<40x128xi32, #tpu.memory_space<vmem>> -> memref<1x128xi32, #tpu.memory_space<vmem>>
      %dma_wait3A_48 = tpu.memref_squeeze %dma_wait3A_47 : memref<1x128xi32, #tpu.memory_space<vmem>> -> memref<128xi32, #tpu.memory_space<vmem>>
      %dma_wait3A_49 = arith.constant 0 : i32
      %dma_wait3A_50 = arith.constant 0 : i32
      %dma_wait3A_51 = tpu.memref_slice %arg2[%dma_wait3A_49, %dma_wait3A_50] : memref<10000x128xf32, #tpu.memory_space<hbm>> -> memref<10000x128xf32, #tpu.memory_space<hbm>>
      tpu.wait_indirect_dma semaphore(%arg10 : memref<!tpu.dma_semaphore, #tpu.memory_space<semaphore_mem>>) src(%dma_wait3A_51 : memref<10000x128xf32, #tpu.memory_space<hbm>>) dst(%arg8 : memref<128x128xf32, #tpu.memory_space<vmem>>)
      %add3A_52 = arith.constant 1 : i32
      %add3A_53 = arith.addi %mul3A_46, %add3A_52 : i32
      %dma_start3A_54 = arith.constant 0 : i32
      %dma_start3A_55 = tpu.memref_slice %arg6[%add3A_53, %dma_start3A_54] : memref<40x128xi32, #tpu.memory_space<vmem>> -> memref<1x128xi32, #tpu.memory_space<vmem>>
      %dma_start3A_56 = tpu.memref_squeeze %dma_start3A_55 : memref<1x128xi32, #tpu.memory_space<vmem>> -> memref<128xi32, #tpu.memory_space<vmem>>
      %dma_start3A_57 = arith.constant 0 : i32
      %dma_start3A_58 = arith.constant 0 : i32
      %dma_start3A_59 = tpu.memref_slice %arg2[%dma_start3A_57, %dma_start3A_58] : memref<10000x128xf32, #tpu.memory_space<hbm>> -> memref<10000x128xf32, #tpu.memory_space<hbm>>
      tpu.enqueue_indirect_dma source(%dma_start3A_59 : memref<10000x128xf32, #tpu.memory_space<hbm>>) target(%arg9 : memref<128x128xf32, #tpu.memory_space<vmem>>) offsets(%dma_start3A_56 : memref<128xi32, #tpu.memory_space<vmem>>) semaphore(%arg11 : memref<!tpu.dma_semaphore, #tpu.memory_space<semaphore_mem>>)
      "tpu.region"() ({
        %run_scoped3A = tpu.sem_alloc : memref<!tpu.dma_semaphore, #tpu.memory_space<semaphore_mem>>
        %dma_start3A_72 = arith.constant 0 : i32
        %dma_start3A_73 = tpu.memref_slice %arg7[%mul3A_46, %dma_start3A_72] : memref<40x128xi32, #tpu.memory_space<vmem>> -> memref<1x128xi32, #tpu.memory_space<vmem>>
        %dma_start3A_74 = tpu.memref_squeeze %dma_start3A_73 : memref<1x128xi32, #tpu.memory_space<vmem>> -> memref<128xi32, #tpu.memory_space<vmem>>
        %dma_start3A_75 = arith.constant 0 : i32
        %dma_start3A_76 = arith.constant 0 : i32
        %dma_start3A_77 = tpu.memref_slice %arg12[%dma_start3A_75, %dma_start3A_76] : memref<10112x128xf32, #tpu.memory_space<vmem_shared>> -> memref<10112x128xf32, #tpu.memory_space<vmem_shared>>
        tpu.enqueue_indirect_dma source(%arg8 : memref<128x128xf32, #tpu.memory_space<vmem>>) target(%dma_start3A_77 : memref<10112x128xf32, #tpu.memory_space<vmem_shared>>) offsets(%dma_start3A_74 : memref<128xi32, #tpu.memory_space<vmem>>) semaphore(%run_scoped3A : memref<!tpu.dma_semaphore, #tpu.memory_space<semaphore_mem>>) {add = true}
        %dma_wait3A_78 = arith.constant 0 : i32
        %dma_wait3A_79 = tpu.memref_slice %arg7[%mul3A_46, %dma_wait3A_78] : memref<40x128xi32, #tpu.memory_space<vmem>> -> memref<1x128xi32, #tpu.memory_space<vmem>>
        %dma_wait3A_80 = tpu.memref_squeeze %dma_wait3A_79 : memref<1x128xi32, #tpu.memory_space<vmem>> -> memref<128xi32, #tpu.memory_space<vmem>>
        %dma_wait3A_81 = arith.constant 0 : i32
        %dma_wait3A_82 = arith.constant 0 : i32
        %dma_wait3A_83 = tpu.memref_slice %arg12[%dma_wait3A_81, %dma_wait3A_82] : memref<10112x128xf32, #tpu.memory_space<vmem_shared>> -> memref<10112x128xf32, #tpu.memory_space<vmem_shared>>
        tpu.wait_indirect_dma semaphore(%run_scoped3A : memref<!tpu.dma_semaphore, #tpu.memory_space<semaphore_mem>>) src(%arg8 : memref<128x128xf32, #tpu.memory_space<vmem>>) dst(%dma_wait3A_83 : memref<10112x128xf32, #tpu.memory_space<vmem_shared>>)
        tpu.yield
      }) : () -> ()
      %add3A_60 = arith.constant 1 : i32
      %add3A_61 = arith.addi %mul3A_46, %add3A_60 : i32
      %dma_wait3A_62 = arith.constant 0 : i32
      %dma_wait3A_63 = tpu.memref_slice %arg6[%add3A_61, %dma_wait3A_62] : memref<40x128xi32, #tpu.memory_space<vmem>> -> memref<1x128xi32, #tpu.memory_space<vmem>>
      %dma_wait3A_64 = tpu.memref_squeeze %dma_wait3A_63 : memref<1x128xi32, #tpu.memory_space<vmem>> -> memref<128xi32, #tpu.memory_space<vmem>>
      %dma_wait3A_65 = arith.constant 0 : i32
      %dma_wait3A_66 = arith.constant 0 : i32
      %dma_wait3A_67 = tpu.memref_slice %arg2[%dma_wait3A_65, %dma_wait3A_66] : memref<10000x128xf32, #tpu.memory_space<hbm>> -> memref<10000x128xf32, #tpu.memory_space<hbm>>
      tpu.wait_indirect_dma semaphore(%arg11 : memref<!tpu.dma_semaphore, #tpu.memory_space<semaphore_mem>>) src(%dma_wait3A_67 : memref<10000x128xf32, #tpu.memory_space<hbm>>) dst(%arg9 : memref<128x128xf32, #tpu.memory_space<vmem>>)
      %lt3A = arith.constant 19 : i32
      %lt3A_68 = arith.cmpi slt, %scan3A_44, %lt3A : i32
      %convert_element_type3A = arith.extui %lt3A_68 : i1 to i32
      %cond3A = arith.constant 0 : i32
      %cond3A_69 = arith.cmpi ne, %convert_element_type3A, %cond3A : i32
      scf.if %cond3A_69 {
        %add3A_72 = arith.constant 2 : i32
        %add3A_73 = arith.addi %mul3A_46, %add3A_72 : i32
        %dma_start3A_74 = arith.constant 0 : i32
        %dma_start3A_75 = tpu.memref_slice %arg6[%add3A_73, %dma_start3A_74] : memref<40x128xi32, #tpu.memory_space<vmem>> -> memref<1x128xi32, #tpu.memory_space<vmem>>
        %dma_start3A_76 = tpu.memref_squeeze %dma_start3A_75 : memref<1x128xi32, #tpu.memory_space<vmem>> -> memref<128xi32, #tpu.memory_space<vmem>>
        %dma_start3A_77 = arith.constant 0 : i32
        %dma_start3A_78 = arith.constant 0 : i32
        %dma_start3A_79 = tpu.memref_slice %arg2[%dma_start3A_77, %dma_start3A_78] : memref<10000x128xf32, #tpu.memory_space<hbm>> -> memref<10000x128xf32, #tpu.memory_space<hbm>>
        tpu.enqueue_indirect_dma source(%dma_start3A_79 : memref<10000x128xf32, #tpu.memory_space<hbm>>) target(%arg8 : memref<128x128xf32, #tpu.memory_space<vmem>>) offsets(%dma_start3A_76 : memref<128xi32, #tpu.memory_space<vmem>>) semaphore(%arg10 : memref<!tpu.dma_semaphore, #tpu.memory_space<semaphore_mem>>)
      } else {
      }
      %add3A_70 = arith.constant 1 : i32
      %add3A_71 = arith.addi %mul3A_46, %add3A_70 : i32
      "tpu.region"() ({
        %run_scoped3A = tpu.sem_alloc : memref<!tpu.dma_semaphore, #tpu.memory_space<semaphore_mem>>
        %dma_start3A_72 = arith.constant 0 : i32
        %dma_start3A_73 = tpu.memref_slice %arg7[%add3A_71, %dma_start3A_72] : memref<40x128xi32, #tpu.memory_space<vmem>> -> memref<1x128xi32, #tpu.memory_space<vmem>>
        %dma_start3A_74 = tpu.memref_squeeze %dma_start3A_73 : memref<1x128xi32, #tpu.memory_space<vmem>> -> memref<128xi32, #tpu.memory_space<vmem>>
        %dma_start3A_75 = arith.constant 0 : i32
        %dma_start3A_76 = arith.constant 0 : i32
        %dma_start3A_77 = tpu.memref_slice %arg12[%dma_start3A_75, %dma_start3A_76] : memref<10112x128xf32, #tpu.memory_space<vmem_shared>> -> memref<10112x128xf32, #tpu.memory_space<vmem_shared>>
        tpu.enqueue_indirect_dma source(%arg9 : memref<128x128xf32, #tpu.memory_space<vmem>>) target(%dma_start3A_77 : memref<10112x128xf32, #tpu.memory_space<vmem_shared>>) offsets(%dma_start3A_74 : memref<128xi32, #tpu.memory_space<vmem>>) semaphore(%run_scoped3A : memref<!tpu.dma_semaphore, #tpu.memory_space<semaphore_mem>>) {add = true}
        %dma_wait3A_78 = arith.constant 0 : i32
        %dma_wait3A_79 = tpu.memref_slice %arg7[%add3A_71, %dma_wait3A_78] : memref<40x128xi32, #tpu.memory_space<vmem>> -> memref<1x128xi32, #tpu.memory_space<vmem>>
        %dma_wait3A_80 = tpu.memref_squeeze %dma_wait3A_79 : memref<1x128xi32, #tpu.memory_space<vmem>> -> memref<128xi32, #tpu.memory_space<vmem>>
        %dma_wait3A_81 = arith.constant 0 : i32
        %dma_wait3A_82 = arith.constant 0 : i32
        %dma_wait3A_83 = tpu.memref_slice %arg12[%dma_wait3A_81, %dma_wait3A_82] : memref<10112x128xf32, #tpu.memory_space<vmem_shared>> -> memref<10112x128xf32, #tpu.memory_space<vmem_shared>>
        tpu.wait_indirect_dma semaphore(%run_scoped3A : memref<!tpu.dma_semaphore, #tpu.memory_space<semaphore_mem>>) src(%arg9 : memref<128x128xf32, #tpu.memory_space<vmem>>) dst(%dma_wait3A_83 : memref<10112x128xf32, #tpu.memory_space<vmem_shared>>)
        tpu.yield
      }) : () -> ()
    }
    %scan3A_29 = arith.constant 20 : i32
    "tpu.region"() ({
      %run_scoped3A = tpu.sem_alloc : memref<!tpu.dma_semaphore, #tpu.memory_space<semaphore_mem>>
      %dma_start3A_44 = arith.constant 40 : i32
      %dma_start3A_45 = arith.constant 0 : i32
      %dma_start3A_46 = tpu.memref_slice %arg3[%add3A, %dma_start3A_44, %dma_start3A_45] : memref<32x80x128xi32, #tpu.memory_space<hbm>> -> memref<1x40x128xi32, #tpu.memory_space<hbm>>
      %dma_start3A_47 = tpu.memref_squeeze %dma_start3A_46 : memref<1x40x128xi32, #tpu.memory_space<hbm>> -> memref<40x128xi32, #tpu.memory_space<hbm>>
      %dma_start3A_48 = arith.constant 40 : i32
      %dma_start3A_49 = arith.constant 0 : i32
      %dma_start3A_50 = tpu.memref_slice %arg3[%add3A, %dma_start3A_48, %dma_start3A_49] : memref<32x80x128xi32, #tpu.memory_space<hbm>> -> memref<1x40x128xi32, #tpu.memory_space<hbm>>
      %dma_start3A_51 = tpu.memref_squeeze %dma_start3A_50 : memref<1x40x128xi32, #tpu.memory_space<hbm>> -> memref<40x128xi32, #tpu.memory_space<hbm>>
      tpu.enqueue_dma source(%dma_start3A_51 : memref<40x128xi32, #tpu.memory_space<hbm>>) target(%arg6 : memref<40x128xi32, #tpu.memory_space<vmem>>) target_semaphore(%run_scoped3A : memref<!tpu.dma_semaphore, #tpu.memory_space<semaphore_mem>>)
      %dma_wait3A = arith.constant 40 : i32
      %dma_wait3A_52 = arith.constant 0 : i32
      %dma_wait3A_53 = tpu.memref_slice %arg3[%add3A, %dma_wait3A, %dma_wait3A_52] : memref<32x80x128xi32, #tpu.memory_space<hbm>> -> memref<1x40x128xi32, #tpu.memory_space<hbm>>
      %dma_wait3A_54 = tpu.memref_squeeze %dma_wait3A_53 : memref<1x40x128xi32, #tpu.memory_space<hbm>> -> memref<40x128xi32, #tpu.memory_space<hbm>>
      %dma_wait3A_55 = arith.constant 40 : i32
      %dma_wait3A_56 = arith.constant 0 : i32
      %dma_wait3A_57 = tpu.memref_slice %arg3[%add3A, %dma_wait3A_55, %dma_wait3A_56] : memref<32x80x128xi32, #tpu.memory_space<hbm>> -> memref<1x40x128xi32, #tpu.memory_space<hbm>>
      %dma_wait3A_58 = tpu.memref_squeeze %dma_wait3A_57 : memref<1x40x128xi32, #tpu.memory_space<hbm>> -> memref<40x128xi32, #tpu.memory_space<hbm>>
      tpu.wait_dma2 semaphore(%run_scoped3A : memref<!tpu.dma_semaphore, #tpu.memory_space<semaphore_mem>>) src(%dma_wait3A_58 : memref<40x128xi32, #tpu.memory_space<hbm>>) dst(%arg6 : memref<40x128xi32, #tpu.memory_space<vmem>>)
      tpu.yield
    }) : () -> ()
    "tpu.region"() ({
      %run_scoped3A = tpu.sem_alloc : memref<!tpu.dma_semaphore, #tpu.memory_space<semaphore_mem>>
      %dma_start3A_44 = arith.constant 40 : i32
      %dma_start3A_45 = arith.constant 0 : i32
      %dma_start3A_46 = tpu.memref_slice %arg4[%add3A, %dma_start3A_44, %dma_start3A_45] : memref<32x80x128xi32, #tpu.memory_space<hbm>> -> memref<1x40x128xi32, #tpu.memory_space<hbm>>
      %dma_start3A_47 = tpu.memref_squeeze %dma_start3A_46 : memref<1x40x128xi32, #tpu.memory_space<hbm>> -> memref<40x128xi32, #tpu.memory_space<hbm>>
      %dma_start3A_48 = arith.constant 40 : i32
      %dma_start3A_49 = arith.constant 0 : i32
      %dma_start3A_50 = tpu.memref_slice %arg4[%add3A, %dma_start3A_48, %dma_start3A_49] : memref<32x80x128xi32, #tpu.memory_space<hbm>> -> memref<1x40x128xi32, #tpu.memory_space<hbm>>
      %dma_start3A_51 = tpu.memref_squeeze %dma_start3A_50 : memref<1x40x128xi32, #tpu.memory_space<hbm>> -> memref<40x128xi32, #tpu.memory_space<hbm>>
      tpu.enqueue_dma source(%dma_start3A_51 : memref<40x128xi32, #tpu.memory_space<hbm>>) target(%arg7 : memref<40x128xi32, #tpu.memory_space<vmem>>) target_semaphore(%run_scoped3A : memref<!tpu.dma_semaphore, #tpu.memory_space<semaphore_mem>>)
      %dma_wait3A = arith.constant 40 : i32
      %dma_wait3A_52 = arith.constant 0 : i32
      %dma_wait3A_53 = tpu.memref_slice %arg4[%add3A, %dma_wait3A, %dma_wait3A_52] : memref<32x80x128xi32, #tpu.memory_space<hbm>> -> memref<1x40x128xi32, #tpu.memory_space<hbm>>
      %dma_wait3A_54 = tpu.memref_squeeze %dma_wait3A_53 : memref<1x40x128xi32, #tpu.memory_space<hbm>> -> memref<40x128xi32, #tpu.memory_space<hbm>>
      %dma_wait3A_55 = arith.constant 40 : i32
      %dma_wait3A_56 = arith.constant 0 : i32
      %dma_wait3A_57 = tpu.memref_slice %arg4[%add3A, %dma_wait3A_55, %dma_wait3A_56] : memref<32x80x128xi32, #tpu.memory_space<hbm>> -> memref<1x40x128xi32, #tpu.memory_space<hbm>>
      %dma_wait3A_58 = tpu.memref_squeeze %dma_wait3A_57 : memref<1x40x128xi32, #tpu.memory_space<hbm>> -> memref<40x128xi32, #tpu.memory_space<hbm>>
      tpu.wait_dma2 semaphore(%run_scoped3A : memref<!tpu.dma_semaphore, #tpu.memory_space<semaphore_mem>>) src(%dma_wait3A_58 : memref<40x128xi32, #tpu.memory_space<hbm>>) dst(%arg7 : memref<40x128xi32, #tpu.memory_space<vmem>>)
      tpu.yield
    }) : () -> ()
    %dma_start3A_30 = arith.constant 0 : i32
    %dma_start3A_31 = arith.constant 0 : i32
    %dma_start3A_32 = tpu.memref_slice %arg6[%dma_start3A_30, %dma_start3A_31] : memref<40x128xi32, #tpu.memory_space<vmem>> -> memref<1x128xi32, #tpu.memory_space<vmem>>
    %dma_start3A_33 = tpu.memref_squeeze %dma_start3A_32 : memref<1x128xi32, #tpu.memory_space<vmem>> -> memref<128xi32, #tpu.memory_space<vmem>>
    %dma_start3A_34 = arith.constant 0 : i32
    %dma_start3A_35 = arith.constant 0 : i32
    %dma_start3A_36 = tpu.memref_slice %arg2[%dma_start3A_34, %dma_start3A_35] : memref<10000x128xf32, #tpu.memory_space<hbm>> -> memref<10000x128xf32, #tpu.memory_space<hbm>>
    tpu.enqueue_indirect_dma source(%dma_start3A_36 : memref<10000x128xf32, #tpu.memory_space<hbm>>) target(%arg8 : memref<128x128xf32, #tpu.memory_space<vmem>>) offsets(%dma_start3A_33 : memref<128xi32, #tpu.memory_space<vmem>>) semaphore(%arg10 : memref<!tpu.dma_semaphore, #tpu.memory_space<semaphore_mem>>)
    %scan3A_37 = arith.constant 0 : i32
    %scan3A_38 = arith.constant 0 : i32
    %scan3A_39 = arith.constant 20 : i32
    %scan3A_40 = arith.addi %scan3A_38, %scan3A_39 : i32
    %scan3A_41 = arith.constant 1 : i32
    scf.for %scan3A_44 = %scan3A_38 to %scan3A_40 step %scan3A_41  : i32 {
      %mul3A_45 = arith.constant 2 : i32
      %mul3A_46 = arith.muli %mul3A_45, %scan3A_44 : i32
      %dma_wait3A = arith.constant 0 : i32
      %dma_wait3A_47 = tpu.memref_slice %arg6[%mul3A_46, %dma_wait3A] : memref<40x128xi32, #tpu.memory_space<vmem>> -> memref<1x128xi32, #tpu.memory_space<vmem>>
      %dma_wait3A_48 = tpu.memref_squeeze %dma_wait3A_47 : memref<1x128xi32, #tpu.memory_space<vmem>> -> memref<128xi32, #tpu.memory_space<vmem>>
      %dma_wait3A_49 = arith.constant 0 : i32
      %dma_wait3A_50 = arith.constant 0 : i32
      %dma_wait3A_51 = tpu.memref_slice %arg2[%dma_wait3A_49, %dma_wait3A_50] : memref<10000x128xf32, #tpu.memory_space<hbm>> -> memref<10000x128xf32, #tpu.memory_space<hbm>>
      tpu.wait_indirect_dma semaphore(%arg10 : memref<!tpu.dma_semaphore, #tpu.memory_space<semaphore_mem>>) src(%dma_wait3A_51 : memref<10000x128xf32, #tpu.memory_space<hbm>>) dst(%arg8 : memref<128x128xf32, #tpu.memory_space<vmem>>)
      %add3A_52 = arith.constant 1 : i32
      %add3A_53 = arith.addi %mul3A_46, %add3A_52 : i32
      %dma_start3A_54 = arith.constant 0 : i32
      %dma_start3A_55 = tpu.memref_slice %arg6[%add3A_53, %dma_start3A_54] : memref<40x128xi32, #tpu.memory_space<vmem>> -> memref<1x128xi32, #tpu.memory_space<vmem>>
      %dma_start3A_56 = tpu.memref_squeeze %dma_start3A_55 : memref<1x128xi32, #tpu.memory_space<vmem>> -> memref<128xi32, #tpu.memory_space<vmem>>
      %dma_start3A_57 = arith.constant 0 : i32
      %dma_start3A_58 = arith.constant 0 : i32
      %dma_start3A_59 = tpu.memref_slice %arg2[%dma_start3A_57, %dma_start3A_58] : memref<10000x128xf32, #tpu.memory_space<hbm>> -> memref<10000x128xf32, #tpu.memory_space<hbm>>
      tpu.enqueue_indirect_dma source(%dma_start3A_59 : memref<10000x128xf32, #tpu.memory_space<hbm>>) target(%arg9 : memref<128x128xf32, #tpu.memory_space<vmem>>) offsets(%dma_start3A_56 : memref<128xi32, #tpu.memory_space<vmem>>) semaphore(%arg11 : memref<!tpu.dma_semaphore, #tpu.memory_space<semaphore_mem>>)
      "tpu.region"() ({
        %run_scoped3A = tpu.sem_alloc : memref<!tpu.dma_semaphore, #tpu.memory_space<semaphore_mem>>
        %dma_start3A_72 = arith.constant 0 : i32
        %dma_start3A_73 = tpu.memref_slice %arg7[%mul3A_46, %dma_start3A_72] : memref<40x128xi32, #tpu.memory_space<vmem>> -> memref<1x128xi32, #tpu.memory_space<vmem>>
        %dma_start3A_74 = tpu.memref_squeeze %dma_start3A_73 : memref<1x128xi32, #tpu.memory_space<vmem>> -> memref<128xi32, #tpu.memory_space<vmem>>
        %dma_start3A_75 = arith.constant 0 : i32
        %dma_start3A_76 = arith.constant 0 : i32
        %dma_start3A_77 = tpu.memref_slice %arg12[%dma_start3A_75, %dma_start3A_76] : memref<10112x128xf32, #tpu.memory_space<vmem_shared>> -> memref<10112x128xf32, #tpu.memory_space<vmem_shared>>
        tpu.enqueue_indirect_dma source(%arg8 : memref<128x128xf32, #tpu.memory_space<vmem>>) target(%dma_start3A_77 : memref<10112x128xf32, #tpu.memory_space<vmem_shared>>) offsets(%dma_start3A_74 : memref<128xi32, #tpu.memory_space<vmem>>) semaphore(%run_scoped3A : memref<!tpu.dma_semaphore, #tpu.memory_space<semaphore_mem>>) {add = true}
        %dma_wait3A_78 = arith.constant 0 : i32
        %dma_wait3A_79 = tpu.memref_slice %arg7[%mul3A_46, %dma_wait3A_78] : memref<40x128xi32, #tpu.memory_space<vmem>> -> memref<1x128xi32, #tpu.memory_space<vmem>>
        %dma_wait3A_80 = tpu.memref_squeeze %dma_wait3A_79 : memref<1x128xi32, #tpu.memory_space<vmem>> -> memref<128xi32, #tpu.memory_space<vmem>>
        %dma_wait3A_81 = arith.constant 0 : i32
        %dma_wait3A_82 = arith.constant 0 : i32
        %dma_wait3A_83 = tpu.memref_slice %arg12[%dma_wait3A_81, %dma_wait3A_82] : memref<10112x128xf32, #tpu.memory_space<vmem_shared>> -> memref<10112x128xf32, #tpu.memory_space<vmem_shared>>
        tpu.wait_indirect_dma semaphore(%run_scoped3A : memref<!tpu.dma_semaphore, #tpu.memory_space<semaphore_mem>>) src(%arg8 : memref<128x128xf32, #tpu.memory_space<vmem>>) dst(%dma_wait3A_83 : memref<10112x128xf32, #tpu.memory_space<vmem_shared>>)
        tpu.yield
      }) : () -> ()
      %add3A_60 = arith.constant 1 : i32
      %add3A_61 = arith.addi %mul3A_46, %add3A_60 : i32
      %dma_wait3A_62 = arith.constant 0 : i32
      %dma_wait3A_63 = tpu.memref_slice %arg6[%add3A_61, %dma_wait3A_62] : memref<40x128xi32, #tpu.memory_space<vmem>> -> memref<1x128xi32, #tpu.memory_space<vmem>>
      %dma_wait3A_64 = tpu.memref_squeeze %dma_wait3A_63 : memref<1x128xi32, #tpu.memory_space<vmem>> -> memref<128xi32, #tpu.memory_space<vmem>>
      %dma_wait3A_65 = arith.constant 0 : i32
      %dma_wait3A_66 = arith.constant 0 : i32
      %dma_wait3A_67 = tpu.memref_slice %arg2[%dma_wait3A_65, %dma_wait3A_66] : memref<10000x128xf32, #tpu.memory_space<hbm>> -> memref<10000x128xf32, #tpu.memory_space<hbm>>
      tpu.wait_indirect_dma semaphore(%arg11 : memref<!tpu.dma_semaphore, #tpu.memory_space<semaphore_mem>>) src(%dma_wait3A_67 : memref<10000x128xf32, #tpu.memory_space<hbm>>) dst(%arg9 : memref<128x128xf32, #tpu.memory_space<vmem>>)
      %lt3A = arith.constant 19 : i32
      %lt3A_68 = arith.cmpi slt, %scan3A_44, %lt3A : i32
      %convert_element_type3A = arith.extui %lt3A_68 : i1 to i32
      %cond3A = arith.constant 0 : i32
      %cond3A_69 = arith.cmpi ne, %convert_element_type3A, %cond3A : i32
      scf.if %cond3A_69 {
        %add3A_72 = arith.constant 2 : i32
        %add3A_73 = arith.addi %mul3A_46, %add3A_72 : i32
        %dma_start3A_74 = arith.constant 0 : i32
        %dma_start3A_75 = tpu.memref_slice %arg6[%add3A_73, %dma_start3A_74] : memref<40x128xi32, #tpu.memory_space<vmem>> -> memref<1x128xi32, #tpu.memory_space<vmem>>
        %dma_start3A_76 = tpu.memref_squeeze %dma_start3A_75 : memref<1x128xi32, #tpu.memory_space<vmem>> -> memref<128xi32, #tpu.memory_space<vmem>>
        %dma_start3A_77 = arith.constant 0 : i32
        %dma_start3A_78 = arith.constant 0 : i32
        %dma_start3A_79 = tpu.memref_slice %arg2[%dma_start3A_77, %dma_start3A_78] : memref<10000x128xf32, #tpu.memory_space<hbm>> -> memref<10000x128xf32, #tpu.memory_space<hbm>>
        tpu.enqueue_indirect_dma source(%dma_start3A_79 : memref<10000x128xf32, #tpu.memory_space<hbm>>) target(%arg8 : memref<128x128xf32, #tpu.memory_space<vmem>>) offsets(%dma_start3A_76 : memref<128xi32, #tpu.memory_space<vmem>>) semaphore(%arg10 : memref<!tpu.dma_semaphore, #tpu.memory_space<semaphore_mem>>)
      } else {
      }
      %add3A_70 = arith.constant 1 : i32
      %add3A_71 = arith.addi %mul3A_46, %add3A_70 : i32
      "tpu.region"() ({
        %run_scoped3A = tpu.sem_alloc : memref<!tpu.dma_semaphore, #tpu.memory_space<semaphore_mem>>
        %dma_start3A_72 = arith.constant 0 : i32
        %dma_start3A_73 = tpu.memref_slice %arg7[%add3A_71, %dma_start3A_72] : memref<40x128xi32, #tpu.memory_space<vmem>> -> memref<1x128xi32, #tpu.memory_space<vmem>>
        %dma_start3A_74 = tpu.memref_squeeze %dma_start3A_73 : memref<1x128xi32, #tpu.memory_space<vmem>> -> memref<128xi32, #tpu.memory_space<vmem>>
        %dma_start3A_75 = arith.constant 0 : i32
        %dma_start3A_76 = arith.constant 0 : i32
        %dma_start3A_77 = tpu.memref_slice %arg12[%dma_start3A_75, %dma_start3A_76] : memref<10112x128xf32, #tpu.memory_space<vmem_shared>> -> memref<10112x128xf32, #tpu.memory_space<vmem_shared>>
        tpu.enqueue_indirect_dma source(%arg9 : memref<128x128xf32, #tpu.memory_space<vmem>>) target(%dma_start3A_77 : memref<10112x128xf32, #tpu.memory_space<vmem_shared>>) offsets(%dma_start3A_74 : memref<128xi32, #tpu.memory_space<vmem>>) semaphore(%run_scoped3A : memref<!tpu.dma_semaphore, #tpu.memory_space<semaphore_mem>>) {add = true}
        %dma_wait3A_78 = arith.constant 0 : i32
        %dma_wait3A_79 = tpu.memref_slice %arg7[%add3A_71, %dma_wait3A_78] : memref<40x128xi32, #tpu.memory_space<vmem>> -> memref<1x128xi32, #tpu.memory_space<vmem>>
        %dma_wait3A_80 = tpu.memref_squeeze %dma_wait3A_79 : memref<1x128xi32, #tpu.memory_space<vmem>> -> memref<128xi32, #tpu.memory_space<vmem>>
        %dma_wait3A_81 = arith.constant 0 : i32
        %dma_wait3A_82 = arith.constant 0 : i32
        %dma_wait3A_83 = tpu.memref_slice %arg12[%dma_wait3A_81, %dma_wait3A_82] : memref<10112x128xf32, #tpu.memory_space<vmem_shared>> -> memref<10112x128xf32, #tpu.memory_space<vmem_shared>>
        tpu.wait_indirect_dma semaphore(%run_scoped3A : memref<!tpu.dma_semaphore, #tpu.memory_space<semaphore_mem>>) src(%arg9 : memref<128x128xf32, #tpu.memory_space<vmem>>) dst(%dma_wait3A_83 : memref<10112x128xf32, #tpu.memory_space<vmem_shared>>)
        tpu.yield
      }) : () -> ()
    }
    %scan3A_42 = arith.constant 20 : i32
    %barrier3A_43 = arith.constant 0 : index
    tpu.barrier barrier_id(%barrier3A_43)
    "tpu.region"() ({
      %run_scoped3A = tpu.sem_alloc : memref<!tpu.dma_semaphore, #tpu.memory_space<semaphore_mem>>
      %dma_start3A_44 = arith.constant 0 : i32
      %dma_start3A_45 = tpu.memref_slice %arg5[%arg0, %mul3A_7, %dma_start3A_44] : memref<2x10112x128xf32, #tpu.memory_space<hbm>> -> memref<1x632x128xf32, #tpu.memory_space<hbm>>
      %dma_start3A_46 = tpu.memref_squeeze %dma_start3A_45 : memref<1x632x128xf32, #tpu.memory_space<hbm>> -> memref<632x128xf32, #tpu.memory_space<hbm>>
      %dma_start3A_47 = arith.constant 0 : i32
      %dma_start3A_48 = tpu.memref_slice %arg12[%mul3A_7, %dma_start3A_47] : memref<10112x128xf32, #tpu.memory_space<vmem_shared>> -> memref<632x128xf32, #tpu.memory_space<vmem_shared>>
      tpu.enqueue_dma source(%dma_start3A_48 : memref<632x128xf32, #tpu.memory_space<vmem_shared>>) target(%dma_start3A_46 : memref<632x128xf32, #tpu.memory_space<hbm>>) target_semaphore(%run_scoped3A : memref<!tpu.dma_semaphore, #tpu.memory_space<semaphore_mem>>)
      %dma_wait3A = arith.constant 0 : i32
      %dma_wait3A_49 = tpu.memref_slice %arg5[%arg0, %mul3A_7, %dma_wait3A] : memref<2x10112x128xf32, #tpu.memory_space<hbm>> -> memref<1x632x128xf32, #tpu.memory_space<hbm>>
      %dma_wait3A_50 = tpu.memref_squeeze %dma_wait3A_49 : memref<1x632x128xf32, #tpu.memory_space<hbm>> -> memref<632x128xf32, #tpu.memory_space<hbm>>
      %dma_wait3A_51 = arith.constant 0 : i32
      %dma_wait3A_52 = tpu.memref_slice %arg12[%mul3A_7, %dma_wait3A_51] : memref<10112x128xf32, #tpu.memory_space<vmem_shared>> -> memref<632x128xf32, #tpu.memory_space<vmem_shared>>
      tpu.wait_dma2 semaphore(%run_scoped3A : memref<!tpu.dma_semaphore, #tpu.memory_space<semaphore_mem>>) src(%dma_wait3A_52 : memref<632x128xf32, #tpu.memory_space<vmem_shared>>) dst(%dma_wait3A_50 : memref<632x128xf32, #tpu.memory_space<hbm>>)
      tpu.yield
    }) : () -> ()
    return
  }
}

#map = affine_map<(d0, d1) -> (0, 0)>
#map1 = affine_map<(d0, d1) -> (0, 0, 0)>
module attributes {stable_mosaic.version = 14 : i64} {
  func.func @_edge_body(%arg0: i32, %arg1: i32, %arg2: memref<10000x128xf32, #tpu.memory_space<hbm>>, %arg3: memref<32x80x128xi32, #tpu.memory_space<hbm>>, %arg4: memref<32x80x128xi32, #tpu.memory_space<hbm>>, %arg5: memref<2x10112x128xf32, #tpu.memory_space<hbm>>, %arg6: memref<40x128xi32, #tpu.memory_space<vmem>>, %arg7: memref<40x128xi32, #tpu.memory_space<vmem>>, %arg8: memref<128x128xf32, #tpu.memory_space<vmem>>, %arg9: memref<128x128xf32, #tpu.memory_space<vmem>>, %arg10: memref<!tpu.dma_semaphore, #tpu.memory_space<semaphore_mem>>, %arg11: memref<!tpu.dma_semaphore, #tpu.memory_space<semaphore_mem>>, %arg12: memref<10112x128xf32, #tpu.memory_space<vmem_shared>>) attributes {dimension_semantics = [#tpu.dimension_semantics<core_parallel>, #tpu.dimension_semantics<subcore_parallel>], iteration_bounds = array<i64: 2, 16>, scalar_prefetch = 0 : i64, scratch_operands = 7 : i64, tpu.core_type = #tpu.core_type<sc_vector_subcore>, window_params = [{transform_indices = #map}, {transform_indices = #map1}, {transform_indices = #map1}, {transform_indices = #map1}]} {
    %mul3A = arith.constant 2 : i32
    %mul3A_0 = arith.muli %arg1, %mul3A : i32
    %add3A = arith.addi %mul3A_0, %arg0 : i32
    %scan3A = arith.constant 0 : i32
    %scan3A_1 = arith.constant 0 : i32
    %scan3A_2 = arith.constant 1024 : i32
    %scan3A_3 = arith.addi %scan3A_1, %scan3A_2 : i32
    %scan3A_4 = arith.constant 1 : i32
    scf.for %scan3A_44 = %scan3A_1 to %scan3A_3 step %scan3A_4  : i32 {
      %jit3A = arith.constant 8 : i32
      %div3A = arith.divsi %scan3A_44, %jit3A : i32
      %sign3A = arith.constant 0 : i32
      %sign3A_45 = arith.cmpi sgt, %scan3A_44, %sign3A : i32
      %sign3A_46 = arith.extui %sign3A_45 : i1 to i32
      %sign3A_47 = arith.constant 0 : i32
      %sign3A_48 = arith.cmpi slt, %scan3A_44, %sign3A_47 : i32
      %sign3A_49 = arith.extui %sign3A_48 : i1 to i32
      %sign3A_50 = arith.subi %sign3A_46, %sign3A_49 : i32
      %sign3A_51 = arith.constant 0 : i32
      %sign3A_52 = arith.cmpi sgt, %jit3A, %sign3A_51 : i32
      %sign3A_53 = arith.extui %sign3A_52 : i1 to i32
      %sign3A_54 = arith.constant 0 : i32
      %sign3A_55 = arith.cmpi slt, %jit3A, %sign3A_54 : i32
      %sign3A_56 = arith.extui %sign3A_55 : i1 to i32
      %sign3A_57 = arith.subi %sign3A_53, %sign3A_56 : i32
      %ne3A = arith.cmpi ne, %sign3A_50, %sign3A_57 : i32
      %rem3A = arith.remsi %scan3A_44, %jit3A : i32
      %ne3A_58 = arith.constant 0 : i32
      %ne3A_59 = arith.cmpi ne, %rem3A, %ne3A_58 : i32
      %and3A = arith.andi %ne3A, %ne3A_59 : i1
      %sub3A = arith.constant 1 : i32
      %sub3A_60 = arith.subi %div3A, %sub3A : i32
      %select_n3A = arith.select %and3A, %sub3A_60, %div3A : i32
      %jit3A_61 = arith.constant 8 : i32
      %eq3A = arith.constant 0 : i32
      %eq3A_62 = arith.cmpi eq, %jit3A_61, %eq3A : i32
      %jit3A_63 = arith.constant 1 : i32
      %select_n3A_64 = arith.select %eq3A_62, %jit3A_63, %jit3A_61 : i32
      %rem3A_65 = arith.remsi %scan3A_44, %select_n3A_64 : i32
      %ne3A_66 = arith.constant 0 : i32
      %ne3A_67 = arith.cmpi ne, %rem3A_65, %ne3A_66 : i32
      %lt3A = arith.constant 0 : i32
      %lt3A_68 = arith.cmpi slt, %rem3A_65, %lt3A : i32
      %lt3A_69 = arith.constant 0 : i32
      %lt3A_70 = arith.cmpi slt, %select_n3A_64, %lt3A_69 : i32
      %ne3A_71 = arith.xori %lt3A_68, %lt3A_70 : i1
      %and3A_72 = arith.andi %ne3A_71, %ne3A_67 : i1
      %add3A_73 = arith.addi %rem3A_65, %select_n3A_64 : i32
      %select_n3A_74 = arith.select %and3A_72, %add3A_73, %rem3A_65 : i32
      %mul3A_75 = arith.constant 16 : i32
      %mul3A_76 = arith.muli %select_n3A_74, %mul3A_75 : i32
      %broadcast_in_dim3A = arith.constant 0.000000e+00 : f32
      %broadcast_in_dim3A_77 = vector.broadcast %broadcast_in_dim3A : f32 to vector<16xf32>
      %swap3A = arith.index_cast %select_n3A : i32 to index
      %swap3A_78 = arith.index_cast %mul3A_76 : i32 to index
      %swap3A_79 = tpu.vector_load %arg8[%swap3A, %swap3A_78] {strides = array<i32>} : memref<128x128xf32, #tpu.memory_space<vmem>>, vector<1x16xf32>,
      %swap3A_80 = vector.shape_cast %swap3A_79 : vector<1x16xf32> to vector<16xf32>
      %swap3A_81 = vector.shape_cast %broadcast_in_dim3A_77 : vector<16xf32> to vector<1x16xf32>
      tpu.vector_store %arg8[%swap3A, %swap3A_78], %swap3A_81 {strides = array<i32>} : memref<128x128xf32, #tpu.memory_space<vmem>>, vector<1x16xf32>,
    }
    %scan3A_5 = arith.constant 1024 : i32
    %mul3A_6 = arith.constant 632 : i32
    %mul3A_7 = arith.muli %arg1, %mul3A_6 : i32
    %add3A_8 = arith.constant 0 : i32
    %add3A_9 = arith.addi %mul3A_7, %add3A_8 : i32
    "tpu.region"() ({
      %run_scoped3A = tpu.sem_alloc : memref<!tpu.dma_semaphore, #tpu.memory_space<semaphore_mem>>
      %dma_start3A_44 = arith.constant 0 : i32
      %dma_start3A_45 = arith.constant 0 : i32
      %dma_start3A_46 = tpu.memref_slice %arg8[%dma_start3A_44, %dma_start3A_45] : memref<128x128xf32, #tpu.memory_space<vmem>> -> memref<128x128xf32, #tpu.memory_space<vmem>>
      %dma_start3A_47 = arith.constant 0 : i32
      %dma_start3A_48 = tpu.memref_slice %arg12[%add3A_9, %dma_start3A_47] : memref<10112x128xf32, #tpu.memory_space<vmem_shared>> -> memref<128x128xf32, #tpu.memory_space<vmem_shared>>
      %dma_start3A_49 = arith.constant 0 : i32
      %dma_start3A_50 = tpu.memref_slice %arg12[%add3A_9, %dma_start3A_49] : memref<10112x128xf32, #tpu.memory_space<vmem_shared>> -> memref<128x128xf32, #tpu.memory_space<vmem_shared>>
      %dma_start3A_51 = arith.constant 0 : i32
      %dma_start3A_52 = arith.constant 0 : i32
      %dma_start3A_53 = tpu.memref_slice %arg8[%dma_start3A_51, %dma_start3A_52] : memref<128x128xf32, #tpu.memory_space<vmem>> -> memref<128x128xf32, #tpu.memory_space<vmem>>
      tpu.enqueue_dma source(%dma_start3A_53 : memref<128x128xf32, #tpu.memory_space<vmem>>) target(%dma_start3A_50 : memref<128x128xf32, #tpu.memory_space<vmem_shared>>) target_semaphore(%run_scoped3A : memref<!tpu.dma_semaphore, #tpu.memory_space<semaphore_mem>>)
      %dma_wait3A = arith.constant 0 : i32
      %dma_wait3A_54 = arith.constant 0 : i32
      %dma_wait3A_55 = tpu.memref_slice %arg8[%dma_wait3A, %dma_wait3A_54] : memref<128x128xf32, #tpu.memory_space<vmem>> -> memref<128x128xf32, #tpu.memory_space<vmem>>
      %dma_wait3A_56 = arith.constant 0 : i32
      %dma_wait3A_57 = tpu.memref_slice %arg12[%add3A_9, %dma_wait3A_56] : memref<10112x128xf32, #tpu.memory_space<vmem_shared>> -> memref<128x128xf32, #tpu.memory_space<vmem_shared>>
      %dma_wait3A_58 = arith.constant 0 : i32
      %dma_wait3A_59 = tpu.memref_slice %arg12[%add3A_9, %dma_wait3A_58] : memref<10112x128xf32, #tpu.memory_space<vmem_shared>> -> memref<128x128xf32, #tpu.memory_space<vmem_shared>>
      %dma_wait3A_60 = arith.constant 0 : i32
      %dma_wait3A_61 = arith.constant 0 : i32
      %dma_wait3A_62 = tpu.memref_slice %arg8[%dma_wait3A_60, %dma_wait3A_61] : memref<128x128xf32, #tpu.memory_space<vmem>> -> memref<128x128xf32, #tpu.memory_space<vmem>>
      tpu.wait_dma2 semaphore(%run_scoped3A : memref<!tpu.dma_semaphore, #tpu.memory_space<semaphore_mem>>) src(%dma_wait3A_62 : memref<128x128xf32, #tpu.memory_space<vmem>>) dst(%dma_wait3A_59 : memref<128x128xf32, #tpu.memory_space<vmem_shared>>)
      tpu.yield
    }) : () -> ()
    %add3A_10 = arith.constant 128 : i32
    %add3A_11 = arith.addi %mul3A_7, %add3A_10 : i32
    "tpu.region"() ({
      %run_scoped3A = tpu.sem_alloc : memref<!tpu.dma_semaphore, #tpu.memory_space<semaphore_mem>>
      %dma_start3A_44 = arith.constant 0 : i32
      %dma_start3A_45 = arith.constant 0 : i32
      %dma_start3A_46 = tpu.memref_slice %arg8[%dma_start3A_44, %dma_start3A_45] : memref<128x128xf32, #tpu.memory_space<vmem>> -> memref<128x128xf32, #tpu.memory_space<vmem>>
      %dma_start3A_47 = arith.constant 0 : i32
      %dma_start3A_48 = tpu.memref_slice %arg12[%add3A_11, %dma_start3A_47] : memref<10112x128xf32, #tpu.memory_space<vmem_shared>> -> memref<128x128xf32, #tpu.memory_space<vmem_shared>>
      %dma_start3A_49 = arith.constant 0 : i32
      %dma_start3A_50 = tpu.memref_slice %arg12[%add3A_11, %dma_start3A_49] : memref<10112x128xf32, #tpu.memory_space<vmem_shared>> -> memref<128x128xf32, #tpu.memory_space<vmem_shared>>
      %dma_start3A_51 = arith.constant 0 : i32
      %dma_start3A_52 = arith.constant 0 : i32
      %dma_start3A_53 = tpu.memref_slice %arg8[%dma_start3A_51, %dma_start3A_52] : memref<128x128xf32, #tpu.memory_space<vmem>> -> memref<128x128xf32, #tpu.memory_space<vmem>>
      tpu.enqueue_dma source(%dma_start3A_53 : memref<128x128xf32, #tpu.memory_space<vmem>>) target(%dma_start3A_50 : memref<128x128xf32, #tpu.memory_space<vmem_shared>>) target_semaphore(%run_scoped3A : memref<!tpu.dma_semaphore, #tpu.memory_space<semaphore_mem>>)
      %dma_wait3A = arith.constant 0 : i32
      %dma_wait3A_54 = arith.constant 0 : i32
      %dma_wait3A_55 = tpu.memref_slice %arg8[%dma_wait3A, %dma_wait3A_54] : memref<128x128xf32, #tpu.memory_space<vmem>> -> memref<128x128xf32, #tpu.memory_space<vmem>>
      %dma_wait3A_56 = arith.constant 0 : i32
      %dma_wait3A_57 = tpu.memref_slice %arg12[%add3A_11, %dma_wait3A_56] : memref<10112x128xf32, #tpu.memory_space<vmem_shared>> -> memref<128x128xf32, #tpu.memory_space<vmem_shared>>
      %dma_wait3A_58 = arith.constant 0 : i32
      %dma_wait3A_59 = tpu.memref_slice %arg12[%add3A_11, %dma_wait3A_58] : memref<10112x128xf32, #tpu.memory_space<vmem_shared>> -> memref<128x128xf32, #tpu.memory_space<vmem_shared>>
      %dma_wait3A_60 = arith.constant 0 : i32
      %dma_wait3A_61 = arith.constant 0 : i32
      %dma_wait3A_62 = tpu.memref_slice %arg8[%dma_wait3A_60, %dma_wait3A_61] : memref<128x128xf32, #tpu.memory_space<vmem>> -> memref<128x128xf32, #tpu.memory_space<vmem>>
      tpu.wait_dma2 semaphore(%run_scoped3A : memref<!tpu.dma_semaphore, #tpu.memory_space<semaphore_mem>>) src(%dma_wait3A_62 : memref<128x128xf32, #tpu.memory_space<vmem>>) dst(%dma_wait3A_59 : memref<128x128xf32, #tpu.memory_space<vmem_shared>>)
      tpu.yield
    }) : () -> ()
    %add3A_12 = arith.constant 256 : i32
    %add3A_13 = arith.addi %mul3A_7, %add3A_12 : i32
    "tpu.region"() ({
      %run_scoped3A = tpu.sem_alloc : memref<!tpu.dma_semaphore, #tpu.memory_space<semaphore_mem>>
      %dma_start3A_44 = arith.constant 0 : i32
      %dma_start3A_45 = arith.constant 0 : i32
      %dma_start3A_46 = tpu.memref_slice %arg8[%dma_start3A_44, %dma_start3A_45] : memref<128x128xf32, #tpu.memory_space<vmem>> -> memref<128x128xf32, #tpu.memory_space<vmem>>
      %dma_start3A_47 = arith.constant 0 : i32
      %dma_start3A_48 = tpu.memref_slice %arg12[%add3A_13, %dma_start3A_47] : memref<10112x128xf32, #tpu.memory_space<vmem_shared>> -> memref<128x128xf32, #tpu.memory_space<vmem_shared>>
      %dma_start3A_49 = arith.constant 0 : i32
      %dma_start3A_50 = tpu.memref_slice %arg12[%add3A_13, %dma_start3A_49] : memref<10112x128xf32, #tpu.memory_space<vmem_shared>> -> memref<128x128xf32, #tpu.memory_space<vmem_shared>>
      %dma_start3A_51 = arith.constant 0 : i32
      %dma_start3A_52 = arith.constant 0 : i32
      %dma_start3A_53 = tpu.memref_slice %arg8[%dma_start3A_51, %dma_start3A_52] : memref<128x128xf32, #tpu.memory_space<vmem>> -> memref<128x128xf32, #tpu.memory_space<vmem>>
      tpu.enqueue_dma source(%dma_start3A_53 : memref<128x128xf32, #tpu.memory_space<vmem>>) target(%dma_start3A_50 : memref<128x128xf32, #tpu.memory_space<vmem_shared>>) target_semaphore(%run_scoped3A : memref<!tpu.dma_semaphore, #tpu.memory_space<semaphore_mem>>)
      %dma_wait3A = arith.constant 0 : i32
      %dma_wait3A_54 = arith.constant 0 : i32
      %dma_wait3A_55 = tpu.memref_slice %arg8[%dma_wait3A, %dma_wait3A_54] : memref<128x128xf32, #tpu.memory_space<vmem>> -> memref<128x128xf32, #tpu.memory_space<vmem>>
      %dma_wait3A_56 = arith.constant 0 : i32
      %dma_wait3A_57 = tpu.memref_slice %arg12[%add3A_13, %dma_wait3A_56] : memref<10112x128xf32, #tpu.memory_space<vmem_shared>> -> memref<128x128xf32, #tpu.memory_space<vmem_shared>>
      %dma_wait3A_58 = arith.constant 0 : i32
      %dma_wait3A_59 = tpu.memref_slice %arg12[%add3A_13, %dma_wait3A_58] : memref<10112x128xf32, #tpu.memory_space<vmem_shared>> -> memref<128x128xf32, #tpu.memory_space<vmem_shared>>
      %dma_wait3A_60 = arith.constant 0 : i32
      %dma_wait3A_61 = arith.constant 0 : i32
      %dma_wait3A_62 = tpu.memref_slice %arg8[%dma_wait3A_60, %dma_wait3A_61] : memref<128x128xf32, #tpu.memory_space<vmem>> -> memref<128x128xf32, #tpu.memory_space<vmem>>
      tpu.wait_dma2 semaphore(%run_scoped3A : memref<!tpu.dma_semaphore, #tpu.memory_space<semaphore_mem>>) src(%dma_wait3A_62 : memref<128x128xf32, #tpu.memory_space<vmem>>) dst(%dma_wait3A_59 : memref<128x128xf32, #tpu.memory_space<vmem_shared>>)
      tpu.yield
    }) : () -> ()
    %add3A_14 = arith.constant 384 : i32
    %add3A_15 = arith.addi %mul3A_7, %add3A_14 : i32
    "tpu.region"() ({
      %run_scoped3A = tpu.sem_alloc : memref<!tpu.dma_semaphore, #tpu.memory_space<semaphore_mem>>
      %dma_start3A_44 = arith.constant 0 : i32
      %dma_start3A_45 = arith.constant 0 : i32
      %dma_start3A_46 = tpu.memref_slice %arg8[%dma_start3A_44, %dma_start3A_45] : memref<128x128xf32, #tpu.memory_space<vmem>> -> memref<128x128xf32, #tpu.memory_space<vmem>>
      %dma_start3A_47 = arith.constant 0 : i32
      %dma_start3A_48 = tpu.memref_slice %arg12[%add3A_15, %dma_start3A_47] : memref<10112x128xf32, #tpu.memory_space<vmem_shared>> -> memref<128x128xf32, #tpu.memory_space<vmem_shared>>
      %dma_start3A_49 = arith.constant 0 : i32
      %dma_start3A_50 = tpu.memref_slice %arg12[%add3A_15, %dma_start3A_49] : memref<10112x128xf32, #tpu.memory_space<vmem_shared>> -> memref<128x128xf32, #tpu.memory_space<vmem_shared>>
      %dma_start3A_51 = arith.constant 0 : i32
      %dma_start3A_52 = arith.constant 0 : i32
      %dma_start3A_53 = tpu.memref_slice %arg8[%dma_start3A_51, %dma_start3A_52] : memref<128x128xf32, #tpu.memory_space<vmem>> -> memref<128x128xf32, #tpu.memory_space<vmem>>
      tpu.enqueue_dma source(%dma_start3A_53 : memref<128x128xf32, #tpu.memory_space<vmem>>) target(%dma_start3A_50 : memref<128x128xf32, #tpu.memory_space<vmem_shared>>) target_semaphore(%run_scoped3A : memref<!tpu.dma_semaphore, #tpu.memory_space<semaphore_mem>>)
      %dma_wait3A = arith.constant 0 : i32
      %dma_wait3A_54 = arith.constant 0 : i32
      %dma_wait3A_55 = tpu.memref_slice %arg8[%dma_wait3A, %dma_wait3A_54] : memref<128x128xf32, #tpu.memory_space<vmem>> -> memref<128x128xf32, #tpu.memory_space<vmem>>
      %dma_wait3A_56 = arith.constant 0 : i32
      %dma_wait3A_57 = tpu.memref_slice %arg12[%add3A_15, %dma_wait3A_56] : memref<10112x128xf32, #tpu.memory_space<vmem_shared>> -> memref<128x128xf32, #tpu.memory_space<vmem_shared>>
      %dma_wait3A_58 = arith.constant 0 : i32
      %dma_wait3A_59 = tpu.memref_slice %arg12[%add3A_15, %dma_wait3A_58] : memref<10112x128xf32, #tpu.memory_space<vmem_shared>> -> memref<128x128xf32, #tpu.memory_space<vmem_shared>>
      %dma_wait3A_60 = arith.constant 0 : i32
      %dma_wait3A_61 = arith.constant 0 : i32
      %dma_wait3A_62 = tpu.memref_slice %arg8[%dma_wait3A_60, %dma_wait3A_61] : memref<128x128xf32, #tpu.memory_space<vmem>> -> memref<128x128xf32, #tpu.memory_space<vmem>>
      tpu.wait_dma2 semaphore(%run_scoped3A : memref<!tpu.dma_semaphore, #tpu.memory_space<semaphore_mem>>) src(%dma_wait3A_62 : memref<128x128xf32, #tpu.memory_space<vmem>>) dst(%dma_wait3A_59 : memref<128x128xf32, #tpu.memory_space<vmem_shared>>)
      tpu.yield
    }) : () -> ()
    %add3A_16 = arith.constant 512 : i32
    %add3A_17 = arith.addi %mul3A_7, %add3A_16 : i32
    "tpu.region"() ({
      %run_scoped3A = tpu.sem_alloc : memref<!tpu.dma_semaphore, #tpu.memory_space<semaphore_mem>>
      %dma_start3A_44 = arith.constant 0 : i32
      %dma_start3A_45 = arith.constant 0 : i32
      %dma_start3A_46 = tpu.memref_slice %arg8[%dma_start3A_44, %dma_start3A_45] : memref<128x128xf32, #tpu.memory_space<vmem>> -> memref<120x128xf32, #tpu.memory_space<vmem>>
      %dma_start3A_47 = arith.constant 0 : i32
      %dma_start3A_48 = tpu.memref_slice %arg12[%add3A_17, %dma_start3A_47] : memref<10112x128xf32, #tpu.memory_space<vmem_shared>> -> memref<120x128xf32, #tpu.memory_space<vmem_shared>>
      %dma_start3A_49 = arith.constant 0 : i32
      %dma_start3A_50 = tpu.memref_slice %arg12[%add3A_17, %dma_start3A_49] : memref<10112x128xf32, #tpu.memory_space<vmem_shared>> -> memref<120x128xf32, #tpu.memory_space<vmem_shared>>
      %dma_start3A_51 = arith.constant 0 : i32
      %dma_start3A_52 = arith.constant 0 : i32
      %dma_start3A_53 = tpu.memref_slice %arg8[%dma_start3A_51, %dma_start3A_52] : memref<128x128xf32, #tpu.memory_space<vmem>> -> memref<120x128xf32, #tpu.memory_space<vmem>>
      tpu.enqueue_dma source(%dma_start3A_53 : memref<120x128xf32, #tpu.memory_space<vmem>>) target(%dma_start3A_50 : memref<120x128xf32, #tpu.memory_space<vmem_shared>>) target_semaphore(%run_scoped3A : memref<!tpu.dma_semaphore, #tpu.memory_space<semaphore_mem>>)
      %dma_wait3A = arith.constant 0 : i32
      %dma_wait3A_54 = arith.constant 0 : i32
      %dma_wait3A_55 = tpu.memref_slice %arg8[%dma_wait3A, %dma_wait3A_54] : memref<128x128xf32, #tpu.memory_space<vmem>> -> memref<120x128xf32, #tpu.memory_space<vmem>>
      %dma_wait3A_56 = arith.constant 0 : i32
      %dma_wait3A_57 = tpu.memref_slice %arg12[%add3A_17, %dma_wait3A_56] : memref<10112x128xf32, #tpu.memory_space<vmem_shared>> -> memref<120x128xf32, #tpu.memory_space<vmem_shared>>
      %dma_wait3A_58 = arith.constant 0 : i32
      %dma_wait3A_59 = tpu.memref_slice %arg12[%add3A_17, %dma_wait3A_58] : memref<10112x128xf32, #tpu.memory_space<vmem_shared>> -> memref<120x128xf32, #tpu.memory_space<vmem_shared>>
      %dma_wait3A_60 = arith.constant 0 : i32
      %dma_wait3A_61 = arith.constant 0 : i32
      %dma_wait3A_62 = tpu.memref_slice %arg8[%dma_wait3A_60, %dma_wait3A_61] : memref<128x128xf32, #tpu.memory_space<vmem>> -> memref<120x128xf32, #tpu.memory_space<vmem>>
      tpu.wait_dma2 semaphore(%run_scoped3A : memref<!tpu.dma_semaphore, #tpu.memory_space<semaphore_mem>>) src(%dma_wait3A_62 : memref<120x128xf32, #tpu.memory_space<vmem>>) dst(%dma_wait3A_59 : memref<120x128xf32, #tpu.memory_space<vmem_shared>>)
      tpu.yield
    }) : () -> ()
    %barrier3A = arith.constant 0 : index
    tpu.barrier barrier_id(%barrier3A)
    "tpu.region"() ({
      %run_scoped3A = tpu.sem_alloc : memref<!tpu.dma_semaphore, #tpu.memory_space<semaphore_mem>>
      %dma_start3A_44 = arith.constant 0 : i32
      %dma_start3A_45 = arith.constant 0 : i32
      %dma_start3A_46 = tpu.memref_slice %arg3[%add3A, %dma_start3A_44, %dma_start3A_45] : memref<32x80x128xi32, #tpu.memory_space<hbm>> -> memref<1x40x128xi32, #tpu.memory_space<hbm>>
      %dma_start3A_47 = tpu.memref_squeeze %dma_start3A_46 : memref<1x40x128xi32, #tpu.memory_space<hbm>> -> memref<40x128xi32, #tpu.memory_space<hbm>>
      %dma_start3A_48 = arith.constant 0 : i32
      %dma_start3A_49 = arith.constant 0 : i32
      %dma_start3A_50 = tpu.memref_slice %arg3[%add3A, %dma_start3A_48, %dma_start3A_49] : memref<32x80x128xi32, #tpu.memory_space<hbm>> -> memref<1x40x128xi32, #tpu.memory_space<hbm>>
      %dma_start3A_51 = tpu.memref_squeeze %dma_start3A_50 : memref<1x40x128xi32, #tpu.memory_space<hbm>> -> memref<40x128xi32, #tpu.memory_space<hbm>>
      tpu.enqueue_dma source(%dma_start3A_51 : memref<40x128xi32, #tpu.memory_space<hbm>>) target(%arg6 : memref<40x128xi32, #tpu.memory_space<vmem>>) target_semaphore(%run_scoped3A : memref<!tpu.dma_semaphore, #tpu.memory_space<semaphore_mem>>)
      %dma_wait3A = arith.constant 0 : i32
      %dma_wait3A_52 = arith.constant 0 : i32
      %dma_wait3A_53 = tpu.memref_slice %arg3[%add3A, %dma_wait3A, %dma_wait3A_52] : memref<32x80x128xi32, #tpu.memory_space<hbm>> -> memref<1x40x128xi32, #tpu.memory_space<hbm>>
      %dma_wait3A_54 = tpu.memref_squeeze %dma_wait3A_53 : memref<1x40x128xi32, #tpu.memory_space<hbm>> -> memref<40x128xi32, #tpu.memory_space<hbm>>
      %dma_wait3A_55 = arith.constant 0 : i32
      %dma_wait3A_56 = arith.constant 0 : i32
      %dma_wait3A_57 = tpu.memref_slice %arg3[%add3A, %dma_wait3A_55, %dma_wait3A_56] : memref<32x80x128xi32, #tpu.memory_space<hbm>> -> memref<1x40x128xi32, #tpu.memory_space<hbm>>
      %dma_wait3A_58 = tpu.memref_squeeze %dma_wait3A_57 : memref<1x40x128xi32, #tpu.memory_space<hbm>> -> memref<40x128xi32, #tpu.memory_space<hbm>>
      tpu.wait_dma2 semaphore(%run_scoped3A : memref<!tpu.dma_semaphore, #tpu.memory_space<semaphore_mem>>) src(%dma_wait3A_58 : memref<40x128xi32, #tpu.memory_space<hbm>>) dst(%arg6 : memref<40x128xi32, #tpu.memory_space<vmem>>)
      tpu.yield
    }) : () -> ()
    "tpu.region"() ({
      %run_scoped3A = tpu.sem_alloc : memref<!tpu.dma_semaphore, #tpu.memory_space<semaphore_mem>>
      %dma_start3A_44 = arith.constant 0 : i32
      %dma_start3A_45 = arith.constant 0 : i32
      %dma_start3A_46 = tpu.memref_slice %arg4[%add3A, %dma_start3A_44, %dma_start3A_45] : memref<32x80x128xi32, #tpu.memory_space<hbm>> -> memref<1x40x128xi32, #tpu.memory_space<hbm>>
      %dma_start3A_47 = tpu.memref_squeeze %dma_start3A_46 : memref<1x40x128xi32, #tpu.memory_space<hbm>> -> memref<40x128xi32, #tpu.memory_space<hbm>>
      %dma_start3A_48 = arith.constant 0 : i32
      %dma_start3A_49 = arith.constant 0 : i32
      %dma_start3A_50 = tpu.memref_slice %arg4[%add3A, %dma_start3A_48, %dma_start3A_49] : memref<32x80x128xi32, #tpu.memory_space<hbm>> -> memref<1x40x128xi32, #tpu.memory_space<hbm>>
      %dma_start3A_51 = tpu.memref_squeeze %dma_start3A_50 : memref<1x40x128xi32, #tpu.memory_space<hbm>> -> memref<40x128xi32, #tpu.memory_space<hbm>>
      tpu.enqueue_dma source(%dma_start3A_51 : memref<40x128xi32, #tpu.memory_space<hbm>>) target(%arg7 : memref<40x128xi32, #tpu.memory_space<vmem>>) target_semaphore(%run_scoped3A : memref<!tpu.dma_semaphore, #tpu.memory_space<semaphore_mem>>)
      %dma_wait3A = arith.constant 0 : i32
      %dma_wait3A_52 = arith.constant 0 : i32
      %dma_wait3A_53 = tpu.memref_slice %arg4[%add3A, %dma_wait3A, %dma_wait3A_52] : memref<32x80x128xi32, #tpu.memory_space<hbm>> -> memref<1x40x128xi32, #tpu.memory_space<hbm>>
      %dma_wait3A_54 = tpu.memref_squeeze %dma_wait3A_53 : memref<1x40x128xi32, #tpu.memory_space<hbm>> -> memref<40x128xi32, #tpu.memory_space<hbm>>
      %dma_wait3A_55 = arith.constant 0 : i32
      %dma_wait3A_56 = arith.constant 0 : i32
      %dma_wait3A_57 = tpu.memref_slice %arg4[%add3A, %dma_wait3A_55, %dma_wait3A_56] : memref<32x80x128xi32, #tpu.memory_space<hbm>> -> memref<1x40x128xi32, #tpu.memory_space<hbm>>
      %dma_wait3A_58 = tpu.memref_squeeze %dma_wait3A_57 : memref<1x40x128xi32, #tpu.memory_space<hbm>> -> memref<40x128xi32, #tpu.memory_space<hbm>>
      tpu.wait_dma2 semaphore(%run_scoped3A : memref<!tpu.dma_semaphore, #tpu.memory_space<semaphore_mem>>) src(%dma_wait3A_58 : memref<40x128xi32, #tpu.memory_space<hbm>>) dst(%arg7 : memref<40x128xi32, #tpu.memory_space<vmem>>)
      tpu.yield
    }) : () -> ()
    %dma_start3A = arith.constant 0 : i32
    %dma_start3A_18 = arith.constant 0 : i32
    %dma_start3A_19 = tpu.memref_slice %arg6[%dma_start3A, %dma_start3A_18] : memref<40x128xi32, #tpu.memory_space<vmem>> -> memref<1x128xi32, #tpu.memory_space<vmem>>
    %dma_start3A_20 = tpu.memref_squeeze %dma_start3A_19 : memref<1x128xi32, #tpu.memory_space<vmem>> -> memref<128xi32, #tpu.memory_space<vmem>>
    %dma_start3A_21 = arith.constant 0 : i32
    %dma_start3A_22 = arith.constant 0 : i32
    %dma_start3A_23 = tpu.memref_slice %arg2[%dma_start3A_21, %dma_start3A_22] : memref<10000x128xf32, #tpu.memory_space<hbm>> -> memref<10000x128xf32, #tpu.memory_space<hbm>>
    tpu.enqueue_indirect_dma source(%dma_start3A_23 : memref<10000x128xf32, #tpu.memory_space<hbm>>) target(%arg8 : memref<128x128xf32, #tpu.memory_space<vmem>>) offsets(%dma_start3A_20 : memref<128xi32, #tpu.memory_space<vmem>>) semaphore(%arg10 : memref<!tpu.dma_semaphore, #tpu.memory_space<semaphore_mem>>)
    %scan3A_24 = arith.constant 0 : i32
    %scan3A_25 = arith.constant 0 : i32
    %scan3A_26 = arith.constant 20 : i32
    %scan3A_27 = arith.addi %scan3A_25, %scan3A_26 : i32
    %scan3A_28 = arith.constant 1 : i32
    scf.for %scan3A_44 = %scan3A_25 to %scan3A_27 step %scan3A_28  : i32 {
      %mul3A_45 = arith.constant 2 : i32
      %mul3A_46 = arith.muli %mul3A_45, %scan3A_44 : i32
      %dma_wait3A = arith.constant 0 : i32
      %dma_wait3A_47 = tpu.memref_slice %arg6[%mul3A_46, %dma_wait3A] : memref<40x128xi32, #tpu.memory_space<vmem>> -> memref<1x128xi32, #tpu.memory_space<vmem>>
      %dma_wait3A_48 = tpu.memref_squeeze %dma_wait3A_47 : memref<1x128xi32, #tpu.memory_space<vmem>> -> memref<128xi32, #tpu.memory_space<vmem>>
      %dma_wait3A_49 = arith.constant 0 : i32
      %dma_wait3A_50 = arith.constant 0 : i32
      %dma_wait3A_51 = tpu.memref_slice %arg2[%dma_wait3A_49, %dma_wait3A_50] : memref<10000x128xf32, #tpu.memory_space<hbm>> -> memref<10000x128xf32, #tpu.memory_space<hbm>>
      tpu.wait_indirect_dma semaphore(%arg10 : memref<!tpu.dma_semaphore, #tpu.memory_space<semaphore_mem>>) src(%dma_wait3A_51 : memref<10000x128xf32, #tpu.memory_space<hbm>>) dst(%arg8 : memref<128x128xf32, #tpu.memory_space<vmem>>)
      %add3A_52 = arith.constant 1 : i32
      %add3A_53 = arith.addi %mul3A_46, %add3A_52 : i32
      %dma_start3A_54 = arith.constant 0 : i32
      %dma_start3A_55 = tpu.memref_slice %arg6[%add3A_53, %dma_start3A_54] : memref<40x128xi32, #tpu.memory_space<vmem>> -> memref<1x128xi32, #tpu.memory_space<vmem>>
      %dma_start3A_56 = tpu.memref_squeeze %dma_start3A_55 : memref<1x128xi32, #tpu.memory_space<vmem>> -> memref<128xi32, #tpu.memory_space<vmem>>
      %dma_start3A_57 = arith.constant 0 : i32
      %dma_start3A_58 = arith.constant 0 : i32
      %dma_start3A_59 = tpu.memref_slice %arg2[%dma_start3A_57, %dma_start3A_58] : memref<10000x128xf32, #tpu.memory_space<hbm>> -> memref<10000x128xf32, #tpu.memory_space<hbm>>
      tpu.enqueue_indirect_dma source(%dma_start3A_59 : memref<10000x128xf32, #tpu.memory_space<hbm>>) target(%arg9 : memref<128x128xf32, #tpu.memory_space<vmem>>) offsets(%dma_start3A_56 : memref<128xi32, #tpu.memory_space<vmem>>) semaphore(%arg11 : memref<!tpu.dma_semaphore, #tpu.memory_space<semaphore_mem>>)
      "tpu.region"() ({
        %run_scoped3A = tpu.sem_alloc : memref<!tpu.dma_semaphore, #tpu.memory_space<semaphore_mem>>
        %dma_start3A_72 = arith.constant 0 : i32
        %dma_start3A_73 = tpu.memref_slice %arg7[%mul3A_46, %dma_start3A_72] : memref<40x128xi32, #tpu.memory_space<vmem>> -> memref<1x128xi32, #tpu.memory_space<vmem>>
        %dma_start3A_74 = tpu.memref_squeeze %dma_start3A_73 : memref<1x128xi32, #tpu.memory_space<vmem>> -> memref<128xi32, #tpu.memory_space<vmem>>
        %dma_start3A_75 = arith.constant 0 : i32
        %dma_start3A_76 = arith.constant 0 : i32
        %dma_start3A_77 = tpu.memref_slice %arg12[%dma_start3A_75, %dma_start3A_76] : memref<10112x128xf32, #tpu.memory_space<vmem_shared>> -> memref<10112x128xf32, #tpu.memory_space<vmem_shared>>
        tpu.enqueue_indirect_dma source(%arg8 : memref<128x128xf32, #tpu.memory_space<vmem>>) target(%dma_start3A_77 : memref<10112x128xf32, #tpu.memory_space<vmem_shared>>) offsets(%dma_start3A_74 : memref<128xi32, #tpu.memory_space<vmem>>) semaphore(%run_scoped3A : memref<!tpu.dma_semaphore, #tpu.memory_space<semaphore_mem>>) {add = true}
        %dma_wait3A_78 = arith.constant 0 : i32
        %dma_wait3A_79 = tpu.memref_slice %arg7[%mul3A_46, %dma_wait3A_78] : memref<40x128xi32, #tpu.memory_space<vmem>> -> memref<1x128xi32, #tpu.memory_space<vmem>>
        %dma_wait3A_80 = tpu.memref_squeeze %dma_wait3A_79 : memref<1x128xi32, #tpu.memory_space<vmem>> -> memref<128xi32, #tpu.memory_space<vmem>>
        %dma_wait3A_81 = arith.constant 0 : i32
        %dma_wait3A_82 = arith.constant 0 : i32
        %dma_wait3A_83 = tpu.memref_slice %arg12[%dma_wait3A_81, %dma_wait3A_82] : memref<10112x128xf32, #tpu.memory_space<vmem_shared>> -> memref<10112x128xf32, #tpu.memory_space<vmem_shared>>
        tpu.wait_indirect_dma semaphore(%run_scoped3A : memref<!tpu.dma_semaphore, #tpu.memory_space<semaphore_mem>>) src(%arg8 : memref<128x128xf32, #tpu.memory_space<vmem>>) dst(%dma_wait3A_83 : memref<10112x128xf32, #tpu.memory_space<vmem_shared>>)
        tpu.yield
      }) : () -> ()
      %add3A_60 = arith.constant 1 : i32
      %add3A_61 = arith.addi %mul3A_46, %add3A_60 : i32
      %dma_wait3A_62 = arith.constant 0 : i32
      %dma_wait3A_63 = tpu.memref_slice %arg6[%add3A_61, %dma_wait3A_62] : memref<40x128xi32, #tpu.memory_space<vmem>> -> memref<1x128xi32, #tpu.memory_space<vmem>>
      %dma_wait3A_64 = tpu.memref_squeeze %dma_wait3A_63 : memref<1x128xi32, #tpu.memory_space<vmem>> -> memref<128xi32, #tpu.memory_space<vmem>>
      %dma_wait3A_65 = arith.constant 0 : i32
      %dma_wait3A_66 = arith.constant 0 : i32
      %dma_wait3A_67 = tpu.memref_slice %arg2[%dma_wait3A_65, %dma_wait3A_66] : memref<10000x128xf32, #tpu.memory_space<hbm>> -> memref<10000x128xf32, #tpu.memory_space<hbm>>
      tpu.wait_indirect_dma semaphore(%arg11 : memref<!tpu.dma_semaphore, #tpu.memory_space<semaphore_mem>>) src(%dma_wait3A_67 : memref<10000x128xf32, #tpu.memory_space<hbm>>) dst(%arg9 : memref<128x128xf32, #tpu.memory_space<vmem>>)
      %lt3A = arith.constant 19 : i32
      %lt3A_68 = arith.cmpi slt, %scan3A_44, %lt3A : i32
      %convert_element_type3A = arith.extui %lt3A_68 : i1 to i32
      %cond3A = arith.constant 0 : i32
      %cond3A_69 = arith.cmpi ne, %convert_element_type3A, %cond3A : i32
      scf.if %cond3A_69 {
        %add3A_72 = arith.constant 2 : i32
        %add3A_73 = arith.addi %mul3A_46, %add3A_72 : i32
        %dma_start3A_74 = arith.constant 0 : i32
        %dma_start3A_75 = tpu.memref_slice %arg6[%add3A_73, %dma_start3A_74] : memref<40x128xi32, #tpu.memory_space<vmem>> -> memref<1x128xi32, #tpu.memory_space<vmem>>
        %dma_start3A_76 = tpu.memref_squeeze %dma_start3A_75 : memref<1x128xi32, #tpu.memory_space<vmem>> -> memref<128xi32, #tpu.memory_space<vmem>>
        %dma_start3A_77 = arith.constant 0 : i32
        %dma_start3A_78 = arith.constant 0 : i32
        %dma_start3A_79 = tpu.memref_slice %arg2[%dma_start3A_77, %dma_start3A_78] : memref<10000x128xf32, #tpu.memory_space<hbm>> -> memref<10000x128xf32, #tpu.memory_space<hbm>>
        tpu.enqueue_indirect_dma source(%dma_start3A_79 : memref<10000x128xf32, #tpu.memory_space<hbm>>) target(%arg8 : memref<128x128xf32, #tpu.memory_space<vmem>>) offsets(%dma_start3A_76 : memref<128xi32, #tpu.memory_space<vmem>>) semaphore(%arg10 : memref<!tpu.dma_semaphore, #tpu.memory_space<semaphore_mem>>)
      } else {
      }
      %add3A_70 = arith.constant 1 : i32
      %add3A_71 = arith.addi %mul3A_46, %add3A_70 : i32
      "tpu.region"() ({
        %run_scoped3A = tpu.sem_alloc : memref<!tpu.dma_semaphore, #tpu.memory_space<semaphore_mem>>
        %dma_start3A_72 = arith.constant 0 : i32
        %dma_start3A_73 = tpu.memref_slice %arg7[%add3A_71, %dma_start3A_72] : memref<40x128xi32, #tpu.memory_space<vmem>> -> memref<1x128xi32, #tpu.memory_space<vmem>>
        %dma_start3A_74 = tpu.memref_squeeze %dma_start3A_73 : memref<1x128xi32, #tpu.memory_space<vmem>> -> memref<128xi32, #tpu.memory_space<vmem>>
        %dma_start3A_75 = arith.constant 0 : i32
        %dma_start3A_76 = arith.constant 0 : i32
        %dma_start3A_77 = tpu.memref_slice %arg12[%dma_start3A_75, %dma_start3A_76] : memref<10112x128xf32, #tpu.memory_space<vmem_shared>> -> memref<10112x128xf32, #tpu.memory_space<vmem_shared>>
        tpu.enqueue_indirect_dma source(%arg9 : memref<128x128xf32, #tpu.memory_space<vmem>>) target(%dma_start3A_77 : memref<10112x128xf32, #tpu.memory_space<vmem_shared>>) offsets(%dma_start3A_74 : memref<128xi32, #tpu.memory_space<vmem>>) semaphore(%run_scoped3A : memref<!tpu.dma_semaphore, #tpu.memory_space<semaphore_mem>>) {add = true}
        %dma_wait3A_78 = arith.constant 0 : i32
        %dma_wait3A_79 = tpu.memref_slice %arg7[%add3A_71, %dma_wait3A_78] : memref<40x128xi32, #tpu.memory_space<vmem>> -> memref<1x128xi32, #tpu.memory_space<vmem>>
        %dma_wait3A_80 = tpu.memref_squeeze %dma_wait3A_79 : memref<1x128xi32, #tpu.memory_space<vmem>> -> memref<128xi32, #tpu.memory_space<vmem>>
        %dma_wait3A_81 = arith.constant 0 : i32
        %dma_wait3A_82 = arith.constant 0 : i32
        %dma_wait3A_83 = tpu.memref_slice %arg12[%dma_wait3A_81, %dma_wait3A_82] : memref<10112x128xf32, #tpu.memory_space<vmem_shared>> -> memref<10112x128xf32, #tpu.memory_space<vmem_shared>>
        tpu.wait_indirect_dma semaphore(%run_scoped3A : memref<!tpu.dma_semaphore, #tpu.memory_space<semaphore_mem>>) src(%arg9 : memref<128x128xf32, #tpu.memory_space<vmem>>) dst(%dma_wait3A_83 : memref<10112x128xf32, #tpu.memory_space<vmem_shared>>)
        tpu.yield
      }) : () -> ()
    }
    %scan3A_29 = arith.constant 20 : i32
    "tpu.region"() ({
      %run_scoped3A = tpu.sem_alloc : memref<!tpu.dma_semaphore, #tpu.memory_space<semaphore_mem>>
      %dma_start3A_44 = arith.constant 40 : i32
      %dma_start3A_45 = arith.constant 0 : i32
      %dma_start3A_46 = tpu.memref_slice %arg3[%add3A, %dma_start3A_44, %dma_start3A_45] : memref<32x80x128xi32, #tpu.memory_space<hbm>> -> memref<1x40x128xi32, #tpu.memory_space<hbm>>
      %dma_start3A_47 = tpu.memref_squeeze %dma_start3A_46 : memref<1x40x128xi32, #tpu.memory_space<hbm>> -> memref<40x128xi32, #tpu.memory_space<hbm>>
      %dma_start3A_48 = arith.constant 40 : i32
      %dma_start3A_49 = arith.constant 0 : i32
      %dma_start3A_50 = tpu.memref_slice %arg3[%add3A, %dma_start3A_48, %dma_start3A_49] : memref<32x80x128xi32, #tpu.memory_space<hbm>> -> memref<1x40x128xi32, #tpu.memory_space<hbm>>
      %dma_start3A_51 = tpu.memref_squeeze %dma_start3A_50 : memref<1x40x128xi32, #tpu.memory_space<hbm>> -> memref<40x128xi32, #tpu.memory_space<hbm>>
      tpu.enqueue_dma source(%dma_start3A_51 : memref<40x128xi32, #tpu.memory_space<hbm>>) target(%arg6 : memref<40x128xi32, #tpu.memory_space<vmem>>) target_semaphore(%run_scoped3A : memref<!tpu.dma_semaphore, #tpu.memory_space<semaphore_mem>>)
      %dma_wait3A = arith.constant 40 : i32
      %dma_wait3A_52 = arith.constant 0 : i32
      %dma_wait3A_53 = tpu.memref_slice %arg3[%add3A, %dma_wait3A, %dma_wait3A_52] : memref<32x80x128xi32, #tpu.memory_space<hbm>> -> memref<1x40x128xi32, #tpu.memory_space<hbm>>
      %dma_wait3A_54 = tpu.memref_squeeze %dma_wait3A_53 : memref<1x40x128xi32, #tpu.memory_space<hbm>> -> memref<40x128xi32, #tpu.memory_space<hbm>>
      %dma_wait3A_55 = arith.constant 40 : i32
      %dma_wait3A_56 = arith.constant 0 : i32
      %dma_wait3A_57 = tpu.memref_slice %arg3[%add3A, %dma_wait3A_55, %dma_wait3A_56] : memref<32x80x128xi32, #tpu.memory_space<hbm>> -> memref<1x40x128xi32, #tpu.memory_space<hbm>>
      %dma_wait3A_58 = tpu.memref_squeeze %dma_wait3A_57 : memref<1x40x128xi32, #tpu.memory_space<hbm>> -> memref<40x128xi32, #tpu.memory_space<hbm>>
      tpu.wait_dma2 semaphore(%run_scoped3A : memref<!tpu.dma_semaphore, #tpu.memory_space<semaphore_mem>>) src(%dma_wait3A_58 : memref<40x128xi32, #tpu.memory_space<hbm>>) dst(%arg6 : memref<40x128xi32, #tpu.memory_space<vmem>>)
      tpu.yield
    }) : () -> ()
    "tpu.region"() ({
      %run_scoped3A = tpu.sem_alloc : memref<!tpu.dma_semaphore, #tpu.memory_space<semaphore_mem>>
      %dma_start3A_44 = arith.constant 40 : i32
      %dma_start3A_45 = arith.constant 0 : i32
      %dma_start3A_46 = tpu.memref_slice %arg4[%add3A, %dma_start3A_44, %dma_start3A_45] : memref<32x80x128xi32, #tpu.memory_space<hbm>> -> memref<1x40x128xi32, #tpu.memory_space<hbm>>
      %dma_start3A_47 = tpu.memref_squeeze %dma_start3A_46 : memref<1x40x128xi32, #tpu.memory_space<hbm>> -> memref<40x128xi32, #tpu.memory_space<hbm>>
      %dma_start3A_48 = arith.constant 40 : i32
      %dma_start3A_49 = arith.constant 0 : i32
      %dma_start3A_50 = tpu.memref_slice %arg4[%add3A, %dma_start3A_48, %dma_start3A_49] : memref<32x80x128xi32, #tpu.memory_space<hbm>> -> memref<1x40x128xi32, #tpu.memory_space<hbm>>
      %dma_start3A_51 = tpu.memref_squeeze %dma_start3A_50 : memref<1x40x128xi32, #tpu.memory_space<hbm>> -> memref<40x128xi32, #tpu.memory_space<hbm>>
      tpu.enqueue_dma source(%dma_start3A_51 : memref<40x128xi32, #tpu.memory_space<hbm>>) target(%arg7 : memref<40x128xi32, #tpu.memory_space<vmem>>) target_semaphore(%run_scoped3A : memref<!tpu.dma_semaphore, #tpu.memory_space<semaphore_mem>>)
      %dma_wait3A = arith.constant 40 : i32
      %dma_wait3A_52 = arith.constant 0 : i32
      %dma_wait3A_53 = tpu.memref_slice %arg4[%add3A, %dma_wait3A, %dma_wait3A_52] : memref<32x80x128xi32, #tpu.memory_space<hbm>> -> memref<1x40x128xi32, #tpu.memory_space<hbm>>
      %dma_wait3A_54 = tpu.memref_squeeze %dma_wait3A_53 : memref<1x40x128xi32, #tpu.memory_space<hbm>> -> memref<40x128xi32, #tpu.memory_space<hbm>>
      %dma_wait3A_55 = arith.constant 40 : i32
      %dma_wait3A_56 = arith.constant 0 : i32
      %dma_wait3A_57 = tpu.memref_slice %arg4[%add3A, %dma_wait3A_55, %dma_wait3A_56] : memref<32x80x128xi32, #tpu.memory_space<hbm>> -> memref<1x40x128xi32, #tpu.memory_space<hbm>>
      %dma_wait3A_58 = tpu.memref_squeeze %dma_wait3A_57 : memref<1x40x128xi32, #tpu.memory_space<hbm>> -> memref<40x128xi32, #tpu.memory_space<hbm>>
      tpu.wait_dma2 semaphore(%run_scoped3A : memref<!tpu.dma_semaphore, #tpu.memory_space<semaphore_mem>>) src(%dma_wait3A_58 : memref<40x128xi32, #tpu.memory_space<hbm>>) dst(%arg7 : memref<40x128xi32, #tpu.memory_space<vmem>>)
      tpu.yield
    }) : () -> ()
    %dma_start3A_30 = arith.constant 0 : i32
    %dma_start3A_31 = arith.constant 0 : i32
    %dma_start3A_32 = tpu.memref_slice %arg6[%dma_start3A_30, %dma_start3A_31] : memref<40x128xi32, #tpu.memory_space<vmem>> -> memref<1x128xi32, #tpu.memory_space<vmem>>
    %dma_start3A_33 = tpu.memref_squeeze %dma_start3A_32 : memref<1x128xi32, #tpu.memory_space<vmem>> -> memref<128xi32, #tpu.memory_space<vmem>>
    %dma_start3A_34 = arith.constant 0 : i32
    %dma_start3A_35 = arith.constant 0 : i32
    %dma_start3A_36 = tpu.memref_slice %arg2[%dma_start3A_34, %dma_start3A_35] : memref<10000x128xf32, #tpu.memory_space<hbm>> -> memref<10000x128xf32, #tpu.memory_space<hbm>>
    tpu.enqueue_indirect_dma source(%dma_start3A_36 : memref<10000x128xf32, #tpu.memory_space<hbm>>) target(%arg8 : memref<128x128xf32, #tpu.memory_space<vmem>>) offsets(%dma_start3A_33 : memref<128xi32, #tpu.memory_space<vmem>>) semaphore(%arg10 : memref<!tpu.dma_semaphore, #tpu.memory_space<semaphore_mem>>)
    %scan3A_37 = arith.constant 0 : i32
    %scan3A_38 = arith.constant 0 : i32
    %scan3A_39 = arith.constant 20 : i32
    %scan3A_40 = arith.addi %scan3A_38, %scan3A_39 : i32
    %scan3A_41 = arith.constant 1 : i32
    scf.for %scan3A_44 = %scan3A_38 to %scan3A_40 step %scan3A_41  : i32 {
      %mul3A_45 = arith.constant 2 : i32
      %mul3A_46 = arith.muli %mul3A_45, %scan3A_44 : i32
      %dma_wait3A = arith.constant 0 : i32
      %dma_wait3A_47 = tpu.memref_slice %arg6[%mul3A_46, %dma_wait3A] : memref<40x128xi32, #tpu.memory_space<vmem>> -> memref<1x128xi32, #tpu.memory_space<vmem>>
      %dma_wait3A_48 = tpu.memref_squeeze %dma_wait3A_47 : memref<1x128xi32, #tpu.memory_space<vmem>> -> memref<128xi32, #tpu.memory_space<vmem>>
      %dma_wait3A_49 = arith.constant 0 : i32
      %dma_wait3A_50 = arith.constant 0 : i32
      %dma_wait3A_51 = tpu.memref_slice %arg2[%dma_wait3A_49, %dma_wait3A_50] : memref<10000x128xf32, #tpu.memory_space<hbm>> -> memref<10000x128xf32, #tpu.memory_space<hbm>>
      tpu.wait_indirect_dma semaphore(%arg10 : memref<!tpu.dma_semaphore, #tpu.memory_space<semaphore_mem>>) src(%dma_wait3A_51 : memref<10000x128xf32, #tpu.memory_space<hbm>>) dst(%arg8 : memref<128x128xf32, #tpu.memory_space<vmem>>)
      %add3A_52 = arith.constant 1 : i32
      %add3A_53 = arith.addi %mul3A_46, %add3A_52 : i32
      %dma_start3A_54 = arith.constant 0 : i32
      %dma_start3A_55 = tpu.memref_slice %arg6[%add3A_53, %dma_start3A_54] : memref<40x128xi32, #tpu.memory_space<vmem>> -> memref<1x128xi32, #tpu.memory_space<vmem>>
      %dma_start3A_56 = tpu.memref_squeeze %dma_start3A_55 : memref<1x128xi32, #tpu.memory_space<vmem>> -> memref<128xi32, #tpu.memory_space<vmem>>
      %dma_start3A_57 = arith.constant 0 : i32
      %dma_start3A_58 = arith.constant 0 : i32
      %dma_start3A_59 = tpu.memref_slice %arg2[%dma_start3A_57, %dma_start3A_58] : memref<10000x128xf32, #tpu.memory_space<hbm>> -> memref<10000x128xf32, #tpu.memory_space<hbm>>
      tpu.enqueue_indirect_dma source(%dma_start3A_59 : memref<10000x128xf32, #tpu.memory_space<hbm>>) target(%arg9 : memref<128x128xf32, #tpu.memory_space<vmem>>) offsets(%dma_start3A_56 : memref<128xi32, #tpu.memory_space<vmem>>) semaphore(%arg11 : memref<!tpu.dma_semaphore, #tpu.memory_space<semaphore_mem>>)
      "tpu.region"() ({
        %run_scoped3A = tpu.sem_alloc : memref<!tpu.dma_semaphore, #tpu.memory_space<semaphore_mem>>
        %dma_start3A_72 = arith.constant 0 : i32
        %dma_start3A_73 = tpu.memref_slice %arg7[%mul3A_46, %dma_start3A_72] : memref<40x128xi32, #tpu.memory_space<vmem>> -> memref<1x128xi32, #tpu.memory_space<vmem>>
        %dma_start3A_74 = tpu.memref_squeeze %dma_start3A_73 : memref<1x128xi32, #tpu.memory_space<vmem>> -> memref<128xi32, #tpu.memory_space<vmem>>
        %dma_start3A_75 = arith.constant 0 : i32
        %dma_start3A_76 = arith.constant 0 : i32
        %dma_start3A_77 = tpu.memref_slice %arg12[%dma_start3A_75, %dma_start3A_76] : memref<10112x128xf32, #tpu.memory_space<vmem_shared>> -> memref<10112x128xf32, #tpu.memory_space<vmem_shared>>
        tpu.enqueue_indirect_dma source(%arg8 : memref<128x128xf32, #tpu.memory_space<vmem>>) target(%dma_start3A_77 : memref<10112x128xf32, #tpu.memory_space<vmem_shared>>) offsets(%dma_start3A_74 : memref<128xi32, #tpu.memory_space<vmem>>) semaphore(%run_scoped3A : memref<!tpu.dma_semaphore, #tpu.memory_space<semaphore_mem>>) {add = true}
        %dma_wait3A_78 = arith.constant 0 : i32
        %dma_wait3A_79 = tpu.memref_slice %arg7[%mul3A_46, %dma_wait3A_78] : memref<40x128xi32, #tpu.memory_space<vmem>> -> memref<1x128xi32, #tpu.memory_space<vmem>>
        %dma_wait3A_80 = tpu.memref_squeeze %dma_wait3A_79 : memref<1x128xi32, #tpu.memory_space<vmem>> -> memref<128xi32, #tpu.memory_space<vmem>>
        %dma_wait3A_81 = arith.constant 0 : i32
        %dma_wait3A_82 = arith.constant 0 : i32
        %dma_wait3A_83 = tpu.memref_slice %arg12[%dma_wait3A_81, %dma_wait3A_82] : memref<10112x128xf32, #tpu.memory_space<vmem_shared>> -> memref<10112x128xf32, #tpu.memory_space<vmem_shared>>
        tpu.wait_indirect_dma semaphore(%run_scoped3A : memref<!tpu.dma_semaphore, #tpu.memory_space<semaphore_mem>>) src(%arg8 : memref<128x128xf32, #tpu.memory_space<vmem>>) dst(%dma_wait3A_83 : memref<10112x128xf32, #tpu.memory_space<vmem_shared>>)
        tpu.yield
      }) : () -> ()
      %add3A_60 = arith.constant 1 : i32
      %add3A_61 = arith.addi %mul3A_46, %add3A_60 : i32
      %dma_wait3A_62 = arith.constant 0 : i32
      %dma_wait3A_63 = tpu.memref_slice %arg6[%add3A_61, %dma_wait3A_62] : memref<40x128xi32, #tpu.memory_space<vmem>> -> memref<1x128xi32, #tpu.memory_space<vmem>>
      %dma_wait3A_64 = tpu.memref_squeeze %dma_wait3A_63 : memref<1x128xi32, #tpu.memory_space<vmem>> -> memref<128xi32, #tpu.memory_space<vmem>>
      %dma_wait3A_65 = arith.constant 0 : i32
      %dma_wait3A_66 = arith.constant 0 : i32
      %dma_wait3A_67 = tpu.memref_slice %arg2[%dma_wait3A_65, %dma_wait3A_66] : memref<10000x128xf32, #tpu.memory_space<hbm>> -> memref<10000x128xf32, #tpu.memory_space<hbm>>
      tpu.wait_indirect_dma semaphore(%arg11 : memref<!tpu.dma_semaphore, #tpu.memory_space<semaphore_mem>>) src(%dma_wait3A_67 : memref<10000x128xf32, #tpu.memory_space<hbm>>) dst(%arg9 : memref<128x128xf32, #tpu.memory_space<vmem>>)
      %lt3A = arith.constant 19 : i32
      %lt3A_68 = arith.cmpi slt, %scan3A_44, %lt3A : i32
      %convert_element_type3A = arith.extui %lt3A_68 : i1 to i32
      %cond3A = arith.constant 0 : i32
      %cond3A_69 = arith.cmpi ne, %convert_element_type3A, %cond3A : i32
      scf.if %cond3A_69 {
        %add3A_72 = arith.constant 2 : i32
        %add3A_73 = arith.addi %mul3A_46, %add3A_72 : i32
        %dma_start3A_74 = arith.constant 0 : i32
        %dma_start3A_75 = tpu.memref_slice %arg6[%add3A_73, %dma_start3A_74] : memref<40x128xi32, #tpu.memory_space<vmem>> -> memref<1x128xi32, #tpu.memory_space<vmem>>
        %dma_start3A_76 = tpu.memref_squeeze %dma_start3A_75 : memref<1x128xi32, #tpu.memory_space<vmem>> -> memref<128xi32, #tpu.memory_space<vmem>>
        %dma_start3A_77 = arith.constant 0 : i32
        %dma_start3A_78 = arith.constant 0 : i32
        %dma_start3A_79 = tpu.memref_slice %arg2[%dma_start3A_77, %dma_start3A_78] : memref<10000x128xf32, #tpu.memory_space<hbm>> -> memref<10000x128xf32, #tpu.memory_space<hbm>>
        tpu.enqueue_indirect_dma source(%dma_start3A_79 : memref<10000x128xf32, #tpu.memory_space<hbm>>) target(%arg8 : memref<128x128xf32, #tpu.memory_space<vmem>>) offsets(%dma_start3A_76 : memref<128xi32, #tpu.memory_space<vmem>>) semaphore(%arg10 : memref<!tpu.dma_semaphore, #tpu.memory_space<semaphore_mem>>)
      } else {
      }
      %add3A_70 = arith.constant 1 : i32
      %add3A_71 = arith.addi %mul3A_46, %add3A_70 : i32
      "tpu.region"() ({
        %run_scoped3A = tpu.sem_alloc : memref<!tpu.dma_semaphore, #tpu.memory_space<semaphore_mem>>
        %dma_start3A_72 = arith.constant 0 : i32
        %dma_start3A_73 = tpu.memref_slice %arg7[%add3A_71, %dma_start3A_72] : memref<40x128xi32, #tpu.memory_space<vmem>> -> memref<1x128xi32, #tpu.memory_space<vmem>>
        %dma_start3A_74 = tpu.memref_squeeze %dma_start3A_73 : memref<1x128xi32, #tpu.memory_space<vmem>> -> memref<128xi32, #tpu.memory_space<vmem>>
        %dma_start3A_75 = arith.constant 0 : i32
        %dma_start3A_76 = arith.constant 0 : i32
        %dma_start3A_77 = tpu.memref_slice %arg12[%dma_start3A_75, %dma_start3A_76] : memref<10112x128xf32, #tpu.memory_space<vmem_shared>> -> memref<10112x128xf32, #tpu.memory_space<vmem_shared>>
        tpu.enqueue_indirect_dma source(%arg9 : memref<128x128xf32, #tpu.memory_space<vmem>>) target(%dma_start3A_77 : memref<10112x128xf32, #tpu.memory_space<vmem_shared>>) offsets(%dma_start3A_74 : memref<128xi32, #tpu.memory_space<vmem>>) semaphore(%run_scoped3A : memref<!tpu.dma_semaphore, #tpu.memory_space<semaphore_mem>>) {add = true}
        %dma_wait3A_78 = arith.constant 0 : i32
        %dma_wait3A_79 = tpu.memref_slice %arg7[%add3A_71, %dma_wait3A_78] : memref<40x128xi32, #tpu.memory_space<vmem>> -> memref<1x128xi32, #tpu.memory_space<vmem>>
        %dma_wait3A_80 = tpu.memref_squeeze %dma_wait3A_79 : memref<1x128xi32, #tpu.memory_space<vmem>> -> memref<128xi32, #tpu.memory_space<vmem>>
        %dma_wait3A_81 = arith.constant 0 : i32
        %dma_wait3A_82 = arith.constant 0 : i32
        %dma_wait3A_83 = tpu.memref_slice %arg12[%dma_wait3A_81, %dma_wait3A_82] : memref<10112x128xf32, #tpu.memory_space<vmem_shared>> -> memref<10112x128xf32, #tpu.memory_space<vmem_shared>>
        tpu.wait_indirect_dma semaphore(%run_scoped3A : memref<!tpu.dma_semaphore, #tpu.memory_space<semaphore_mem>>) src(%arg9 : memref<128x128xf32, #tpu.memory_space<vmem>>) dst(%dma_wait3A_83 : memref<10112x128xf32, #tpu.memory_space<vmem_shared>>)
        tpu.yield
      }) : () -> ()
    }
    %scan3A_42 = arith.constant 20 : i32
    %barrier3A_43 = arith.constant 0 : index
    tpu.barrier barrier_id(%barrier3A_43)
    "tpu.region"() ({
      %run_scoped3A = tpu.sem_alloc : memref<!tpu.dma_semaphore, #tpu.memory_space<semaphore_mem>>
      %dma_start3A_44 = arith.constant 0 : i32
      %dma_start3A_45 = tpu.memref_slice %arg5[%arg0, %mul3A_7, %dma_start3A_44] : memref<2x10112x128xf32, #tpu.memory_space<hbm>> -> memref<1x632x128xf32, #tpu.memory_space<hbm>>
      %dma_start3A_46 = tpu.memref_squeeze %dma_start3A_45 : memref<1x632x128xf32, #tpu.memory_space<hbm>> -> memref<632x128xf32, #tpu.memory_space<hbm>>
      %dma_start3A_47 = arith.constant 0 : i32
      %dma_start3A_48 = tpu.memref_slice %arg12[%mul3A_7, %dma_start3A_47] : memref<10112x128xf32, #tpu.memory_space<vmem_shared>> -> memref<632x128xf32, #tpu.memory_space<vmem_shared>>
      tpu.enqueue_dma source(%dma_start3A_48 : memref<632x128xf32, #tpu.memory_space<vmem_shared>>) target(%dma_start3A_46 : memref<632x128xf32, #tpu.memory_space<hbm>>) target_semaphore(%run_scoped3A : memref<!tpu.dma_semaphore, #tpu.memory_space<semaphore_mem>>)
      %dma_wait3A = arith.constant 0 : i32
      %dma_wait3A_49 = tpu.memref_slice %arg5[%arg0, %mul3A_7, %dma_wait3A] : memref<2x10112x128xf32, #tpu.memory_space<hbm>> -> memref<1x632x128xf32, #tpu.memory_space<hbm>>
      %dma_wait3A_50 = tpu.memref_squeeze %dma_wait3A_49 : memref<1x632x128xf32, #tpu.memory_space<hbm>> -> memref<632x128xf32, #tpu.memory_space<hbm>>
      %dma_wait3A_51 = arith.constant 0 : i32
      %dma_wait3A_52 = tpu.memref_slice %arg12[%mul3A_7, %dma_wait3A_51] : memref<10112x128xf32, #tpu.memory_space<vmem_shared>> -> memref<632x128xf32, #tpu.memory_space<vmem_shared>>
      tpu.wait_dma2 semaphore(%run_scoped3A : memref<!tpu.dma_semaphore, #tpu.memory_space<semaphore_mem>>) src(%dma_wait3A_52 : memref<632x128xf32, #tpu.memory_space<vmem_shared>>) dst(%dma_wait3A_50 : memref<632x128xf32, #tpu.memory_space<hbm>>)
      tpu.yield
    }) : () -> ()
    return
  }
}

module attributes {stable_mosaic.version = 14 : i64} {
  func.func @_tcd_body(%arg0: memref<2x10112x16xf32, #tpu.memory_space<vmem>>, %arg1: memref<10000x128xf32, #tpu.memory_space<vmem>>, %arg2: memref<128x128xf32, #tpu.memory_space<vmem>>, %arg3: memref<10000x128xf32, #tpu.memory_space<vmem>>, %arg4: memref<10000x128xf32, #tpu.memory_space<vmem>>) attributes {dimension_semantics = [], scalar_prefetch = 0 : i64, scratch_operands = 0 : i64, tpu.core_type = #tpu.core_type<tc>} {
    %get3A = arith.constant 0 : index
    %get3A_0 = arith.constant 0 : index
    %get3A_1 = arith.constant 0 : index
    %get3A_2 = vector.load %arg0[%get3A, %get3A_0, %get3A_1] : memref<2x10112x16xf32, #tpu.memory_space<vmem>>, vector<1x10112x16xf32>
    %get3A_3 = vector.shape_cast %get3A_2 : vector<1x10112x16xf32> to vector<10112x16xf32>
    %get3A_4 = arith.constant 1 : index
    %get3A_5 = arith.constant 0 : index
    %get3A_6 = arith.constant 0 : index
    %get3A_7 = vector.load %arg0[%get3A_4, %get3A_5, %get3A_6] : memref<2x10112x16xf32, #tpu.memory_space<vmem>>, vector<1x10112x16xf32>
    %get3A_8 = vector.shape_cast %get3A_7 : vector<1x10112x16xf32> to vector<10112x16xf32>
    %add3A = arith.addf %get3A_3, %get3A_8 : vector<10112x16xf32>
    %reduce_sum3A = arith.constant dense<0.000000e+00> : vector<10112xf32>
    %reduce_sum3A_9 = vector.multi_reduction <add>, %add3A, %reduce_sum3A [1] : vector<10112x16xf32> to vector<10112xf32>
    %broadcast_in_dim3A = vector.shape_cast %reduce_sum3A_9 : vector<10112xf32> to vector<10112x1xf32>
    %mul3A = arith.constant 6.250000e-02 : f32
    %mul3A_10 = vector.broadcast %mul3A : f32 to vector<10112x1xf32>
    %mul3A_11 = arith.mulf %broadcast_in_dim3A, %mul3A_10 : vector<10112x1xf32>
    %add3A_12 = arith.constant 1.000000e+00 : f32
    %add3A_13 = vector.broadcast %add3A_12 : f32 to vector<10112x1xf32>
    %add3A_14 = arith.addf %mul3A_11, %add3A_13 : vector<10112x1xf32>
    %rsqrt3A = math.rsqrt %add3A_14 : vector<10112x1xf32>
    %slice3A = vector.extract_strided_slice %rsqrt3A {offsets = [0, 0], sizes = [10000, 1], strides = [1, 1]} : vector<10112x1xf32> to vector<10000x1xf32>
    %broadcast_in_dim3A_15 = vector.shape_cast %slice3A : vector<10000x1xf32> to vector<10000x1xf32>
    %broadcast_in_dim3A_16 = vector.broadcast %broadcast_in_dim3A_15 : vector<10000x1xf32> to vector<10000x128xf32>
    %swap3A = arith.constant 0 : index
    %swap3A_17 = arith.constant 0 : index
    %swap3A_18 = vector.load %arg3[%swap3A, %swap3A_17] : memref<10000x128xf32, #tpu.memory_space<vmem>>, vector<10000x128xf32>
    tpu.vector_store %arg3[%swap3A, %swap3A_17], %broadcast_in_dim3A_16 {strides = array<i32>} : memref<10000x128xf32, #tpu.memory_space<vmem>>, vector<10000x128xf32>,
    %get3A_19 = arith.constant 0 : index
    %get3A_20 = arith.constant 0 : index
    %get3A_21 = vector.load %arg1[%get3A_19, %get3A_20] : memref<10000x128xf32, #tpu.memory_space<vmem>>, vector<10000x128xf32>
    %get3A_22 = arith.constant 0 : index
    %get3A_23 = arith.constant 0 : index
    %get3A_24 = vector.load %arg2[%get3A_22, %get3A_23] : memref<128x128xf32, #tpu.memory_space<vmem>>, vector<128x128xf32>
    %dot_general3A = arith.constant dense<0.000000e+00> : vector<10000x128xf32>
    %dot_general3A_25 = tpu.matmul %get3A_21, %get3A_24, %dot_general3A {dimension_numbers = #tpu.dot_dimension_numbers<[1], [0], [0], [1], [0, 0, 1, 1], [], []>, precision = #tpu.contract_precision<fp32>, transpose_lhs_hint = false} : vector<10000x128xf32>, vector<128x128xf32>, vector<10000x128xf32> -> vector<10000x128xf32>
    %mul3A_26 = arith.mulf %dot_general3A_25, %broadcast_in_dim3A_16 : vector<10000x128xf32>
    %swap3A_27 = arith.constant 0 : index
    %swap3A_28 = arith.constant 0 : index
    %swap3A_29 = vector.load %arg4[%swap3A_27, %swap3A_28] : memref<10000x128xf32, #tpu.memory_space<vmem>>, vector<10000x128xf32>
    tpu.vector_store %arg4[%swap3A_27, %swap3A_28], %mul3A_26 {strides = array<i32>} : memref<10000x128xf32, #tpu.memory_space<vmem>>, vector<10000x128xf32>,
    return
  }
}

module attributes {stable_mosaic.version = 14 : i64} {
  func.func @_tcmid_body(%arg0: memref<2x10112x128xf32, #tpu.memory_space<vmem>>, %arg1: memref<10000x128xf32, #tpu.memory_space<vmem>>, %arg2: memref<10000x128xf32, #tpu.memory_space<vmem>>, %arg3: memref<128xf32, #tpu.memory_space<vmem>>, %arg4: memref<128xf32, #tpu.memory_space<vmem>>, %arg5: memref<128xf32, #tpu.memory_space<vmem>>, %arg6: memref<128x128xf32, #tpu.memory_space<vmem>>, %arg7: memref<10000x128xf32, #tpu.memory_space<vmem>>) attributes {dimension_semantics = [], scalar_prefetch = 0 : i64, scratch_operands = 0 : i64, tpu.core_type = #tpu.core_type<tc>} {
    %get3A = arith.constant 0 : index
    %get3A_0 = arith.constant 0 : index
    %get3A_1 = arith.constant 0 : index
    %get3A_2 = vector.load %arg0[%get3A, %get3A_0, %get3A_1] : memref<2x10112x128xf32, #tpu.memory_space<vmem>>, vector<1x10000x128xf32>
    %get3A_3 = vector.shape_cast %get3A_2 : vector<1x10000x128xf32> to vector<10000x128xf32>
    %get3A_4 = arith.constant 1 : index
    %get3A_5 = arith.constant 0 : index
    %get3A_6 = arith.constant 0 : index
    %get3A_7 = vector.load %arg0[%get3A_4, %get3A_5, %get3A_6] : memref<2x10112x128xf32, #tpu.memory_space<vmem>>, vector<1x10000x128xf32>
    %get3A_8 = vector.shape_cast %get3A_7 : vector<1x10000x128xf32> to vector<10000x128xf32>
    %add3A = arith.addf %get3A_3, %get3A_8 : vector<10000x128xf32>
    %get3A_9 = arith.constant 0 : index
    %get3A_10 = arith.constant 0 : index
    %get3A_11 = vector.load %arg1[%get3A_9, %get3A_10] : memref<10000x128xf32, #tpu.memory_space<vmem>>, vector<10000x128xf32>
    %add3A_12 = arith.addf %add3A, %get3A_11 : vector<10000x128xf32>
    %get3A_13 = arith.constant 0 : index
    %get3A_14 = arith.constant 0 : index
    %get3A_15 = vector.load %arg2[%get3A_13, %get3A_14] : memref<10000x128xf32, #tpu.memory_space<vmem>>, vector<10000x128xf32>
    %mul3A = arith.mulf %add3A_12, %get3A_15 : vector<10000x128xf32>
    %get3A_16 = arith.constant 0 : index
    %get3A_17 = vector.load %arg3[%get3A_16] : memref<128xf32, #tpu.memory_space<vmem>>, vector<128xf32>
    %broadcast_in_dim3A = vector.shape_cast %get3A_17 : vector<128xf32> to vector<1x128xf32>
    %add3A_18 = vector.broadcast %broadcast_in_dim3A : vector<1x128xf32> to vector<10000x128xf32>
    %add3A_19 = arith.addf %mul3A, %add3A_18 : vector<10000x128xf32>
    %reduce_sum3A = arith.constant dense<0.000000e+00> : vector<128xf32>
    %reduce_sum3A_20 = vector.multi_reduction <add>, %add3A_19, %reduce_sum3A [0] : vector<10000x128xf32> to vector<128xf32>
    %broadcast_in_dim3A_21 = vector.shape_cast %reduce_sum3A_20 : vector<128xf32> to vector<1x128xf32>
    %div3A = arith.constant 1.000000e+04 : f32
    %div3A_22 = vector.broadcast %div3A : f32 to vector<1x128xf32>
    %div3A_23 = arith.divf %broadcast_in_dim3A_21, %div3A_22 : vector<1x128xf32>
    %sub3A = vector.broadcast %div3A_23 : vector<1x128xf32> to vector<10000x128xf32>
    %sub3A_24 = arith.subf %add3A_19, %sub3A : vector<10000x128xf32>
    %mul3A_25 = arith.mulf %sub3A_24, %sub3A_24 : vector<10000x128xf32>
    %reduce_sum3A_26 = arith.constant dense<0.000000e+00> : vector<128xf32>
    %reduce_sum3A_27 = vector.multi_reduction <add>, %mul3A_25, %reduce_sum3A_26 [0] : vector<10000x128xf32> to vector<128xf32>
    %broadcast_in_dim3A_28 = vector.shape_cast %reduce_sum3A_27 : vector<128xf32> to vector<1x128xf32>
    %div3A_29 = arith.constant 1.000000e+04 : f32
    %div3A_30 = vector.broadcast %div3A_29 : f32 to vector<1x128xf32>
    %div3A_31 = arith.divf %broadcast_in_dim3A_28, %div3A_30 : vector<1x128xf32>
    %get3A_32 = arith.constant 0 : index
    %get3A_33 = vector.load %arg4[%get3A_32] : memref<128xf32, #tpu.memory_space<vmem>>, vector<128xf32>
    %broadcast_in_dim3A_34 = vector.shape_cast %get3A_33 : vector<128xf32> to vector<1x128xf32>
    %mul3A_35 = vector.broadcast %broadcast_in_dim3A_34 : vector<1x128xf32> to vector<10000x128xf32>
    %mul3A_36 = arith.mulf %mul3A_35, %sub3A_24 : vector<10000x128xf32>
    %add3A_37 = arith.constant 9.99999974E-6 : f32
    %add3A_38 = vector.broadcast %add3A_37 : f32 to vector<1x128xf32>
    %add3A_39 = arith.addf %div3A_31, %add3A_38 : vector<1x128xf32>
    %rsqrt3A = math.rsqrt %add3A_39 : vector<1x128xf32>
    %mul3A_40 = vector.broadcast %rsqrt3A : vector<1x128xf32> to vector<10000x128xf32>
    %mul3A_41 = arith.mulf %mul3A_36, %mul3A_40 : vector<10000x128xf32>
    %get3A_42 = arith.constant 0 : index
    %get3A_43 = vector.load %arg5[%get3A_42] : memref<128xf32, #tpu.memory_space<vmem>>, vector<128xf32>
    %broadcast_in_dim3A_44 = vector.shape_cast %get3A_43 : vector<128xf32> to vector<1x128xf32>
    %add3A_45 = vector.broadcast %broadcast_in_dim3A_44 : vector<1x128xf32> to vector<10000x128xf32>
    %add3A_46 = arith.addf %mul3A_41, %add3A_45 : vector<10000x128xf32>
    %logistic3A = arith.negf %add3A_46 : vector<10000x128xf32>
    %logistic3A_47 = math.exp %logistic3A : vector<10000x128xf32>
    %logistic3A_48 = arith.constant 1.000000e+00 : f32
    %logistic3A_49 = vector.broadcast %logistic3A_48 : f32 to vector<10000x128xf32>
    %logistic3A_50 = arith.addf %logistic3A_49, %logistic3A_47 : vector<10000x128xf32>
    %logistic3A_51 = arith.divf %logistic3A_49, %logistic3A_50 : vector<10000x128xf32>
    %get3A_52 = arith.constant 0 : index
    %get3A_53 = arith.constant 0 : index
    %get3A_54 = vector.load %arg6[%get3A_52, %get3A_53] : memref<128x128xf32, #tpu.memory_space<vmem>>, vector<128x128xf32>
    %dot_general3A = arith.constant dense<0.000000e+00> : vector<10000x128xf32>
    %dot_general3A_55 = tpu.matmul %logistic3A_51, %get3A_54, %dot_general3A {dimension_numbers = #tpu.dot_dimension_numbers<[1], [0], [0], [1], [0, 0, 1, 1], [], []>, precision = #tpu.contract_precision<fp32>, transpose_lhs_hint = false} : vector<10000x128xf32>, vector<128x128xf32>, vector<10000x128xf32> -> vector<10000x128xf32>
    %get3A_56 = arith.constant 0 : index
    %get3A_57 = arith.constant 0 : index
    %get3A_58 = vector.load %arg2[%get3A_56, %get3A_57] : memref<10000x128xf32, #tpu.memory_space<vmem>>, vector<10000x128xf32>
    %mul3A_59 = arith.mulf %dot_general3A_55, %get3A_58 : vector<10000x128xf32>
    %swap3A = arith.constant 0 : index
    %swap3A_60 = arith.constant 0 : index
    %swap3A_61 = vector.load %arg7[%swap3A, %swap3A_60] : memref<10000x128xf32, #tpu.memory_space<vmem>>, vector<10000x128xf32>
    tpu.vector_store %arg7[%swap3A, %swap3A_60], %mul3A_59 {strides = array<i32>} : memref<10000x128xf32, #tpu.memory_space<vmem>>, vector<10000x128xf32>,
    return
  }
}

module attributes {stable_mosaic.version = 14 : i64} {
  func.func @_tcfin_body(%arg0: memref<2x10112x128xf32, #tpu.memory_space<vmem>>, %arg1: memref<10000x128xf32, #tpu.memory_space<vmem>>, %arg2: memref<10000x128xf32, #tpu.memory_space<vmem>>, %arg3: memref<128xf32, #tpu.memory_space<vmem>>, %arg4: memref<128xf32, #tpu.memory_space<vmem>>, %arg5: memref<128xf32, #tpu.memory_space<vmem>>, %arg6: memref<1x10000xi32, #tpu.memory_space<vmem>>, %arg7: memref<64x128xf32, #tpu.memory_space<vmem>>) attributes {dimension_semantics = [], scalar_prefetch = 0 : i64, scratch_operands = 0 : i64, tpu.core_type = #tpu.core_type<tc>} {
    %get3A = arith.constant 0 : index
    %get3A_0 = arith.constant 0 : index
    %get3A_1 = arith.constant 0 : index
    %get3A_2 = vector.load %arg0[%get3A, %get3A_0, %get3A_1] : memref<2x10112x128xf32, #tpu.memory_space<vmem>>, vector<1x10000x128xf32>
    %get3A_3 = vector.shape_cast %get3A_2 : vector<1x10000x128xf32> to vector<10000x128xf32>
    %get3A_4 = arith.constant 1 : index
    %get3A_5 = arith.constant 0 : index
    %get3A_6 = arith.constant 0 : index
    %get3A_7 = vector.load %arg0[%get3A_4, %get3A_5, %get3A_6] : memref<2x10112x128xf32, #tpu.memory_space<vmem>>, vector<1x10000x128xf32>
    %get3A_8 = vector.shape_cast %get3A_7 : vector<1x10000x128xf32> to vector<10000x128xf32>
    %add3A = arith.addf %get3A_3, %get3A_8 : vector<10000x128xf32>
    %get3A_9 = arith.constant 0 : index
    %get3A_10 = arith.constant 0 : index
    %get3A_11 = vector.load %arg1[%get3A_9, %get3A_10] : memref<10000x128xf32, #tpu.memory_space<vmem>>, vector<10000x128xf32>
    %add3A_12 = arith.addf %add3A, %get3A_11 : vector<10000x128xf32>
    %get3A_13 = arith.constant 0 : index
    %get3A_14 = arith.constant 0 : index
    %get3A_15 = vector.load %arg2[%get3A_13, %get3A_14] : memref<10000x128xf32, #tpu.memory_space<vmem>>, vector<10000x128xf32>
    %mul3A = arith.mulf %add3A_12, %get3A_15 : vector<10000x128xf32>
    %get3A_16 = arith.constant 0 : index
    %get3A_17 = vector.load %arg3[%get3A_16] : memref<128xf32, #tpu.memory_space<vmem>>, vector<128xf32>
    %broadcast_in_dim3A = vector.shape_cast %get3A_17 : vector<128xf32> to vector<1x128xf32>
    %add3A_18 = vector.broadcast %broadcast_in_dim3A : vector<1x128xf32> to vector<10000x128xf32>
    %add3A_19 = arith.addf %mul3A, %add3A_18 : vector<10000x128xf32>
    %reduce_sum3A = arith.constant dense<0.000000e+00> : vector<128xf32>
    %reduce_sum3A_20 = vector.multi_reduction <add>, %add3A_19, %reduce_sum3A [0] : vector<10000x128xf32> to vector<128xf32>
    %broadcast_in_dim3A_21 = vector.shape_cast %reduce_sum3A_20 : vector<128xf32> to vector<1x128xf32>
    %div3A = arith.constant 1.000000e+04 : f32
    %div3A_22 = vector.broadcast %div3A : f32 to vector<1x128xf32>
    %div3A_23 = arith.divf %broadcast_in_dim3A_21, %div3A_22 : vector<1x128xf32>
    %sub3A = vector.broadcast %div3A_23 : vector<1x128xf32> to vector<10000x128xf32>
    %sub3A_24 = arith.subf %add3A_19, %sub3A : vector<10000x128xf32>
    %mul3A_25 = arith.mulf %sub3A_24, %sub3A_24 : vector<10000x128xf32>
    %reduce_sum3A_26 = arith.constant dense<0.000000e+00> : vector<128xf32>
    %reduce_sum3A_27 = vector.multi_reduction <add>, %mul3A_25, %reduce_sum3A_26 [0] : vector<10000x128xf32> to vector<128xf32>
    %broadcast_in_dim3A_28 = vector.shape_cast %reduce_sum3A_27 : vector<128xf32> to vector<1x128xf32>
    %div3A_29 = arith.constant 1.000000e+04 : f32
    %div3A_30 = vector.broadcast %div3A_29 : f32 to vector<1x128xf32>
    %div3A_31 = arith.divf %broadcast_in_dim3A_28, %div3A_30 : vector<1x128xf32>
    %get3A_32 = arith.constant 0 : index
    %get3A_33 = vector.load %arg4[%get3A_32] : memref<128xf32, #tpu.memory_space<vmem>>, vector<128xf32>
    %broadcast_in_dim3A_34 = vector.shape_cast %get3A_33 : vector<128xf32> to vector<1x128xf32>
    %mul3A_35 = vector.broadcast %broadcast_in_dim3A_34 : vector<1x128xf32> to vector<10000x128xf32>
    %mul3A_36 = arith.mulf %mul3A_35, %sub3A_24 : vector<10000x128xf32>
    %add3A_37 = arith.constant 9.99999974E-6 : f32
    %add3A_38 = vector.broadcast %add3A_37 : f32 to vector<1x128xf32>
    %add3A_39 = arith.addf %div3A_31, %add3A_38 : vector<1x128xf32>
    %rsqrt3A = math.rsqrt %add3A_39 : vector<1x128xf32>
    %mul3A_40 = vector.broadcast %rsqrt3A : vector<1x128xf32> to vector<10000x128xf32>
    %mul3A_41 = arith.mulf %mul3A_36, %mul3A_40 : vector<10000x128xf32>
    %get3A_42 = arith.constant 0 : index
    %get3A_43 = vector.load %arg5[%get3A_42] : memref<128xf32, #tpu.memory_space<vmem>>, vector<128xf32>
    %broadcast_in_dim3A_44 = vector.shape_cast %get3A_43 : vector<128xf32> to vector<1x128xf32>
    %add3A_45 = vector.broadcast %broadcast_in_dim3A_44 : vector<1x128xf32> to vector<10000x128xf32>
    %add3A_46 = arith.addf %mul3A_41, %add3A_45 : vector<10000x128xf32>
    %logistic3A = arith.negf %add3A_46 : vector<10000x128xf32>
    %logistic3A_47 = math.exp %logistic3A : vector<10000x128xf32>
    %logistic3A_48 = arith.constant 1.000000e+00 : f32
    %logistic3A_49 = vector.broadcast %logistic3A_48 : f32 to vector<10000x128xf32>
    %logistic3A_50 = arith.addf %logistic3A_49, %logistic3A_47 : vector<10000x128xf32>
    %logistic3A_51 = arith.divf %logistic3A_49, %logistic3A_50 : vector<10000x128xf32>
    %get3A_52 = arith.constant 0 : index
    %get3A_53 = arith.constant 0 : index
    %get3A_54 = vector.load %arg6[%get3A_52, %get3A_53] : memref<1x10000xi32, #tpu.memory_space<vmem>>, vector<1x10000xi32>
    %iota3A = tpu.iota {dimensions = array<i32: 0>} : vector<64x10000xi32>
    %eq3A = vector.broadcast %get3A_54 : vector<1x10000xi32> to vector<64x10000xi32>
    %eq3A_55 = arith.cmpi eq, %iota3A, %eq3A : vector<64x10000xi32>
    %convert_element_type3A = arith.extui %eq3A_55 : vector<64x10000xi1> to vector<64x10000xi32>
    %convert_element_type3A_56 = arith.sitofp %convert_element_type3A : vector<64x10000xi32> to vector<64x10000xf32>
    %dot_general3A = arith.constant dense<0.000000e+00> : vector<64x128xf32>
    %dot_general3A_57 = tpu.matmul %convert_element_type3A_56, %logistic3A_51, %dot_general3A {dimension_numbers = #tpu.dot_dimension_numbers<[1], [0], [0], [1], [0, 0, 1, 1], [], []>, precision = #tpu.contract_precision<fp32>, transpose_lhs_hint = false} : vector<64x10000xf32>, vector<10000x128xf32>, vector<64x128xf32> -> vector<64x128xf32>
    %reduce_sum3A_58 = arith.constant dense<0.000000e+00> : vector<64xf32>
    %reduce_sum3A_59 = vector.multi_reduction <add>, %convert_element_type3A_56, %reduce_sum3A_58 [1] : vector<64x10000xf32> to vector<64xf32>
    %broadcast_in_dim3A_60 = vector.shape_cast %reduce_sum3A_59 : vector<64xf32> to vector<64x1xf32>
    %max3A = arith.constant 1.000000e+00 : f32
    %max3A_61 = vector.broadcast %max3A : f32 to vector<64x1xf32>
    %max3A_62 = arith.maximumf %broadcast_in_dim3A_60, %max3A_61 : vector<64x1xf32>
    %div3A_63 = vector.broadcast %max3A_62 : vector<64x1xf32> to vector<64x128xf32>
    %div3A_64 = arith.divf %dot_general3A_57, %div3A_63 : vector<64x128xf32>
    %swap3A = arith.constant 0 : index
    %swap3A_65 = arith.constant 0 : index
    %swap3A_66 = vector.load %arg7[%swap3A, %swap3A_65] : memref<64x128xf32, #tpu.memory_space<vmem>>, vector<64x128xf32>
    tpu.vector_store %arg7[%swap3A, %swap3A_65], %div3A_64 {strides = array<i32>} : memref<64x128xf32, #tpu.memory_space<vmem>>, vector<64x128xf32>,
    return
  }
}

</mosaic_0001>

<sc_bundles>
// kernel: kernel.10.cloned.1.call-start
scs
__scs_entry_jumppad:
0x0: {  	(pc) =	sbr.rel $0x88, $3  }
0x1: {  	(tag) =	ssettag $0x0;
	lr =	simm.s32 $0x1  }
0x2: {  	[smem:$0x3F92] =	sst lr;
	_ =	strace $0xD0000000  }
0x3: {  	_ = 	snop  }
0x4: {  	_ = 	snop  }
0x5: {  	_ = 	snop  }
0x6: {  	_ = 	snop  }
0x7: {  	_ = 	snop  }
__scs_overlays_trampoline_lowered:
0x8: {  	[smem:$0x3FA1] =	sst s0  }
0x9: {  	[smem:$0x3FA2] =	sst s1  }
0xa: {  	[smem:$0x3FA3] =	sst s2  }
0xb: {  	[smem:$0x3FA4] =	sst s3  }
0xc: {  	[smem:$0x3FA5] =	sst s4  }
0xd: {  	[smem:$0x3FA6] =	sst s5  }
0xe: {  	[smem:$0x3FA7] =	sst s6  }
0xf: {  	[smem:$0x3FA8] =	sst s7  }
0x10: {  	[smem:$0x3FA9] =	sst s8  }
0x11: {  	[smem:$0x3FAA] =	sst s9;
	s0 =	simm.s32 @!p0 $0x0  }
0x12: {  	s1 =	sld [smem:$0x3F90];
	s0 =	simm.s32 @p0 $0x1  }
0x13: {  	[smem:$0x3FAB] =	sst s0;
	s0 =	simm.s32 @!p1 $0x0  }
0x14: {  	s2 =	sld [smem:$0x3F8F];
	s0 =	simm.s32 @p1 $0x1  }
0x15: {  	[smem:$0x3FAC] =	sst s0;
	s0 =	simm.s32 @!p2 $0x0  }
0x16: {  	s3 =	sld [smem:$0x3FDB];
	s0 =	simm.s32 @p2 $0x1  }
0x17: {  	s4 =	simm.s32 $0x1BF5;
	[smem:$0x3FAE] =	sst s0  }
0x18: {  	s0 =	sld [smem:$0x3F91];
	_ =	swait.ge [sflag:s4], $0x0  }
0x19: {  	s7 =	sld [smem:$0x3F92]  }
0x1a: {  	s8 =	sadd.s32 $0xFFFFE003, lr  }
0x1b: {  	s9 =	sadd.s32 $0xFFFFFEF7, lr;
	s5 =	simm.s32 $0xFFFFFFFF;
	p2 =	slt.u32 s8, $0xFFFFF086  }
0x1c: {  	p1 =	slt.u32 s9, $0xF7A;
	s5 =	simm.s32 @!p2 $0x0  }
0x1d: {  	s5 =	simm.s32 @p1 $0x1;
	p0 =	seq.s32 s7, s2  }
0x1e: {  	s7 =	smul.u32 @!p0 $0xF7A, s2;
	p2 =	seq.s32 @!p0 s5, $0x0  }
0x1f: {  	s9 =	smul.u32 $0xF7A, s1;
	s8 =	simm.s32 @!p0 $0x1BF5;
	p2 =	por !p2, p0  }
0x20: {  	[sflag:s8] =	ssyncset.s32 @!p0 $0xFFFFF086;
	s6 =	sadd.s32 @!p0 s3, s7;
	s7 =	simm.s32 @!p0 $0x108  }
0x21: {  	s3 =	sadd.s32 s3, s9;
	s6 =	sadd.s32 @!p0 $0x88, s6;
	s7 =	simm.s32 @p2 $0x1082  }
0x22: {  	[simem:s7], [sflag:s8] =	dma.local @!p0 [hbm:s6], $0xF7A  }
0x23: {  	s9 =	sor.u32 $0xD0000000, s2;
	s6 =	simm.s32 $0x108;
	_ =	swait.ge @!p0 [sflag:s8], $0x0  }
0x24: {  	s3 =	sadd.s32 $0x88, s3;
	s6 =	simm.s32 @!p1 $0x1082;
	[sflag:s4] =	ssyncset.s32 $0xFFFFF086  }
0x25: {  	[simem:s6], [sflag:s4] =	dma.local [hbm:s3], $0xF7A  }
0x26: {  	[smem:$0x3F92] =	sst s1;
	(tag) =	ssettag s2;
	_ =	strace s9  }
0x27: {  	s1 =	sld [smem:$0x3FA2]  }
0x28: {  	s2 =	sld [smem:$0x3FA3]  }
0x29: {  	s4 =	sld [smem:$0x3FA5]  }
0x2a: {  	p0 =	seq.s32 s5, $0x0;
	s5 =	sld [smem:$0x3FA6]  }
0x2b: {  	s6 =	sld [smem:$0x3FA7]  }
0x2c: {  	s7 =	sld [smem:$0x3FA8]  }
0x2d: {  	s3 =	simm.s32 $0x108;
	s8 =	sld [smem:$0x3FA9]  }
0x2e: {  	s3 =	simm.s32 @!p0 $0x1082;
	s9 =	sld [smem:$0x3FAA]  }
0x2f: {  	lr =	sadd.s32 s0, s3;
	s0 =	sld [smem:$0x3FA1]  }
0x30: {  	s3 =	sld [smem:$0x3FA4]  }
0x31: {  	[smem:$0x3FAD] =	sst s10  }
0x32: {  	s10 =	sld [smem:$0x3FAB];
	_ =	sdelay $0x3  }
0x33: {  	p0 =	seq.s32 s10, $0x1;
	s10 =	sld [smem:$0x3FAD];
	_ =	sdelay $0x3  }
0x34: {  	[smem:$0x3FAD] =	sst s10  }
0x35: {  	s10 =	sld [smem:$0x3FAC];
	_ =	sdelay $0x3  }
0x36: {  	p1 =	seq.s32 s10, $0x1;
	s10 =	sld [smem:$0x3FAD];
	_ =	sdelay $0x3  }
0x37: {  	[smem:$0x3FAD] =	sst s10  }
0x38: {  	s10 =	sld [smem:$0x3FAE]  }
0x39: {  	_ = 	snop;
	(pc) =	sbr.ind lr, $3  }
0x3a: {  	_ = 	snop  }
0x3b: {  	_ = 	snop  }
0x3c: {  	p2 =	seq.s32 s10, $0x1;
	s10 =	sld [smem:$0x3FAD]  }
0x3d: {  	_ =	shalt  }
0x3e: {  	_ =	shalt  }
0x3f: {  	_ =	shalt  }
0x40: {  	_ =	shalt  }
0x41: {  	_ =	shalt  }
0x42: {  	_ =	shalt  }
0x43: {  	_ =	shalt  }
0x44: {  	_ =	shalt  }
0x45: {  	_ =	shalt  }
0x46: {  	_ =	shalt  }
0x47: {  	_ =	shalt  }
0x48: {  	_ =	shalt  }
0x49: {  	_ =	shalt  }
0x4a: {  	_ =	shalt  }
0x4b: {  	_ =	shalt  }
0x4c: {  	_ =	shalt  }
0x4d: {  	_ =	shalt  }
0x4e: {  	_ =	shalt  }
0x4f: {  	_ =	shalt  }
0x50: {  	_ =	shalt  }
0x51: {  	_ =	shalt  }
0x52: {  	_ =	shalt  }
0x53: {  	_ =	shalt  }
0x54: {  	_ =	shalt  }
0x55: {  	_ =	shalt  }
0x56: {  	_ =	shalt  }
0x57: {  	_ =	shalt  }
0x58: {  	_ =	shalt  }
0x59: {  	_ =	shalt  }
0x5a: {  	_ =	shalt  }
0x5b: {  	_ =	shalt  }
0x5c: {  	_ =	shalt  }
0x5d: {  	_ =	shalt  }
0x5e: {  	_ =	shalt  }
0x5f: {  	_ =	shalt  }
0x60: {  	_ =	shalt  }
0x61: {  	_ =	shalt  }
0x62: {  	_ =	shalt  }
0x63: {  	_ =	shalt  }
0x64: {  	_ =	shalt  }
0x65: {  	_ =	shalt  }
0x66: {  	_ =	shalt  }
0x67: {  	_ =	shalt  }
0x68: {  	_ =	shalt  }
0x69: {  	_ =	shalt  }
0x6a: {  	_ =	shalt  }
0x6b: {  	_ =	shalt  }
0x6c: {  	_ =	shalt  }
0x6d: {  	_ =	shalt  }
0x6e: {  	_ =	shalt  }
0x6f: {  	_ =	shalt  }
0x70: {  	_ =	shalt  }
0x71: {  	_ =	shalt  }
0x72: {  	_ =	shalt  }
0x73: {  	_ =	shalt  }
0x74: {  	_ =	shalt  }
0x75: {  	_ =	shalt  }
0x76: {  	_ =	shalt  }
0x77: {  	_ =	shalt  }
0x78: {  	_ =	shalt  }
0x79: {  	_ =	shalt  }
0x7a: {  	_ =	shalt  }
0x7b: {  	_ =	shalt  }
0x7c: {  	_ =	shalt  }
0x7d: {  	_ =	shalt  }
0x7e: {  	_ =	shalt  }
0x7f: {  	_ =	shalt  }
0x80: {  	_ =	shalt  }
0x81: {  	_ =	shalt  }
0x82: {  	_ =	shalt  }
0x83: {  	_ =	shalt  }
0x84: {  	_ =	shalt  }
0x85: {  	_ =	shalt  }
0x86: {  	_ =	shalt  }
0x87: {  	_ =	shalt  }
.Lfunc_end0:
.L_simem_size_0:
called_computation_lowered:
.L_overlay_start_0:
0x88: {  	s2 =	sld [smem:$0x3FD9]  }
0x89: {  	s3 =	sld [smem:$0x3FFE];
	_ =	sdelay $0x1  }
0x8a: {  	s1 =	srdreg.scid  }
0x8b: {  	s0 =	sand.u32 $0x1, s1  }
0x8c: {  	s16 =	sshll.u32 s0, $0xA;
	s2 =	sadd.s32 s3, s2  }
0x8d: {  	s2 =	sadd.s32 s2, s16  }
0x8e: {  	[smem:$0x3FB9] =	sst s2  }
0x8f: {  	_ = 	snop  }
0x90: {  	(tm) =	ssettm $0x1  }
0x91: {  	s17 =	sld [smem:$0x3FFB];
	_ =	sdelay $0x3  }
0x92: {  	_ =	strace s17  }
0x93: {  	s2 =	sld [smem:$0x3FFC];
	_ =	sdelay $0x3  }
0x94: {  	_ =	strace s2  }
0x95: {  	s2 =	sld [smem:$0x3FFD];
	_ =	sdelay $0x3  }
0x96: {  	_ =	strace s2  }
0x97: {  	_ =	strace $0x8FFFFFFF  }
0x98: {  	s18 =	sld [smem:$0x3FDB];
	_ =	sdelay $0x1  }
0x99: {  	s19 =	simm.s32 $_scs_section_size  }
0x9a: {  	s4 =	simm.s32 $_size__tile_overlayer_lowered;
	s5 =	simm.s32 $_tile_overlayer_lowered  }
0x9b: {  	s22 =	simm.s32 $0x1BFF;
	s21 =	sshll.u32 s5, $0x1;
	s2 =	sadd.s32 s19, s18  }
0x9c: {  	s6 =	simm.s32 $0x0;
	s20 =	sshll.u32 s4, $0x1;
	s4 =	sadd.s32 s21, s2  }
0x9d: {  	[timem:s6], [sflag:s22] =	dma.local [hbm:s4], s20  }
0x9e: {  	_ =	swait.ge [sflag:s22], s20  }
0x9f: {  	s3 =	ssub.s32 $0x0, s20;
	[sflag:s22] =	ssyncset.done $0x0  }
0xa0: {  	[sflag:s22] =	ssyncadd.s32 s3;
	_ =	sdelay $0x1  }
0xa1: {  	s23 =	simm.s32 $0x1B8B  }
0xa2: {  	_ =	swait.ge [sflag:s23], $0x1  }
0xa3: {  	[sflag:s23] =	ssyncset.done $0x0  }
0xa4: {  	s25 =	simm.s32 $0x1B8E;
	s24 =	sld [smem:$0x3FFE];
	[sflag:s23] =	ssyncadd.s32 $0xFFFFFFFF  }
0xa5: {  	s26 =	simm.s32 $execute0_lowered;
	[smem:$0x3FD2] =	sst s25  }
0xa6: {  	s4 =	sshll.u32 s26, $0x1;
	_ =	strace $0x80000046;
	[dreg:$0x1] =	wrdreg $0xFFFFFFFF  }
0xa7: {  	s28 =	simm.s32 $_size_execute0_lowered;
	s2 =	sadd.s32 s2, s4;
	[dreg:$0x0] =	wrdreg $0x0  }
0xa8: {  	s4 =	sshll.u32 s28, $0x1;
	[dreg:$0x2] =	wrdreg s2  }
0xa9: {  	[dreg:$0x3] =	wrdreg s4  }
0xaa: {  	[dreg:$0x4] =	wrdreg $0xC0  }
0xab: {  	_ =	task [dreg:s6], $0x5FFFF  }
0xac: {  	[dreg:$0x1] =	wrdreg $0xFFFFFFFF  }
0xad: {  	[dreg:$0x0] =	wrdreg $0x60  }
0xae: {  	[dreg:$0x2] =	wrdreg s24  }
0xaf: {  	[dreg:$0x3] =	wrdreg $0xA8000  }
0xb0: {  	[dreg:$0x4] =	wrdreg $0x9  }
0xb1: {  	_ =	task.clear_ibuf [dreg:s6], $0x5FFFF;
	_ =	strace $0x90000046  }
0xb2: {  	s29 =	simm.s32 $0x9;
	_ =	strace $0x80000048  }
0xb3: {  	_ =	swait.ge [sflag:s29], $0x1  }
0xb4: {  	[sflag:s29] =	ssyncadd.s32 $0xFFFFFFFF  }
0xb5: {  	_ =	strace $0x90000048  }
0xb6: {  	_ =	sfence  }
0xb7: {  	s30 =	sld [smem:$0x0];
	_ =	sdelay $0x2  }
0xb8: {  	s31 =	sshll.u32 s1, $0xD;
	s1 =	sshrl.u32 s1, $0x2  }
0xb9: {  	s3 =	sand.u32 $0x4000, s31;
	s1 =	sadd.s32 s1, s30  }
0xba: {  	s0 =	sor.u32 s3, s0;
	s1 =	sshll.u32 s1, $0x11  }
0xbb: {  	s0 =	sor.u32 s1, s0  }
0xbc: {  	s0 =	sadd.s32 $0x8F2B, s0  }
0xbd: {  	[sflag:s0] =	ssyncadd.remote.s32 $0x1  }
0xbe: {  	_ =	sfence.sel $0xFFFF  }
0xbf: {  	[dreg:$0x0] =	wrdreg $0xFFFFFFFF;
	(pc) =	sbr.abs _section_cstart, $3  }
0xc0: {  	[dreg:$0x1] =	wrdreg $0xFFFFFFFF  }
0xc1: {  	_ =	task.clear_ibuf [dreg:s6], $0x2FFFF;
	_ =	strace $0x9FFFFFFF  }
0xc2: {  	(tm) =	ssettm $0x7FFFFFFF  }
0xc3: {  	_ =	shalt  }
tec
execute0_lowered:
.L_overlay_start_1:
0x0: {  	(tag) =	ssettag $0x1  }
0x1: {  	s1 =	srdreg.scid  }
0x2: {  	s0 =	stileid.u32;
	s5 =	rddreg [dreg:$0x0]  }
0x3: {  	s2 =	rddreg [dreg:$0x1];
	s3 =	simm.s32 $0x0;
	s12 =	simm.s32 $0x1  }
0x4: {  	s13 =	simm.s32 $0x6800;
	s14 =	simm.s32 $0x80;
	s15 =	simm.s32 $0x2800  }
0x5: {  	s18 =	simm.s32 $0x0;
	s4 =	sand.u32 $0x1, s1;
	s8 =	smul.u32 $0x13C00, s0  }
0x6: {  	s30 =	sshll.u32 s0, $0x1;
	[smem:$0x7FF] =	sst s3;
	s9 =	smul.u32 $0x4F000, s0  }
0x7: {  	s16 =	sshll.u32 s0, $0x6;
	s1 =	sor.u32 s4, s30;
	s7 =	smul.u32 $0x13C000, s4  }
0x8: {  	s4 =	ssub.s32 $0x2, s4;
	s16 =	sor.u32 $0x1C01, s16;
	s6 =	smul.u32 $0x500, s1  }
0x9: {  	s1 =	rddreg [dreg:$0x2];
	_ =	strace $0x80000047;
	s31 =	sshrl.u32 s4, $0x1  }
0xa: {  	s9 =	sshrl.u32 s9, $0x2;
	s7 =	sadd.s32 s8, s7;
	s11 =	ssub.s32 s4, s31  }
0xb: {  	s4 =	sadd.s32 s9, s2;
	s6 =	sadd.s32 s6, s5;
	s7 =	sshrl.u32 s7, $0x3  }
0xc: {  	s8 =	sadd.s32 $0xC000, s4;
	s9 =	sadd.s32 $0x10000, s4;
	s11 =	smax.u32 s11, $0x1  }
0xd: {  	s17 =	sshrl.u32 s4, $0x3;
	s10 =	sadd.s32 s7, s5;
	s5 =	sadd.s32 $0x4200, s6  }
0xe: {  	v0 =	vimm.f32 $1.000000000e+00;
	v1 =	vimm.f32 $0.0e+00;
	s6 =	sadd.s32 $0x4000, s4;
	s7 =	sadd.s32 $0x8000, s4;
	s10 =	sadd.s32 $0x18200, s10  }
.LBB2_1:
0xf: {  	[tilespmem:s3], [sflag:$0x1] =	stream.linear.gather [hbm4b:s5+s3], $0x2800, $0x38;
	[tilespmem:$0xCF80] =	vst v63  }
0x10: {  	_ =	swait.ge [sflag:s12], $0x2800  }
0x11: {  	[sflag:s12] =	ssyncset.done $0x0  }
0x12: {  	s19 =	simm.s32 $0x0;
	[sflag:s12] =	ssyncadd.s32 $0xFFFFD800  }
.LBB2_2:
0x13: {  	p0 =	sne.s32 s19, $0xFE00  }
.Ltmp0:
0x14: {  	_ = 	snop;
	(pc) =	sbr.rel @p0 .LBB2_2-.Ltmp0, $3  }
0x15: {  	_ =	sdelay $0x1  }
0x16: {  	s20 =	sshra.s32 s19, $0x2  }
0x17: {  	s19 =	sadd.s32 $0x200, s19;
	[tilespmem:s20+$0x2800] =	vst v0  }
0x18: {  	s19 =	simm.s32 $0x200;
	s20 =	simm.s32 $0x0  }
.LBB2_4:
0x19: {  	p0 =	sne.s32 s19, $0xFE00;
	[tilespmem:s20+$0x6800] =	vst v1;
	s20 =	smov.u32 s19;
	s19 =	sadd.s32 $0x200, s19  }
.Ltmp1:
0x1a: {  	(pc) =	sbr.rel @p0 .LBB2_4-.Ltmp1, $2  }
0x1b: {  	_ =	sdelay $0x2  }
0x1c: {  	s20 =	sshra.s32 s20, $0x2  }
0x1d: {  	[tilespmem:s20+$0x6800] =	vst v1  }
0x1e: {  	[spmem:s4] =	stream.linear.scatter [tilespmem:s13], [sflag:$0x1], $0x4000, $0x38;
	[tilespmem:$0xCF80] =	vst v63  }
0x1f: {  	_ =	swait.ge [sflag:s12], $0x4000  }
0x20: {  	[sflag:s12] =	ssyncset.done $0x0  }
0x21: {  	[sflag:s12] =	ssyncadd.s32 $0xFFFFC000  }
0x22: {  	[spmem:s6] =	stream.linear.scatter [tilespmem:s13], [sflag:$0x1], $0x4000, $0x38;
	[tilespmem:$0xCF80] =	vst v63  }
0x23: {  	_ =	swait.ge [sflag:s12], $0x4000  }
0x24: {  	[sflag:s12] =	ssyncset.done $0x0  }
0x25: {  	[sflag:s12] =	ssyncadd.s32 $0xFFFFC000  }
0x26: {  	[spmem:s7] =	stream.linear.scatter [tilespmem:s13], [sflag:$0x1], $0x4000, $0x38;
	[tilespmem:$0xCF80] =	vst v63  }
0x27: {  	_ =	swait.ge [sflag:s12], $0x4000  }
0x28: {  	[sflag:s12] =	ssyncset.done $0x0  }
0x29: {  	[sflag:s12] =	ssyncadd.s32 $0xFFFFC000  }
0x2a: {  	[spmem:s8] =	stream.linear.scatter [tilespmem:s13], [sflag:$0x1], $0x4000, $0x38;
	[tilespmem:$0xCF80] =	vst v63  }
0x2b: {  	_ =	swait.ge [sflag:s12], $0x4000  }
0x2c: {  	[sflag:s12] =	ssyncset.done $0x0  }
0x2d: {  	[sflag:s12] =	ssyncadd.s32 $0xFFFFC000  }
0x2e: {  	[spmem:s9] =	stream.linear.scatter [tilespmem:s13], [sflag:$0x1], $0x3C00, $0x38;
	[tilespmem:$0xCF80] =	vst v63  }
0x2f: {  	_ =	swait.ge [sflag:s12], $0x3C00  }
0x30: {  	[sflag:s12] =	ssyncset.done $0x0  }
0x31: {  	[sflag:s12] =	ssyncadd.s32 $0xFFFFC400  }
0x32: {  	s19 =	simm.s32 $0x0;
	[bflag:$0x0] =	sbarrier.arrive $0xFFFF  }
0x33: {  	[spmem:s2] =	stream.indirect.scatter.add.f32 [tilespmem:s15], [sflag:$0x1], $0x10, s19, s14, $0xb8;
	[tilespmem:$0xCF80] =	vst v63  }
0x34: {  	_ =	swait.ge [sflag:s12], $0x800  }
0x35: {  	s19 =	simm.s32 $0x200;
	[sflag:s12] =	ssyncset.done $0x0  }
.LBB2_6:
0x36: {  	s20 =	sshra.s32 s19, $0x2;
	[sflag:s12] =	ssyncadd.s32 $0xFFFFF800;
	p0 =	sne.s32 s19, $0x9E00  }
0x37: {  	[spmem:s2] =	stream.indirect.scatter.add.f32 [tilespmem:s15], [sflag:$0x1], $0x10, s20, s14, $0xb8;
	[tilespmem:$0xCF80] =	vst v63  }
.Ltmp2:
0x38: {  	_ = 	snop;
	(pc) =	sbr.rel @p0 .LBB2_6-.Ltmp2, $4  }
0x39: {  	_ = 	snop  }
0x3a: {  	s19 =	sadd.s32 $0x200, s19  }
0x3b: {  	_ =	swait.ge [sflag:s12], $0x800  }
0x3c: {  	[sflag:s12] =	ssyncset.done $0x0  }
0x3d: {  	s18 =	sadd.s32 $0x1, s18  }
0x3e: {  	[sflag:s12] =	ssyncadd.s32 $0xFFFFF800;
	p0 =	sne.s32 s18, s11  }
.Ltmp3:
0x3f: {  	[bflag:$0x0] =	sbarrier.arrive $0xFFFF;
	(pc) =	sbr.rel @p0 .LBB2_1-.Ltmp3, $4  }
0x40: {  	[hbm:s10], [sflag:s16] =	dma.local [spmem:s17], $0x2780  }
0x41: {  	_ =	swait.ge [sflag:s12], $0x2780  }
0x42: {  	[sflag:s12] =	ssyncset.done $0x0  }
0x43: {  	[sflag:s12] =	ssyncadd.s32 $0xFFFFD880  }
0x44: {  	_ =	sfence.sel $0x180000  }
0x45: {  	[bflag:$0x0] =	sbarrier.arrive $0xFFFF  }
0x46: {  	p0 =	sne.s32 s0, $0x0;
	_ =	strace $0x90000047  }
0x47: {  	s0 =	sadd.s32 @!p0 $0x100000, s1;
	[bflag:$0x2] =	sbarrier.arrive $0xFFFF  }
0x48: {  	[sflag:s0] =	ssyncadd.tile.s32 @!p0 $0x1;
	_ =	shalt  }
.Lfunc_end2:
_tile_overlayer_lowered:
.L_overlay_start_2:
0x49: {  	(tag) =	ssettag $0x2  }
0x4a: {  	s0 =	rddreg [dreg:$0x0];
	s2 =	stileid.u32  }
0x4b: {  	s1 =	rddreg [dreg:$0x1];
	p0 =	sne.s32 s2, $0x0  }
0x4c: {  	s3 =	rddreg [dreg:$0x2];
	[bflag:$0x3] =	sbarrier.arrive $0xFFFF;
	s2 =	simm.s32 @!p0 $0x1C01  }
0x4d: {  	[timem:s3], [sflag:s2] =	dma.local @!p0 [hbm:s0], s1  }
0x4e: {  	s0 =	simm.s32 @!p0 $0x1  }
0x4f: {  	_ =	swait.ge @!p0 [sflag:s0], s1  }
0x50: {  	s1 =	ssub.s32 @!p0 $0x0, s1;
	[sflag:s0] =	ssyncset.done @!p0 $0x0  }
0x51: {  	[sflag:s0] =	ssyncadd.s32 @!p0 s1  }
0x52: {  	[bflag:$0x3] =	sbarrier.arrive $0xFFFF  }
0x53: {  	_ =	shalt  }

// kernel: kernel.13.cloned.1.call-start
scs
__scs_entry_jumppad:
0x0: {  	(pc) =	sbr.rel $0x88, $3  }
0x1: {  	(tag) =	ssettag $0x0;
	lr =	simm.s32 $0x1  }
0x2: {  	[smem:$0x3F92] =	sst lr;
	_ =	strace $0xD0000000  }
0x3: {  	_ = 	snop  }
0x4: {  	_ = 	snop  }
0x5: {  	_ = 	snop  }
0x6: {  	_ = 	snop  }
0x7: {  	_ = 	snop  }
__scs_overlays_trampoline_lowered:
0x8: {  	[smem:$0x3FA1] =	sst s0  }
0x9: {  	[smem:$0x3FA2] =	sst s1  }
0xa: {  	[smem:$0x3FA3] =	sst s2  }
0xb: {  	[smem:$0x3FA4] =	sst s3  }
0xc: {  	[smem:$0x3FA5] =	sst s4  }
0xd: {  	[smem:$0x3FA6] =	sst s5  }
0xe: {  	[smem:$0x3FA7] =	sst s6  }
0xf: {  	[smem:$0x3FA8] =	sst s7  }
0x10: {  	[smem:$0x3FA9] =	sst s8  }
0x11: {  	[smem:$0x3FAA] =	sst s9;
	s0 =	simm.s32 @!p0 $0x0  }
0x12: {  	s1 =	sld [smem:$0x3F90];
	s0 =	simm.s32 @p0 $0x1  }
0x13: {  	[smem:$0x3FAB] =	sst s0;
	s0 =	simm.s32 @!p1 $0x0  }
0x14: {  	s2 =	sld [smem:$0x3F8F];
	s0 =	simm.s32 @p1 $0x1  }
0x15: {  	[smem:$0x3FAC] =	sst s0;
	s0 =	simm.s32 @!p2 $0x0  }
0x16: {  	s3 =	sld [smem:$0x3FDB];
	s0 =	simm.s32 @p2 $0x1  }
0x17: {  	s4 =	simm.s32 $0x1BF5;
	[smem:$0x3FAE] =	sst s0  }
0x18: {  	s0 =	sld [smem:$0x3F91];
	_ =	swait.ge [sflag:s4], $0x0  }
0x19: {  	s7 =	sld [smem:$0x3F92]  }
0x1a: {  	s8 =	sadd.s32 $0xFFFFE003, lr  }
0x1b: {  	s9 =	sadd.s32 $0xFFFFFEF7, lr;
	s5 =	simm.s32 $0xFFFFFFFF;
	p2 =	slt.u32 s8, $0xFFFFF086  }
0x1c: {  	p1 =	slt.u32 s9, $0xF7A;
	s5 =	simm.s32 @!p2 $0x0  }
0x1d: {  	s5 =	simm.s32 @p1 $0x1;
	p0 =	seq.s32 s7, s2  }
0x1e: {  	s7 =	smul.u32 @!p0 $0xF7A, s2;
	p2 =	seq.s32 @!p0 s5, $0x0  }
0x1f: {  	s9 =	smul.u32 $0xF7A, s1;
	s8 =	simm.s32 @!p0 $0x1BF5;
	p2 =	por !p2, p0  }
0x20: {  	[sflag:s8] =	ssyncset.s32 @!p0 $0xFFFFF086;
	s6 =	sadd.s32 @!p0 s3, s7;
	s7 =	simm.s32 @!p0 $0x108  }
0x21: {  	s3 =	sadd.s32 s3, s9;
	s6 =	sadd.s32 @!p0 $0x88, s6;
	s7 =	simm.s32 @p2 $0x1082  }
0x22: {  	[simem:s7], [sflag:s8] =	dma.local @!p0 [hbm:s6], $0xF7A  }
0x23: {  	s9 =	sor.u32 $0xD0000000, s2;
	s6 =	simm.s32 $0x108;
	_ =	swait.ge @!p0 [sflag:s8], $0x0  }
0x24: {  	s3 =	sadd.s32 $0x88, s3;
	s6 =	simm.s32 @!p1 $0x1082;
	[sflag:s4] =	ssyncset.s32 $0xFFFFF086  }
0x25: {  	[simem:s6], [sflag:s4] =	dma.local [hbm:s3], $0xF7A  }
0x26: {  	[smem:$0x3F92] =	sst s1;
	(tag) =	ssettag s2;
	_ =	strace s9  }
0x27: {  	s1 =	sld [smem:$0x3FA2]  }
0x28: {  	s2 =	sld [smem:$0x3FA3]  }
0x29: {  	s4 =	sld [smem:$0x3FA5]  }
0x2a: {  	p0 =	seq.s32 s5, $0x0;
	s5 =	sld [smem:$0x3FA6]  }
0x2b: {  	s6 =	sld [smem:$0x3FA7]  }
0x2c: {  	s7 =	sld [smem:$0x3FA8]  }
0x2d: {  	s3 =	simm.s32 $0x108;
	s8 =	sld [smem:$0x3FA9]  }
0x2e: {  	s3 =	simm.s32 @!p0 $0x1082;
	s9 =	sld [smem:$0x3FAA]  }
0x2f: {  	lr =	sadd.s32 s0, s3;
	s0 =	sld [smem:$0x3FA1]  }
0x30: {  	s3 =	sld [smem:$0x3FA4]  }
0x31: {  	[smem:$0x3FAD] =	sst s10  }
0x32: {  	s10 =	sld [smem:$0x3FAB];
	_ =	sdelay $0x3  }
0x33: {  	p0 =	seq.s32 s10, $0x1;
	s10 =	sld [smem:$0x3FAD];
	_ =	sdelay $0x3  }
0x34: {  	[smem:$0x3FAD] =	sst s10  }
0x35: {  	s10 =	sld [smem:$0x3FAC];
	_ =	sdelay $0x3  }
0x36: {  	p1 =	seq.s32 s10, $0x1;
	s10 =	sld [smem:$0x3FAD];
	_ =	sdelay $0x3  }
0x37: {  	[smem:$0x3FAD] =	sst s10  }
0x38: {  	s10 =	sld [smem:$0x3FAE]  }
0x39: {  	_ = 	snop;
	(pc) =	sbr.ind lr, $3  }
0x3a: {  	_ = 	snop  }
0x3b: {  	_ = 	snop  }
0x3c: {  	p2 =	seq.s32 s10, $0x1;
	s10 =	sld [smem:$0x3FAD]  }
0x3d: {  	_ =	shalt  }
0x3e: {  	_ =	shalt  }
0x3f: {  	_ =	shalt  }
0x40: {  	_ =	shalt  }
0x41: {  	_ =	shalt  }
0x42: {  	_ =	shalt  }
0x43: {  	_ =	shalt  }
0x44: {  	_ =	shalt  }
0x45: {  	_ =	shalt  }
0x46: {  	_ =	shalt  }
0x47: {  	_ =	shalt  }
0x48: {  	_ =	shalt  }
0x49: {  	_ =	shalt  }
0x4a: {  	_ =	shalt  }
0x4b: {  	_ =	shalt  }
0x4c: {  	_ =	shalt  }
0x4d: {  	_ =	shalt  }
0x4e: {  	_ =	shalt  }
0x4f: {  	_ =	shalt  }
0x50: {  	_ =	shalt  }
0x51: {  	_ =	shalt  }
0x52: {  	_ =	shalt  }
0x53: {  	_ =	shalt  }
0x54: {  	_ =	shalt  }
0x55: {  	_ =	shalt  }
0x56: {  	_ =	shalt  }
0x57: {  	_ =	shalt  }
0x58: {  	_ =	shalt  }
0x59: {  	_ =	shalt  }
0x5a: {  	_ =	shalt  }
0x5b: {  	_ =	shalt  }
0x5c: {  	_ =	shalt  }
0x5d: {  	_ =	shalt  }
0x5e: {  	_ =	shalt  }
0x5f: {  	_ =	shalt  }
0x60: {  	_ =	shalt  }
0x61: {  	_ =	shalt  }
0x62: {  	_ =	shalt  }
0x63: {  	_ =	shalt  }
0x64: {  	_ =	shalt  }
0x65: {  	_ =	shalt  }
0x66: {  	_ =	shalt  }
0x67: {  	_ =	shalt  }
0x68: {  	_ =	shalt  }
0x69: {  	_ =	shalt  }
0x6a: {  	_ =	shalt  }
0x6b: {  	_ =	shalt  }
0x6c: {  	_ =	shalt  }
0x6d: {  	_ =	shalt  }
0x6e: {  	_ =	shalt  }
0x6f: {  	_ =	shalt  }
0x70: {  	_ =	shalt  }
0x71: {  	_ =	shalt  }
0x72: {  	_ =	shalt  }
0x73: {  	_ =	shalt  }
0x74: {  	_ =	shalt  }
0x75: {  	_ =	shalt  }
0x76: {  	_ =	shalt  }
0x77: {  	_ =	shalt  }
0x78: {  	_ =	shalt  }
0x79: {  	_ =	shalt  }
0x7a: {  	_ =	shalt  }
0x7b: {  	_ =	shalt  }
0x7c: {  	_ =	shalt  }
0x7d: {  	_ =	shalt  }
0x7e: {  	_ =	shalt  }
0x7f: {  	_ =	shalt  }
0x80: {  	_ =	shalt  }
0x81: {  	_ =	shalt  }
0x82: {  	_ =	shalt  }
0x83: {  	_ =	shalt  }
0x84: {  	_ =	shalt  }
0x85: {  	_ =	shalt  }
0x86: {  	_ =	shalt  }
0x87: {  	_ =	shalt  }
.Lfunc_end0:
.L_simem_size_0:
called_computation.1_lowered:
.L_overlay_start_0:
0x88: {  	s2 =	sld [smem:$0x3FD9]  }
0x89: {  	s3 =	sld [smem:$0x3FFE];
	_ =	sdelay $0x1  }
0x8a: {  	s1 =	srdreg.scid  }
0x8b: {  	s0 =	sand.u32 $0x1, s1  }
0x8c: {  	s16 =	sshll.u32 s0, $0xA;
	s2 =	sadd.s32 s3, s2  }
0x8d: {  	s2 =	sadd.s32 s2, s16  }
0x8e: {  	[smem:$0x3FB9] =	sst s2  }
0x8f: {  	_ = 	snop  }
0x90: {  	(tm) =	ssettm $0x1  }
0x91: {  	s17 =	sld [smem:$0x3FFB];
	_ =	sdelay $0x3  }
0x92: {  	_ =	strace s17  }
0x93: {  	s2 =	sld [smem:$0x3FFC];
	_ =	sdelay $0x3  }
0x94: {  	_ =	strace s2  }
0x95: {  	s2 =	sld [smem:$0x3FFD];
	_ =	sdelay $0x3  }
0x96: {  	_ =	strace s2  }
0x97: {  	_ =	strace $0x8FFFFFFF  }
0x98: {  	s18 =	sld [smem:$0x3FDB];
	_ =	sdelay $0x1  }
0x99: {  	s19 =	simm.s32 $_scs_section_size  }
0x9a: {  	s4 =	simm.s32 $_size__tile_overlayer_lowered;
	s5 =	simm.s32 $_tile_overlayer_lowered  }
0x9b: {  	s22 =	simm.s32 $0x1BFF;
	s21 =	sshll.u32 s5, $0x1;
	s2 =	sadd.s32 s19, s18  }
0x9c: {  	s6 =	simm.s32 $0x0;
	s20 =	sshll.u32 s4, $0x1;
	s4 =	sadd.s32 s21, s2  }
0x9d: {  	[timem:s6], [sflag:s22] =	dma.local [hbm:s4], s20  }
0x9e: {  	_ =	swait.ge [sflag:s22], s20  }
0x9f: {  	s3 =	ssub.s32 $0x0, s20;
	[sflag:s22] =	ssyncset.done $0x0  }
0xa0: {  	[sflag:s22] =	ssyncadd.s32 s3;
	_ =	sdelay $0x1  }
0xa1: {  	s23 =	simm.s32 $0x1B8B  }
0xa2: {  	_ =	swait.ge [sflag:s23], $0x1  }
0xa3: {  	[sflag:s23] =	ssyncset.done $0x0  }
0xa4: {  	s25 =	simm.s32 $0x1B8E;
	s24 =	sld [smem:$0x3FFE];
	[sflag:s23] =	ssyncadd.s32 $0xFFFFFFFF  }
0xa5: {  	s26 =	simm.s32 $execute0_lowered;
	[smem:$0x3FD2] =	sst s25  }
0xa6: {  	s4 =	sshll.u32 s26, $0x1;
	_ =	strace $0x80000049;
	[dreg:$0x1] =	wrdreg $0xFFFFFFFF  }
0xa7: {  	s28 =	simm.s32 $_size_execute0_lowered;
	s2 =	sadd.s32 s2, s4;
	[dreg:$0x0] =	wrdreg $0x0  }
0xa8: {  	s4 =	sshll.u32 s28, $0x1;
	[dreg:$0x2] =	wrdreg s2  }
0xa9: {  	[dreg:$0x3] =	wrdreg s4  }
0xaa: {  	[dreg:$0x4] =	wrdreg $0xC0  }
0xab: {  	_ =	task [dreg:s6], $0x5FFFF  }
0xac: {  	[dreg:$0x1] =	wrdreg $0xFFFFFFFF  }
0xad: {  	[dreg:$0x0] =	wrdreg $0x60  }
0xae: {  	[dreg:$0x2] =	wrdreg s24  }
0xaf: {  	[dreg:$0x3] =	wrdreg $0xA8000  }
0xb0: {  	[dreg:$0x4] =	wrdreg $0x9  }
0xb1: {  	_ =	task.clear_ibuf [dreg:s6], $0x5FFFF;
	_ =	strace $0x90000049  }
0xb2: {  	s29 =	simm.s32 $0x9;
	_ =	strace $0x8000004B  }
0xb3: {  	_ =	swait.ge [sflag:s29], $0x1  }
0xb4: {  	[sflag:s29] =	ssyncadd.s32 $0xFFFFFFFF  }
0xb5: {  	_ =	strace $0x9000004B  }
0xb6: {  	_ =	sfence  }
0xb7: {  	s30 =	sld [smem:$0x0];
	_ =	sdelay $0x2  }
0xb8: {  	s31 =	sshll.u32 s1, $0xD;
	s1 =	sshrl.u32 s1, $0x2  }
0xb9: {  	s3 =	sand.u32 $0x4000, s31;
	s1 =	sadd.s32 s1, s30  }
0xba: {  	s0 =	sor.u32 s3, s0;
	s1 =	sshll.u32 s1, $0x11  }
0xbb: {  	s0 =	sor.u32 s1, s0  }
0xbc: {  	s0 =	sadd.s32 $0x8F2B, s0  }
0xbd: {  	[sflag:s0] =	ssyncadd.remote.s32 $0x1  }
0xbe: {  	_ =	sfence.sel $0xFFFF  }
0xbf: {  	[dreg:$0x0] =	wrdreg $0xFFFFFFFF;
	(pc) =	sbr.abs _section_cstart, $3  }
0xc0: {  	[dreg:$0x1] =	wrdreg $0xFFFFFFFF  }
0xc1: {  	_ =	task.clear_ibuf [dreg:s6], $0x2FFFF;
	_ =	strace $0x9FFFFFFF  }
0xc2: {  	(tm) =	ssettm $0x7FFFFFFF  }
0xc3: {  	_ =	shalt  }
tec
execute0_lowered:
.L_overlay_start_1:
0x0: {  	(tag) =	ssettag $0x1  }
0x1: {  	s5 =	rddreg [dreg:$0x0];
	s0 =	srdreg.scid  }
0x2: {  	s2 =	rddreg [dreg:$0x1];
	s1 =	stileid.u32  }
0x3: {  	s3 =	simm.s32 $0x0;
	s17 =	simm.s32 $0x3;
	s18 =	simm.s32 $0x1400  }
0x4: {  	s19 =	simm.s32 $0x80;
	s20 =	simm.s32 $0x1;
	s21 =	simm.s32 $0x6800  }
0x5: {  	s22 =	simm.s32 $0x2;
	s23 =	simm.s32 $0x1380;
	s24 =	simm.s32 $0x2700  }
0x6: {  	s25 =	simm.s32 $0x2780;
	s6 =	sand.u32 $0x1, s0;
	s0 =	rddreg [dreg:$0x2]  }
0x7: {  	s8 =	smul.u32 $0x13C00, s1;
	[smem:$0x7FF] =	sst s3;
	s4 =	sadd.s32 $0x18200, s5  }
0x8: {  	s12 =	sadd.s32 $0xE200, s5;
	s26 =	smul.u32 $0x4F000, s1;
	s13 =	sadd.s32 $0x4200, s5  }
0x9: {  	s28 =	sshll.u32 s1, $0x1;
	s7 =	smul.u32 $0x13C000, s6;
	_ =	strace $0x8000004A  }
0xa: {  	s29 =	ssub.s32 $0x2, s6;
	s6 =	sor.u32 s6, s28;
	s30 =	sshrl.u32 s26, $0x2  }
0xb: {  	s31 =	sshrl.u32 s29, $0x1;
	s10 =	smul.u32 $0x2800, s6;
	s7 =	sadd.s32 s8, s7  }
0xc: {  	s26 =	simm.s32 $0x0;
	s15 =	ssub.s32 s29, s31;
	s7 =	sshrl.u32 s7, $0x3  }
0xd: {  	s16 =	sshrl.u32 s10, $0x3;
	s15 =	smax.u32 s15, $0x1;
	s14 =	sadd.s32 s7, s5  }
0xe: {  	s5 =	sadd.s32 s30, s2;
	s10 =	sadd.s32 s12, s16;
	s11 =	sadd.s32 s13, s16  }
0xf: {  	s16 =	sadd.s32 $0x280, s16;
	s6 =	sadd.s32 $0x4000, s5;
	s7 =	sadd.s32 $0x8000, s5  }
0x10: {  	s8 =	sadd.s32 $0xC000, s5;
	s9 =	sadd.s32 $0x10000, s5;
	s12 =	sadd.s32 s12, s16  }
0x11: {  	v0 =	vimm.f32 $0.0e+00;
	s13 =	sadd.s32 s13, s16;
	s14 =	sadd.s32 $0x3F400, s14;
	s16 =	simm.s32 $0x2800  }
.LBB2_1:
0x12: {  	s28 =	sand.u32 $0xFE00, s3  }
0x13: {  	s29 =	sand.u32 $0x70, s3;
	s30 =	sshrl.u32 s28, $0x2  }
0x14: {  	s28 =	simm.s32 $0x40;
	s30 =	sor.u32 s29, s30;
	s29 =	simm.s32 $0x0  }
.LBB2_2:
0x15: {  	p0 =	sne.s32 s28, $0xFFC0  }
0x16: {  	[tilespmem:s30+$0x2800] =	vst v0;
	s29 =	sadd.s32 $0x10, s29;
	s30 =	smov.u32 s28;
	s28 =	sadd.s32 $0x40, s28  }
.Ltmp0:
0x17: {  	(pc) =	sbr.rel @p0 .LBB2_2-.Ltmp0, $4  }
0x18: {  	_ = 	snop  }
0x19: {  	s30 =	sand.u32 $0xFE00, s30  }
0x1a: {  	s31 =	sand.u32 $0x70, s29;
	s30 =	sshrl.u32 s30, $0x2  }
0x1b: {  	s30 =	sor.u32 s31, s30  }
0x1c: {  	[tilespmem:s30+$0x2800] =	vst v0  }
0x1d: {  	[spmem:s5] =	stream.linear.scatter [tilespmem:s16], [sflag:$0x3], $0x4000, $0x38;
	[tilespmem:$0x1E400] =	vst v63  }
0x1e: {  	_ =	swait.ge [sflag:s17], $0x4000  }
0x1f: {  	[sflag:s17] =	ssyncset.done $0x0  }
0x20: {  	[sflag:s17] =	ssyncadd.s32 $0xFFFFC000  }
0x21: {  	[spmem:s6] =	stream.linear.scatter [tilespmem:s16], [sflag:$0x3], $0x4000, $0x38;
	[tilespmem:$0x1E400] =	vst v63  }
0x22: {  	_ =	swait.ge [sflag:s17], $0x4000  }
0x23: {  	[sflag:s17] =	ssyncset.done $0x0  }
0x24: {  	[sflag:s17] =	ssyncadd.s32 $0xFFFFC000  }
0x25: {  	[spmem:s7] =	stream.linear.scatter [tilespmem:s16], [sflag:$0x3], $0x4000, $0x38;
	[tilespmem:$0x1E400] =	vst v63  }
0x26: {  	_ =	swait.ge [sflag:s17], $0x4000  }
0x27: {  	[sflag:s17] =	ssyncset.done $0x0  }
0x28: {  	[sflag:s17] =	ssyncadd.s32 $0xFFFFC000  }
0x29: {  	[spmem:s8] =	stream.linear.scatter [tilespmem:s16], [sflag:$0x3], $0x4000, $0x38;
	[tilespmem:$0x1E400] =	vst v63  }
0x2a: {  	_ =	swait.ge [sflag:s17], $0x4000  }
0x2b: {  	[sflag:s17] =	ssyncset.done $0x0  }
0x2c: {  	[sflag:s17] =	ssyncadd.s32 $0xFFFFC000  }
0x2d: {  	[spmem:s9] =	stream.linear.scatter [tilespmem:s16], [sflag:$0x3], $0x3C00, $0x38;
	[tilespmem:$0x1E400] =	vst v63  }
0x2e: {  	_ =	swait.ge [sflag:s17], $0x3C00  }
0x2f: {  	[sflag:s17] =	ssyncset.done $0x0  }
0x30: {  	[sflag:s17] =	ssyncadd.s32 $0xFFFFC400  }
0x31: {  	s28 =	simm.s32 $0x0;
	[bflag:$0x0] =	sbarrier.arrive $0xFFFF  }
0x32: {  	[tilespmem:s28], [sflag:$0x3] =	stream.linear.gather [hbm4b:s10+s28], $0x1400, $0x38;
	[tilespmem:$0x1E400] =	vst v63  }
0x33: {  	_ =	swait.ge [sflag:s17], $0x1400  }
0x34: {  	[sflag:s17] =	ssyncset.done $0x0  }
0x35: {  	[sflag:s17] =	ssyncadd.s32 $0xFFFFEC00  }
0x36: {  	[tilespmem:s18], [sflag:$0x3] =	stream.linear.gather [hbm4b:s11+s28], $0x1400, $0x38;
	[tilespmem:$0x1E400] =	vst v63  }
0x37: {  	_ =	swait.ge [sflag:s17], $0x1400  }
0x38: {  	[sflag:s17] =	ssyncset.done $0x0  }
0x39: {  	[sflag:s17] =	ssyncadd.s32 $0xFFFFEC00  }
0x3a: {  	[tilespmem:s16], [sflag:$0x1] =	stream.indirect.gather [hbm4b:s4+s19], $0x80, s28, s19, $0xb8;
	[tilespmem:$0x1E400] =	vst v63  }
0x3b: {  	_ =	swait.ge [sflag:s20], $0x4000  }
0x3c: {  	[sflag:s20] =	ssyncset.done $0x0  }
0x3d: {  	s28 =	simm.s32 $0x80;
	[sflag:s20] =	ssyncadd.s32 $0xFFFFC000  }
0x3e: {  	[tilespmem:s21], [sflag:$0x2] =	stream.indirect.gather [hbm4b:s4+s19], $0x80, s28, s19, $0xb8;
	[tilespmem:$0x1E400] =	vst v63  }
0x3f: {  	s28 =	simm.s32 $0x1400  }
0x40: {  	[spmem:s2] =	stream.indirect.scatter.add.f32 [tilespmem:s16], [sflag:$0x3], $0x80, s28, s19, $0xb8;
	[tilespmem:$0x1E400] =	vst v63  }
0x41: {  	_ =	swait.ge [sflag:s17], $0x4000  }
0x42: {  	[sflag:s17] =	ssyncset.done $0x0  }
0x43: {  	[sflag:s17] =	ssyncadd.s32 $0xFFFFC000  }
0x44: {  	_ =	swait.ge [sflag:s22], $0x4000  }
0x45: {  	[sflag:s22] =	ssyncset.done $0x0  }
0x46: {  	s28 =	simm.s32 $0x100;
	[sflag:s22] =	ssyncadd.s32 $0xFFFFC000  }
0x47: {  	[tilespmem:s16], [sflag:$0x1] =	stream.indirect.gather [hbm4b:s4+s19], $0x80, s28, s19, $0xb8;
	[tilespmem:$0x1E400] =	vst v63  }
0x48: {  	s28 =	simm.s32 $0x1480  }
0x49: {  	[spmem:s2] =	stream.indirect.scatter.add.f32 [tilespmem:s21], [sflag:$0x3], $0x80, s28, s19, $0xb8;
	[tilespmem:$0x1E400] =	vst v63  }
0x4a: {  	_ =	swait.ge [sflag:s17], $0x4000  }
0x4b: {  	s28 =	simm.s32 $0x400;
	[sflag:s17] =	ssyncset.done $0x0  }
.LBB2_4:
0x4c: {  	p0 =	sne.s32 s28, $0x4800  }
0x4d: {  	[sflag:s17] =	ssyncadd.s32 $0xFFFFC000;
	s29 =	smov.u32 s28;
	s28 =	sadd.s32 $0x400, s28  }
0x4e: {  	_ = 	snop  }
0x4f: {  	_ =	swait.ge [sflag:s20], $0x4000  }
0x50: {  	s29 =	sshra.s32 s29, $0x2;
	[sflag:s20] =	ssyncset.done $0x0  }
0x51: {  	s30 =	sadd.s32 $0x80, s29;
	[sflag:s20] =	ssyncadd.s32 $0xFFFFC000  }
0x52: {  	[tilespmem:s21], [sflag:$0x2] =	stream.indirect.gather [hbm4b:s4+s19], $0x80, s30, s19, $0xb8;
	[tilespmem:$0x1E400] =	vst v63  }
0x53: {  	s30 =	sadd.s32 $0x1400, s29  }
0x54: {  	[spmem:s2] =	stream.indirect.scatter.add.f32 [tilespmem:s16], [sflag:$0x3], $0x80, s30, s19, $0xb8;
	[tilespmem:$0x1E400] =	vst v63  }
0x55: {  	_ =	swait.ge [sflag:s17], $0x4000  }
0x56: {  	[sflag:s17] =	ssyncset.done $0x0  }
0x57: {  	[sflag:s17] =	ssyncadd.s32 $0xFFFFC000  }
0x58: {  	_ =	swait.ge [sflag:s22], $0x4000  }
0x59: {  	[sflag:s22] =	ssyncset.done $0x0  }
0x5a: {  	s30 =	sadd.s32 $0x100, s29;
	[sflag:s22] =	ssyncadd.s32 $0xFFFFC000  }
0x5b: {  	[tilespmem:s16], [sflag:$0x1] =	stream.indirect.gather [hbm4b:s4+s19], $0x80, s30, s19, $0xb8;
	[tilespmem:$0x1E400] =	vst v63  }
.Ltmp1:
0x5c: {  	_ = 	snop;
	(pc) =	sbr.rel @p0 .LBB2_4-.Ltmp1, $4  }
0x5d: {  	s29 =	sadd.s32 $0x1480, s29  }
0x5e: {  	[spmem:s2] =	stream.indirect.scatter.add.f32 [tilespmem:s21], [sflag:$0x3], $0x80, s29, s19, $0xb8;
	[tilespmem:$0x1E400] =	vst v63  }
0x5f: {  	_ =	swait.ge [sflag:s17], $0x4000  }
0x60: {  	[sflag:s17] =	ssyncset.done $0x0  }
0x61: {  	[sflag:s17] =	ssyncadd.s32 $0xFFFFC000  }
0x62: {  	_ =	swait.ge [sflag:s20], $0x4000  }
0x63: {  	[sflag:s20] =	ssyncset.done $0x0  }
0x64: {  	[sflag:s20] =	ssyncadd.s32 $0xFFFFC000  }
0x65: {  	[tilespmem:s21], [sflag:$0x2] =	stream.indirect.gather [hbm4b:s4+s19], $0x80, s23, s19, $0xb8;
	[tilespmem:$0x1E400] =	vst v63  }
0x66: {  	_ = 	snop  }
0x67: {  	[spmem:s2] =	stream.indirect.scatter.add.f32 [tilespmem:s16], [sflag:$0x3], $0x80, s24, s19, $0xb8;
	[tilespmem:$0x1E400] =	vst v63  }
0x68: {  	_ =	swait.ge [sflag:s17], $0x4000  }
0x69: {  	[sflag:s17] =	ssyncset.done $0x0  }
0x6a: {  	[sflag:s17] =	ssyncadd.s32 $0xFFFFC000  }
0x6b: {  	_ =	swait.ge [sflag:s22], $0x4000  }
0x6c: {  	[sflag:s22] =	ssyncset.done $0x0  }
0x6d: {  	[sflag:s22] =	ssyncadd.s32 $0xFFFFC000  }
0x6e: {  	[spmem:s2] =	stream.indirect.scatter.add.f32 [tilespmem:s21], [sflag:$0x3], $0x80, s25, s19, $0xb8;
	[tilespmem:$0x1E400] =	vst v63  }
0x6f: {  	_ =	swait.ge [sflag:s17], $0x4000  }
0x70: {  	[sflag:s17] =	ssyncset.done $0x0  }
0x71: {  	s28 =	simm.s32 $0x0;
	[sflag:s17] =	ssyncadd.s32 $0xFFFFC000  }
0x72: {  	[tilespmem:s28], [sflag:$0x3] =	stream.linear.gather [hbm4b:s12+s28], $0x1400, $0x38;
	[tilespmem:$0x1E400] =	vst v63  }
0x73: {  	_ =	swait.ge [sflag:s17], $0x1400  }
0x74: {  	[sflag:s17] =	ssyncset.done $0x0  }
0x75: {  	[sflag:s17] =	ssyncadd.s32 $0xFFFFEC00  }
0x76: {  	[tilespmem:s18], [sflag:$0x3] =	stream.linear.gather [hbm4b:s13+s28], $0x1400, $0x38;
	[tilespmem:$0x1E400] =	vst v63  }
0x77: {  	_ =	swait.ge [sflag:s17], $0x1400  }
0x78: {  	[sflag:s17] =	ssyncset.done $0x0  }
0x79: {  	[sflag:s17] =	ssyncadd.s32 $0xFFFFEC00  }
0x7a: {  	[tilespmem:s16], [sflag:$0x1] =	stream.indirect.gather [hbm4b:s4+s19], $0x80, s28, s19, $0xb8;
	[tilespmem:$0x1E400] =	vst v63  }
0x7b: {  	_ =	swait.ge [sflag:s20], $0x4000  }
0x7c: {  	[sflag:s20] =	ssyncset.done $0x0  }
0x7d: {  	s28 =	simm.s32 $0x80;
	[sflag:s20] =	ssyncadd.s32 $0xFFFFC000  }
0x7e: {  	[tilespmem:s21], [sflag:$0x2] =	stream.indirect.gather [hbm4b:s4+s19], $0x80, s28, s19, $0xb8;
	[tilespmem:$0x1E400] =	vst v63  }
0x7f: {  	s28 =	simm.s32 $0x1400  }
0x80: {  	[spmem:s2] =	stream.indirect.scatter.add.f32 [tilespmem:s16], [sflag:$0x3], $0x80, s28, s19, $0xb8;
	[tilespmem:$0x1E400] =	vst v63  }
0x81: {  	_ =	swait.ge [sflag:s17], $0x4000  }
0x82: {  	[sflag:s17] =	ssyncset.done $0x0  }
0x83: {  	[sflag:s17] =	ssyncadd.s32 $0xFFFFC000  }
0x84: {  	_ =	swait.ge [sflag:s22], $0x4000  }
0x85: {  	[sflag:s22] =	ssyncset.done $0x0  }
0x86: {  	s28 =	simm.s32 $0x100;
	[sflag:s22] =	ssyncadd.s32 $0xFFFFC000  }
0x87: {  	[tilespmem:s16], [sflag:$0x1] =	stream.indirect.gather [hbm4b:s4+s19], $0x80, s28, s19, $0xb8;
	[tilespmem:$0x1E400] =	vst v63  }
0x88: {  	s28 =	simm.s32 $0x1480  }
0x89: {  	[spmem:s2] =	stream.indirect.scatter.add.f32 [tilespmem:s21], [sflag:$0x3], $0x80, s28, s19, $0xb8;
	[tilespmem:$0x1E400] =	vst v63  }
0x8a: {  	_ =	swait.ge [sflag:s17], $0x4000  }
0x8b: {  	s28 =	simm.s32 $0x400;
	[sflag:s17] =	ssyncset.done $0x0  }
.LBB2_6:
0x8c: {  	p0 =	sne.s32 s28, $0x4800  }
0x8d: {  	[sflag:s17] =	ssyncadd.s32 $0xFFFFC000;
	s29 =	smov.u32 s28;
	s28 =	sadd.s32 $0x400, s28  }
0x8e: {  	_ = 	snop  }
0x8f: {  	_ =	swait.ge [sflag:s20], $0x4000  }
0x90: {  	s29 =	sshra.s32 s29, $0x2;
	[sflag:s20] =	ssyncset.done $0x0  }
0x91: {  	s30 =	sadd.s32 $0x80, s29;
	[sflag:s20] =	ssyncadd.s32 $0xFFFFC000  }
0x92: {  	[tilespmem:s21], [sflag:$0x2] =	stream.indirect.gather [hbm4b:s4+s19], $0x80, s30, s19, $0xb8;
	[tilespmem:$0x1E400] =	vst v63  }
0x93: {  	s30 =	sadd.s32 $0x1400, s29  }
0x94: {  	[spmem:s2] =	stream.indirect.scatter.add.f32 [tilespmem:s16], [sflag:$0x3], $0x80, s30, s19, $0xb8;
	[tilespmem:$0x1E400] =	vst v63  }
0x95: {  	_ =	swait.ge [sflag:s17], $0x4000  }
0x96: {  	[sflag:s17] =	ssyncset.done $0x0  }
0x97: {  	[sflag:s17] =	ssyncadd.s32 $0xFFFFC000  }
0x98: {  	_ =	swait.ge [sflag:s22], $0x4000  }
0x99: {  	[sflag:s22] =	ssyncset.done $0x0  }
0x9a: {  	s30 =	sadd.s32 $0x100, s29;
	[sflag:s22] =	ssyncadd.s32 $0xFFFFC000  }
0x9b: {  	[tilespmem:s16], [sflag:$0x1] =	stream.indirect.gather [hbm4b:s4+s19], $0x80, s30, s19, $0xb8;
	[tilespmem:$0x1E400] =	vst v63  }
.Ltmp2:
0x9c: {  	_ = 	snop;
	(pc) =	sbr.rel @p0 .LBB2_6-.Ltmp2, $4  }
0x9d: {  	s29 =	sadd.s32 $0x1480, s29  }
0x9e: {  	[spmem:s2] =	stream.indirect.scatter.add.f32 [tilespmem:s21], [sflag:$0x3], $0x80, s29, s19, $0xb8;
	[tilespmem:$0x1E400] =	vst v63  }
0x9f: {  	_ =	swait.ge [sflag:s17], $0x4000  }
0xa0: {  	[sflag:s17] =	ssyncset.done $0x0  }
0xa1: {  	[sflag:s17] =	ssyncadd.s32 $0xFFFFC000  }
0xa2: {  	_ =	swait.ge [sflag:s20], $0x4000  }
0xa3: {  	[sflag:s20] =	ssyncset.done $0x0  }
0xa4: {  	[sflag:s20] =	ssyncadd.s32 $0xFFFFC000  }
0xa5: {  	[tilespmem:s21], [sflag:$0x2] =	stream.indirect.gather [hbm4b:s4+s19], $0x80, s23, s19, $0xb8;
	[tilespmem:$0x1E400] =	vst v63  }
0xa6: {  	_ = 	snop  }
0xa7: {  	[spmem:s2] =	stream.indirect.scatter.add.f32 [tilespmem:s16], [sflag:$0x3], $0x80, s24, s19, $0xb8;
	[tilespmem:$0x1E400] =	vst v63  }
0xa8: {  	_ =	swait.ge [sflag:s17], $0x4000  }
0xa9: {  	[sflag:s17] =	ssyncset.done $0x0  }
0xaa: {  	[sflag:s17] =	ssyncadd.s32 $0xFFFFC000  }
0xab: {  	_ =	swait.ge [sflag:s22], $0x4000  }
0xac: {  	[sflag:s22] =	ssyncset.done $0x0  }
0xad: {  	[sflag:s22] =	ssyncadd.s32 $0xFFFFC000  }
0xae: {  	[spmem:s2] =	stream.indirect.scatter.add.f32 [tilespmem:s21], [sflag:$0x3], $0x80, s25, s19, $0xb8;
	[tilespmem:$0x1E400] =	vst v63  }
0xaf: {  	_ =	swait.ge [sflag:s17], $0x4000  }
0xb0: {  	s28 =	sshll.u32 s1, $0x6;
	s26 =	sadd.s32 $0x1, s26;
	[sflag:s17] =	ssyncset.done $0x0  }
0xb1: {  	s29 =	sshrl.u32 s5, $0x3;
	p0 =	sne.s32 s26, s15;
	[sflag:s17] =	ssyncadd.s32 $0xFFFFC000  }
.Ltmp3:
0xb2: {  	s28 =	sor.u32 $0x1C03, s28;
	[bflag:$0x0] =	sbarrier.arrive $0xFFFF;
	(pc) =	sbr.rel @p0 .LBB2_1-.Ltmp3, $4  }
0xb3: {  	[hbm:s14], [sflag:s28] =	dma.local [spmem:s29], $0x2780  }
0xb4: {  	_ =	swait.ge [sflag:s17], $0x2780  }
0xb5: {  	[sflag:s17] =	ssyncset.done $0x0  }
0xb6: {  	[sflag:s17] =	ssyncadd.s32 $0xFFFFD880  }
0xb7: {  	_ =	sfence.sel $0x180000  }
0xb8: {  	[bflag:$0x0] =	sbarrier.arrive $0xFFFF  }
0xb9: {  	p0 =	sne.s32 s1, $0x0;
	_ =	strace $0x9000004A  }
0xba: {  	s0 =	sadd.s32 @!p0 $0x100000, s0;
	[bflag:$0x2] =	sbarrier.arrive $0xFFFF  }
0xbb: {  	[sflag:s0] =	ssyncadd.tile.s32 @!p0 $0x1;
	_ =	shalt  }
.Lfunc_end2:
_tile_overlayer_lowered:
.L_overlay_start_2:
0xbc: {  	(tag) =	ssettag $0x2  }
0xbd: {  	s0 =	rddreg [dreg:$0x0];
	s2 =	stileid.u32  }
0xbe: {  	s1 =	rddreg [dreg:$0x1];
	p0 =	sne.s32 s2, $0x0  }
0xbf: {  	s3 =	rddreg [dreg:$0x2];
	[bflag:$0x3] =	sbarrier.arrive $0xFFFF;
	s2 =	simm.s32 @!p0 $0x1C03  }
0xc0: {  	[timem:s3], [sflag:s2] =	dma.local @!p0 [hbm:s0], s1  }
0xc1: {  	s0 =	simm.s32 @!p0 $0x3  }
0xc2: {  	_ =	swait.ge @!p0 [sflag:s0], s1  }
0xc3: {  	s1 =	ssub.s32 @!p0 $0x0, s1;
	[sflag:s0] =	ssyncset.done @!p0 $0x0  }
0xc4: {  	[sflag:s0] =	ssyncadd.s32 @!p0 s1  }
0xc5: {  	[bflag:$0x3] =	sbarrier.arrive $0xFFFF  }
0xc6: {  	_ =	shalt  }

// kernel: kernel.16.cloned.1.call-start
scs
__scs_entry_jumppad:
0x0: {  	(pc) =	sbr.rel $0x88, $3  }
0x1: {  	(tag) =	ssettag $0x0;
	lr =	simm.s32 $0x1  }
0x2: {  	[smem:$0x3F92] =	sst lr;
	_ =	strace $0xD0000000  }
0x3: {  	_ = 	snop  }
0x4: {  	_ = 	snop  }
0x5: {  	_ = 	snop  }
0x6: {  	_ = 	snop  }
0x7: {  	_ = 	snop  }
__scs_overlays_trampoline_lowered:
0x8: {  	[smem:$0x3FA1] =	sst s0  }
0x9: {  	[smem:$0x3FA2] =	sst s1  }
0xa: {  	[smem:$0x3FA3] =	sst s2  }
0xb: {  	[smem:$0x3FA4] =	sst s3  }
0xc: {  	[smem:$0x3FA5] =	sst s4  }
0xd: {  	[smem:$0x3FA6] =	sst s5  }
0xe: {  	[smem:$0x3FA7] =	sst s6  }
0xf: {  	[smem:$0x3FA8] =	sst s7  }
0x10: {  	[smem:$0x3FA9] =	sst s8  }
0x11: {  	[smem:$0x3FAA] =	sst s9;
	s0 =	simm.s32 @!p0 $0x0  }
0x12: {  	s1 =	sld [smem:$0x3F90];
	s0 =	simm.s32 @p0 $0x1  }
0x13: {  	[smem:$0x3FAB] =	sst s0;
	s0 =	simm.s32 @!p1 $0x0  }
0x14: {  	s2 =	sld [smem:$0x3F8F];
	s0 =	simm.s32 @p1 $0x1  }
0x15: {  	[smem:$0x3FAC] =	sst s0;
	s0 =	simm.s32 @!p2 $0x0  }
0x16: {  	s3 =	sld [smem:$0x3FDB];
	s0 =	simm.s32 @p2 $0x1  }
0x17: {  	s4 =	simm.s32 $0x1BF5;
	[smem:$0x3FAE] =	sst s0  }
0x18: {  	s0 =	sld [smem:$0x3F91];
	_ =	swait.ge [sflag:s4], $0x0  }
0x19: {  	s7 =	sld [smem:$0x3F92]  }
0x1a: {  	s8 =	sadd.s32 $0xFFFFE003, lr  }
0x1b: {  	s9 =	sadd.s32 $0xFFFFFEF7, lr;
	s5 =	simm.s32 $0xFFFFFFFF;
	p2 =	slt.u32 s8, $0xFFFFF086  }
0x1c: {  	p1 =	slt.u32 s9, $0xF7A;
	s5 =	simm.s32 @!p2 $0x0  }
0x1d: {  	s5 =	simm.s32 @p1 $0x1;
	p0 =	seq.s32 s7, s2  }
0x1e: {  	s7 =	smul.u32 @!p0 $0xF7A, s2;
	p2 =	seq.s32 @!p0 s5, $0x0  }
0x1f: {  	s9 =	smul.u32 $0xF7A, s1;
	s8 =	simm.s32 @!p0 $0x1BF5;
	p2 =	por !p2, p0  }
0x20: {  	[sflag:s8] =	ssyncset.s32 @!p0 $0xFFFFF086;
	s6 =	sadd.s32 @!p0 s3, s7;
	s7 =	simm.s32 @!p0 $0x108  }
0x21: {  	s3 =	sadd.s32 s3, s9;
	s6 =	sadd.s32 @!p0 $0x88, s6;
	s7 =	simm.s32 @p2 $0x1082  }
0x22: {  	[simem:s7], [sflag:s8] =	dma.local @!p0 [hbm:s6], $0xF7A  }
0x23: {  	s9 =	sor.u32 $0xD0000000, s2;
	s6 =	simm.s32 $0x108;
	_ =	swait.ge @!p0 [sflag:s8], $0x0  }
0x24: {  	s3 =	sadd.s32 $0x88, s3;
	s6 =	simm.s32 @!p1 $0x1082;
	[sflag:s4] =	ssyncset.s32 $0xFFFFF086  }
0x25: {  	[simem:s6], [sflag:s4] =	dma.local [hbm:s3], $0xF7A  }
0x26: {  	[smem:$0x3F92] =	sst s1;
	(tag) =	ssettag s2;
	_ =	strace s9  }
0x27: {  	s1 =	sld [smem:$0x3FA2]  }
0x28: {  	s2 =	sld [smem:$0x3FA3]  }
0x29: {  	s4 =	sld [smem:$0x3FA5]  }
0x2a: {  	p0 =	seq.s32 s5, $0x0;
	s5 =	sld [smem:$0x3FA6]  }
0x2b: {  	s6 =	sld [smem:$0x3FA7]  }
0x2c: {  	s7 =	sld [smem:$0x3FA8]  }
0x2d: {  	s3 =	simm.s32 $0x108;
	s8 =	sld [smem:$0x3FA9]  }
0x2e: {  	s3 =	simm.s32 @!p0 $0x1082;
	s9 =	sld [smem:$0x3FAA]  }
0x2f: {  	lr =	sadd.s32 s0, s3;
	s0 =	sld [smem:$0x3FA1]  }
0x30: {  	s3 =	sld [smem:$0x3FA4]  }
0x31: {  	[smem:$0x3FAD] =	sst s10  }
0x32: {  	s10 =	sld [smem:$0x3FAB];
	_ =	sdelay $0x3  }
0x33: {  	p0 =	seq.s32 s10, $0x1;
	s10 =	sld [smem:$0x3FAD];
	_ =	sdelay $0x3  }
0x34: {  	[smem:$0x3FAD] =	sst s10  }
0x35: {  	s10 =	sld [smem:$0x3FAC];
	_ =	sdelay $0x3  }
0x36: {  	p1 =	seq.s32 s10, $0x1;
	s10 =	sld [smem:$0x3FAD];
	_ =	sdelay $0x3  }
0x37: {  	[smem:$0x3FAD] =	sst s10  }
0x38: {  	s10 =	sld [smem:$0x3FAE]  }
0x39: {  	_ = 	snop;
	(pc) =	sbr.ind lr, $3  }
0x3a: {  	_ = 	snop  }
0x3b: {  	_ = 	snop  }
0x3c: {  	p2 =	seq.s32 s10, $0x1;
	s10 =	sld [smem:$0x3FAD]  }
0x3d: {  	_ =	shalt  }
0x3e: {  	_ =	shalt  }
0x3f: {  	_ =	shalt  }
0x40: {  	_ =	shalt  }
0x41: {  	_ =	shalt  }
0x42: {  	_ =	shalt  }
0x43: {  	_ =	shalt  }
0x44: {  	_ =	shalt  }
0x45: {  	_ =	shalt  }
0x46: {  	_ =	shalt  }
0x47: {  	_ =	shalt  }
0x48: {  	_ =	shalt  }
0x49: {  	_ =	shalt  }
0x4a: {  	_ =	shalt  }
0x4b: {  	_ =	shalt  }
0x4c: {  	_ =	shalt  }
0x4d: {  	_ =	shalt  }
0x4e: {  	_ =	shalt  }
0x4f: {  	_ =	shalt  }
0x50: {  	_ =	shalt  }
0x51: {  	_ =	shalt  }
0x52: {  	_ =	shalt  }
0x53: {  	_ =	shalt  }
0x54: {  	_ =	shalt  }
0x55: {  	_ =	shalt  }
0x56: {  	_ =	shalt  }
0x57: {  	_ =	shalt  }
0x58: {  	_ =	shalt  }
0x59: {  	_ =	shalt  }
0x5a: {  	_ =	shalt  }
0x5b: {  	_ =	shalt  }
0x5c: {  	_ =	shalt  }
0x5d: {  	_ =	shalt  }
0x5e: {  	_ =	shalt  }
0x5f: {  	_ =	shalt  }
0x60: {  	_ =	shalt  }
0x61: {  	_ =	shalt  }
0x62: {  	_ =	shalt  }
0x63: {  	_ =	shalt  }
0x64: {  	_ =	shalt  }
0x65: {  	_ =	shalt  }
0x66: {  	_ =	shalt  }
0x67: {  	_ =	shalt  }
0x68: {  	_ =	shalt  }
0x69: {  	_ =	shalt  }
0x6a: {  	_ =	shalt  }
0x6b: {  	_ =	shalt  }
0x6c: {  	_ =	shalt  }
0x6d: {  	_ =	shalt  }
0x6e: {  	_ =	shalt  }
0x6f: {  	_ =	shalt  }
0x70: {  	_ =	shalt  }
0x71: {  	_ =	shalt  }
0x72: {  	_ =	shalt  }
0x73: {  	_ =	shalt  }
0x74: {  	_ =	shalt  }
0x75: {  	_ =	shalt  }
0x76: {  	_ =	shalt  }
0x77: {  	_ =	shalt  }
0x78: {  	_ =	shalt  }
0x79: {  	_ =	shalt  }
0x7a: {  	_ =	shalt  }
0x7b: {  	_ =	shalt  }
0x7c: {  	_ =	shalt  }
0x7d: {  	_ =	shalt  }
0x7e: {  	_ =	shalt  }
0x7f: {  	_ =	shalt  }
0x80: {  	_ =	shalt  }
0x81: {  	_ =	shalt  }
0x82: {  	_ =	shalt  }
0x83: {  	_ =	shalt  }
0x84: {  	_ =	shalt  }
0x85: {  	_ =	shalt  }
0x86: {  	_ =	shalt  }
0x87: {  	_ =	shalt  }
.Lfunc_end0:
.L_simem_size_0:
called_computation.2_lowered:
.L_overlay_start_0:
0x88: {  	s2 =	sld [smem:$0x3FD9]  }
0x89: {  	s3 =	sld [smem:$0x3FFE];
	_ =	sdelay $0x1  }
0x8a: {  	s1 =	srdreg.scid  }
0x8b: {  	s0 =	sand.u32 $0x1, s1  }
0x8c: {  	s16 =	sshll.u32 s0, $0xA;
	s2 =	sadd.s32 s3, s2  }
0x8d: {  	s2 =	sadd.s32 s2, s16  }
0x8e: {  	[smem:$0x3FB9] =	sst s2  }
0x8f: {  	_ = 	snop  }
0x90: {  	(tm) =	ssettm $0x1  }
0x91: {  	s17 =	sld [smem:$0x3FFB];
	_ =	sdelay $0x3  }
0x92: {  	_ =	strace s17  }
0x93: {  	s2 =	sld [smem:$0x3FFC];
	_ =	sdelay $0x3  }
0x94: {  	_ =	strace s2  }
0x95: {  	s2 =	sld [smem:$0x3FFD];
	_ =	sdelay $0x3  }
0x96: {  	_ =	strace s2  }
0x97: {  	_ =	strace $0x8FFFFFFF  }
0x98: {  	s18 =	sld [smem:$0x3FDB];
	_ =	sdelay $0x1  }
0x99: {  	s19 =	simm.s32 $_scs_section_size  }
0x9a: {  	s4 =	simm.s32 $_size__tile_overlayer_lowered;
	s5 =	simm.s32 $_tile_overlayer_lowered  }
0x9b: {  	s22 =	simm.s32 $0x1BFF;
	s21 =	sshll.u32 s5, $0x1;
	s2 =	sadd.s32 s19, s18  }
0x9c: {  	s6 =	simm.s32 $0x0;
	s20 =	sshll.u32 s4, $0x1;
	s4 =	sadd.s32 s21, s2  }
0x9d: {  	[timem:s6], [sflag:s22] =	dma.local [hbm:s4], s20  }
0x9e: {  	_ =	swait.ge [sflag:s22], s20  }
0x9f: {  	s3 =	ssub.s32 $0x0, s20;
	[sflag:s22] =	ssyncset.done $0x0  }
0xa0: {  	[sflag:s22] =	ssyncadd.s32 s3;
	_ =	sdelay $0x1  }
0xa1: {  	s23 =	simm.s32 $0x1B8B  }
0xa2: {  	_ =	swait.ge [sflag:s23], $0x1  }
0xa3: {  	[sflag:s23] =	ssyncset.done $0x0  }
0xa4: {  	s25 =	simm.s32 $0x1B8E;
	s24 =	sld [smem:$0x3FFE];
	[sflag:s23] =	ssyncadd.s32 $0xFFFFFFFF  }
0xa5: {  	s26 =	simm.s32 $execute0_lowered;
	[smem:$0x3FD2] =	sst s25  }
0xa6: {  	s4 =	sshll.u32 s26, $0x1;
	_ =	strace $0x8000004C;
	[dreg:$0x1] =	wrdreg $0xFFFFFFFF  }
0xa7: {  	s28 =	simm.s32 $_size_execute0_lowered;
	s2 =	sadd.s32 s2, s4;
	[dreg:$0x0] =	wrdreg $0x0  }
0xa8: {  	s4 =	sshll.u32 s28, $0x1;
	[dreg:$0x2] =	wrdreg s2  }
0xa9: {  	[dreg:$0x3] =	wrdreg s4  }
0xaa: {  	[dreg:$0x4] =	wrdreg $0xC0  }
0xab: {  	_ =	task [dreg:s6], $0x5FFFF  }
0xac: {  	[dreg:$0x1] =	wrdreg $0xFFFFFFFF  }
0xad: {  	[dreg:$0x0] =	wrdreg $0x60  }
0xae: {  	[dreg:$0x2] =	wrdreg s24  }
0xaf: {  	[dreg:$0x3] =	wrdreg $0xA8000  }
0xb0: {  	[dreg:$0x4] =	wrdreg $0x9  }
0xb1: {  	_ =	task.clear_ibuf [dreg:s6], $0x5FFFF;
	_ =	strace $0x9000004C  }
0xb2: {  	s29 =	simm.s32 $0x9;
	_ =	strace $0x8000004E  }
0xb3: {  	_ =	swait.ge [sflag:s29], $0x1  }
0xb4: {  	[sflag:s29] =	ssyncadd.s32 $0xFFFFFFFF  }
0xb5: {  	_ =	strace $0x9000004E  }
0xb6: {  	_ =	sfence  }
0xb7: {  	s30 =	sld [smem:$0x0];
	_ =	sdelay $0x2  }
0xb8: {  	s31 =	sshll.u32 s1, $0xD;
	s1 =	sshrl.u32 s1, $0x2  }
0xb9: {  	s3 =	sand.u32 $0x4000, s31;
	s1 =	sadd.s32 s1, s30  }
0xba: {  	s0 =	sor.u32 s3, s0;
	s1 =	sshll.u32 s1, $0x11  }
0xbb: {  	s0 =	sor.u32 s1, s0  }
0xbc: {  	s0 =	sadd.s32 $0x8F2B, s0  }
0xbd: {  	[sflag:s0] =	ssyncadd.remote.s32 $0x1  }
0xbe: {  	_ =	sfence.sel $0xFFFF  }
0xbf: {  	[dreg:$0x0] =	wrdreg $0xFFFFFFFF;
	(pc) =	sbr.abs _section_cstart, $3  }
0xc0: {  	[dreg:$0x1] =	wrdreg $0xFFFFFFFF  }
0xc1: {  	_ =	task.clear_ibuf [dreg:s6], $0x2FFFF;
	_ =	strace $0x9FFFFFFF  }
0xc2: {  	(tm) =	ssettm $0x7FFFFFFF  }
0xc3: {  	_ =	shalt  }
tec
execute0_lowered:
.L_overlay_start_1:
0x0: {  	(tag) =	ssettag $0x1  }
0x1: {  	s5 =	rddreg [dreg:$0x0];
	s0 =	srdreg.scid  }
0x2: {  	s2 =	rddreg [dreg:$0x1];
	s1 =	stileid.u32  }
0x3: {  	s3 =	simm.s32 $0x0;
	s17 =	simm.s32 $0x3;
	s18 =	simm.s32 $0x1400  }
0x4: {  	s19 =	simm.s32 $0x80;
	s20 =	simm.s32 $0x1;
	s21 =	simm.s32 $0x6800  }
0x5: {  	s22 =	simm.s32 $0x2;
	s23 =	simm.s32 $0x1380;
	s24 =	simm.s32 $0x2700  }
0x6: {  	s25 =	simm.s32 $0x2780;
	s6 =	sand.u32 $0x1, s0;
	s0 =	rddreg [dreg:$0x2]  }
0x7: {  	s8 =	smul.u32 $0x13C00, s1;
	[smem:$0x7FF] =	sst s3;
	s4 =	sadd.s32 $0x18200, s5  }
0x8: {  	s12 =	sadd.s32 $0xE200, s5;
	s26 =	smul.u32 $0x4F000, s1;
	s13 =	sadd.s32 $0x4200, s5  }
0x9: {  	s28 =	sshll.u32 s1, $0x1;
	s7 =	smul.u32 $0x13C000, s6;
	_ =	strace $0x8000004D  }
0xa: {  	s29 =	ssub.s32 $0x2, s6;
	s6 =	sor.u32 s6, s28;
	s30 =	sshrl.u32 s26, $0x2  }
0xb: {  	s31 =	sshrl.u32 s29, $0x1;
	s10 =	smul.u32 $0x2800, s6;
	s7 =	sadd.s32 s8, s7  }
0xc: {  	s26 =	simm.s32 $0x0;
	s15 =	ssub.s32 s29, s31;
	s7 =	sshrl.u32 s7, $0x3  }
0xd: {  	s16 =	sshrl.u32 s10, $0x3;
	s15 =	smax.u32 s15, $0x1;
	s14 =	sadd.s32 s7, s5  }
0xe: {  	s5 =	sadd.s32 s30, s2;
	s10 =	sadd.s32 s12, s16;
	s11 =	sadd.s32 s13, s16  }
0xf: {  	s16 =	sadd.s32 $0x280, s16;
	s6 =	sadd.s32 $0x4000, s5;
	s7 =	sadd.s32 $0x8000, s5  }
0x10: {  	s8 =	sadd.s32 $0xC000, s5;
	s9 =	sadd.s32 $0x10000, s5;
	s12 =	sadd.s32 s12, s16  }
0x11: {  	v0 =	vimm.f32 $0.0e+00;
	s13 =	sadd.s32 s13, s16;
	s14 =	sadd.s32 $0x3F400, s14;
	s16 =	simm.s32 $0x2800  }
.LBB2_1:
0x12: {  	s28 =	sand.u32 $0xFE00, s3  }
0x13: {  	s29 =	sand.u32 $0x70, s3;
	s30 =	sshrl.u32 s28, $0x2  }
0x14: {  	s28 =	simm.s32 $0x40;
	s30 =	sor.u32 s29, s30;
	s29 =	simm.s32 $0x0  }
.LBB2_2:
0x15: {  	p0 =	sne.s32 s28, $0xFFC0  }
0x16: {  	[tilespmem:s30+$0x2800] =	vst v0;
	s29 =	sadd.s32 $0x10, s29;
	s30 =	smov.u32 s28;
	s28 =	sadd.s32 $0x40, s28  }
.Ltmp0:
0x17: {  	(pc) =	sbr.rel @p0 .LBB2_2-.Ltmp0, $4  }
0x18: {  	_ = 	snop  }
0x19: {  	s30 =	sand.u32 $0xFE00, s30  }
0x1a: {  	s31 =	sand.u32 $0x70, s29;
	s30 =	sshrl.u32 s30, $0x2  }
0x1b: {  	s30 =	sor.u32 s31, s30  }
0x1c: {  	[tilespmem:s30+$0x2800] =	vst v0  }
0x1d: {  	[spmem:s5] =	stream.linear.scatter [tilespmem:s16], [sflag:$0x3], $0x4000, $0x38;
	[tilespmem:$0x1E400] =	vst v63  }
0x1e: {  	_ =	swait.ge [sflag:s17], $0x4000  }
0x1f: {  	[sflag:s17] =	ssyncset.done $0x0  }
0x20: {  	[sflag:s17] =	ssyncadd.s32 $0xFFFFC000  }
0x21: {  	[spmem:s6] =	stream.linear.scatter [tilespmem:s16], [sflag:$0x3], $0x4000, $0x38;
	[tilespmem:$0x1E400] =	vst v63  }
0x22: {  	_ =	swait.ge [sflag:s17], $0x4000  }
0x23: {  	[sflag:s17] =	ssyncset.done $0x0  }
0x24: {  	[sflag:s17] =	ssyncadd.s32 $0xFFFFC000  }
0x25: {  	[spmem:s7] =	stream.linear.scatter [tilespmem:s16], [sflag:$0x3], $0x4000, $0x38;
	[tilespmem:$0x1E400] =	vst v63  }
0x26: {  	_ =	swait.ge [sflag:s17], $0x4000  }
0x27: {  	[sflag:s17] =	ssyncset.done $0x0  }
0x28: {  	[sflag:s17] =	ssyncadd.s32 $0xFFFFC000  }
0x29: {  	[spmem:s8] =	stream.linear.scatter [tilespmem:s16], [sflag:$0x3], $0x4000, $0x38;
	[tilespmem:$0x1E400] =	vst v63  }
0x2a: {  	_ =	swait.ge [sflag:s17], $0x4000  }
0x2b: {  	[sflag:s17] =	ssyncset.done $0x0  }
0x2c: {  	[sflag:s17] =	ssyncadd.s32 $0xFFFFC000  }
0x2d: {  	[spmem:s9] =	stream.linear.scatter [tilespmem:s16], [sflag:$0x3], $0x3C00, $0x38;
	[tilespmem:$0x1E400] =	vst v63  }
0x2e: {  	_ =	swait.ge [sflag:s17], $0x3C00  }
0x2f: {  	[sflag:s17] =	ssyncset.done $0x0  }
0x30: {  	[sflag:s17] =	ssyncadd.s32 $0xFFFFC400  }
0x31: {  	s28 =	simm.s32 $0x0;
	[bflag:$0x0] =	sbarrier.arrive $0xFFFF  }
0x32: {  	[tilespmem:s28], [sflag:$0x3] =	stream.linear.gather [hbm4b:s10+s28], $0x1400, $0x38;
	[tilespmem:$0x1E400] =	vst v63  }
0x33: {  	_ =	swait.ge [sflag:s17], $0x1400  }
0x34: {  	[sflag:s17] =	ssyncset.done $0x0  }
0x35: {  	[sflag:s17] =	ssyncadd.s32 $0xFFFFEC00  }
0x36: {  	[tilespmem:s18], [sflag:$0x3] =	stream.linear.gather [hbm4b:s11+s28], $0x1400, $0x38;
	[tilespmem:$0x1E400] =	vst v63  }
0x37: {  	_ =	swait.ge [sflag:s17], $0x1400  }
0x38: {  	[sflag:s17] =	ssyncset.done $0x0  }
0x39: {  	[sflag:s17] =	ssyncadd.s32 $0xFFFFEC00  }
0x3a: {  	[tilespmem:s16], [sflag:$0x1] =	stream.indirect.gather [hbm4b:s4+s19], $0x80, s28, s19, $0xb8;
	[tilespmem:$0x1E400] =	vst v63  }
0x3b: {  	_ =	swait.ge [sflag:s20], $0x4000  }
0x3c: {  	[sflag:s20] =	ssyncset.done $0x0  }
0x3d: {  	s28 =	simm.s32 $0x80;
	[sflag:s20] =	ssyncadd.s32 $0xFFFFC000  }
0x3e: {  	[tilespmem:s21], [sflag:$0x2] =	stream.indirect.gather [hbm4b:s4+s19], $0x80, s28, s19, $0xb8;
	[tilespmem:$0x1E400] =	vst v63  }
0x3f: {  	s28 =	simm.s32 $0x1400  }
0x40: {  	[spmem:s2] =	stream.indirect.scatter.add.f32 [tilespmem:s16], [sflag:$0x3], $0x80, s28, s19, $0xb8;
	[tilespmem:$0x1E400] =	vst v63  }
0x41: {  	_ =	swait.ge [sflag:s17], $0x4000  }
0x42: {  	[sflag:s17] =	ssyncset.done $0x0  }
0x43: {  	[sflag:s17] =	ssyncadd.s32 $0xFFFFC000  }
0x44: {  	_ =	swait.ge [sflag:s22], $0x4000  }
0x45: {  	[sflag:s22] =	ssyncset.done $0x0  }
0x46: {  	s28 =	simm.s32 $0x100;
	[sflag:s22] =	ssyncadd.s32 $0xFFFFC000  }
0x47: {  	[tilespmem:s16], [sflag:$0x1] =	stream.indirect.gather [hbm4b:s4+s19], $0x80, s28, s19, $0xb8;
	[tilespmem:$0x1E400] =	vst v63  }
0x48: {  	s28 =	simm.s32 $0x1480  }
0x49: {  	[spmem:s2] =	stream.indirect.scatter.add.f32 [tilespmem:s21], [sflag:$0x3], $0x80, s28, s19, $0xb8;
	[tilespmem:$0x1E400] =	vst v63  }
0x4a: {  	_ =	swait.ge [sflag:s17], $0x4000  }
0x4b: {  	s28 =	simm.s32 $0x400;
	[sflag:s17] =	ssyncset.done $0x0  }
.LBB2_4:
0x4c: {  	p0 =	sne.s32 s28, $0x4800  }
0x4d: {  	[sflag:s17] =	ssyncadd.s32 $0xFFFFC000;
	s29 =	smov.u32 s28;
	s28 =	sadd.s32 $0x400, s28  }
0x4e: {  	_ = 	snop  }
0x4f: {  	_ =	swait.ge [sflag:s20], $0x4000  }
0x50: {  	s29 =	sshra.s32 s29, $0x2;
	[sflag:s20] =	ssyncset.done $0x0  }
0x51: {  	s30 =	sadd.s32 $0x80, s29;
	[sflag:s20] =	ssyncadd.s32 $0xFFFFC000  }
0x52: {  	[tilespmem:s21], [sflag:$0x2] =	stream.indirect.gather [hbm4b:s4+s19], $0x80, s30, s19, $0xb8;
	[tilespmem:$0x1E400] =	vst v63  }
0x53: {  	s30 =	sadd.s32 $0x1400, s29  }
0x54: {  	[spmem:s2] =	stream.indirect.scatter.add.f32 [tilespmem:s16], [sflag:$0x3], $0x80, s30, s19, $0xb8;
	[tilespmem:$0x1E400] =	vst v63  }
0x55: {  	_ =	swait.ge [sflag:s17], $0x4000  }
0x56: {  	[sflag:s17] =	ssyncset.done $0x0  }
0x57: {  	[sflag:s17] =	ssyncadd.s32 $0xFFFFC000  }
0x58: {  	_ =	swait.ge [sflag:s22], $0x4000  }
0x59: {  	[sflag:s22] =	ssyncset.done $0x0  }
0x5a: {  	s30 =	sadd.s32 $0x100, s29;
	[sflag:s22] =	ssyncadd.s32 $0xFFFFC000  }
0x5b: {  	[tilespmem:s16], [sflag:$0x1] =	stream.indirect.gather [hbm4b:s4+s19], $0x80, s30, s19, $0xb8;
	[tilespmem:$0x1E400] =	vst v63  }
.Ltmp1:
0x5c: {  	_ = 	snop;
	(pc) =	sbr.rel @p0 .LBB2_4-.Ltmp1, $4  }
0x5d: {  	s29 =	sadd.s32 $0x1480, s29  }
0x5e: {  	[spmem:s2] =	stream.indirect.scatter.add.f32 [tilespmem:s21], [sflag:$0x3], $0x80, s29, s19, $0xb8;
	[tilespmem:$0x1E400] =	vst v63  }
0x5f: {  	_ =	swait.ge [sflag:s17], $0x4000  }
0x60: {  	[sflag:s17] =	ssyncset.done $0x0  }
0x61: {  	[sflag:s17] =	ssyncadd.s32 $0xFFFFC000  }
0x62: {  	_ =	swait.ge [sflag:s20], $0x4000  }
0x63: {  	[sflag:s20] =	ssyncset.done $0x0  }
0x64: {  	[sflag:s20] =	ssyncadd.s32 $0xFFFFC000  }
0x65: {  	[tilespmem:s21], [sflag:$0x2] =	stream.indirect.gather [hbm4b:s4+s19], $0x80, s23, s19, $0xb8;
	[tilespmem:$0x1E400] =	vst v63  }
0x66: {  	_ = 	snop  }
0x67: {  	[spmem:s2] =	stream.indirect.scatter.add.f32 [tilespmem:s16], [sflag:$0x3], $0x80, s24, s19, $0xb8;
	[tilespmem:$0x1E400] =	vst v63  }
0x68: {  	_ =	swait.ge [sflag:s17], $0x4000  }
0x69: {  	[sflag:s17] =	ssyncset.done $0x0  }
0x6a: {  	[sflag:s17] =	ssyncadd.s32 $0xFFFFC000  }
0x6b: {  	_ =	swait.ge [sflag:s22], $0x4000  }
0x6c: {  	[sflag:s22] =	ssyncset.done $0x0  }
0x6d: {  	[sflag:s22] =	ssyncadd.s32 $0xFFFFC000  }
0x6e: {  	[spmem:s2] =	stream.indirect.scatter.add.f32 [tilespmem:s21], [sflag:$0x3], $0x80, s25, s19, $0xb8;
	[tilespmem:$0x1E400] =	vst v63  }
0x6f: {  	_ =	swait.ge [sflag:s17], $0x4000  }
0x70: {  	[sflag:s17] =	ssyncset.done $0x0  }
0x71: {  	s28 =	simm.s32 $0x0;
	[sflag:s17] =	ssyncadd.s32 $0xFFFFC000  }
0x72: {  	[tilespmem:s28], [sflag:$0x3] =	stream.linear.gather [hbm4b:s12+s28], $0x1400, $0x38;
	[tilespmem:$0x1E400] =	vst v63  }
0x73: {  	_ =	swait.ge [sflag:s17], $0x1400  }
0x74: {  	[sflag:s17] =	ssyncset.done $0x0  }
0x75: {  	[sflag:s17] =	ssyncadd.s32 $0xFFFFEC00  }
0x76: {  	[tilespmem:s18], [sflag:$0x3] =	stream.linear.gather [hbm4b:s13+s28], $0x1400, $0x38;
	[tilespmem:$0x1E400] =	vst v63  }
0x77: {  	_ =	swait.ge [sflag:s17], $0x1400  }
0x78: {  	[sflag:s17] =	ssyncset.done $0x0  }
0x79: {  	[sflag:s17] =	ssyncadd.s32 $0xFFFFEC00  }
0x7a: {  	[tilespmem:s16], [sflag:$0x1] =	stream.indirect.gather [hbm4b:s4+s19], $0x80, s28, s19, $0xb8;
	[tilespmem:$0x1E400] =	vst v63  }
0x7b: {  	_ =	swait.ge [sflag:s20], $0x4000  }
0x7c: {  	[sflag:s20] =	ssyncset.done $0x0  }
0x7d: {  	s28 =	simm.s32 $0x80;
	[sflag:s20] =	ssyncadd.s32 $0xFFFFC000  }
0x7e: {  	[tilespmem:s21], [sflag:$0x2] =	stream.indirect.gather [hbm4b:s4+s19], $0x80, s28, s19, $0xb8;
	[tilespmem:$0x1E400] =	vst v63  }
0x7f: {  	s28 =	simm.s32 $0x1400  }
0x80: {  	[spmem:s2] =	stream.indirect.scatter.add.f32 [tilespmem:s16], [sflag:$0x3], $0x80, s28, s19, $0xb8;
	[tilespmem:$0x1E400] =	vst v63  }
0x81: {  	_ =	swait.ge [sflag:s17], $0x4000  }
0x82: {  	[sflag:s17] =	ssyncset.done $0x0  }
0x83: {  	[sflag:s17] =	ssyncadd.s32 $0xFFFFC000  }
0x84: {  	_ =	swait.ge [sflag:s22], $0x4000  }
0x85: {  	[sflag:s22] =	ssyncset.done $0x0  }
0x86: {  	s28 =	simm.s32 $0x100;
	[sflag:s22] =	ssyncadd.s32 $0xFFFFC000  }
0x87: {  	[tilespmem:s16], [sflag:$0x1] =	stream.indirect.gather [hbm4b:s4+s19], $0x80, s28, s19, $0xb8;
	[tilespmem:$0x1E400] =	vst v63  }
0x88: {  	s28 =	simm.s32 $0x1480  }
0x89: {  	[spmem:s2] =	stream.indirect.scatter.add.f32 [tilespmem:s21], [sflag:$0x3], $0x80, s28, s19, $0xb8;
	[tilespmem:$0x1E400] =	vst v63  }
0x8a: {  	_ =	swait.ge [sflag:s17], $0x4000  }
0x8b: {  	s28 =	simm.s32 $0x400;
	[sflag:s17] =	ssyncset.done $0x0  }
.LBB2_6:
0x8c: {  	p0 =	sne.s32 s28, $0x4800  }
0x8d: {  	[sflag:s17] =	ssyncadd.s32 $0xFFFFC000;
	s29 =	smov.u32 s28;
	s28 =	sadd.s32 $0x400, s28  }
0x8e: {  	_ = 	snop  }
0x8f: {  	_ =	swait.ge [sflag:s20], $0x4000  }
0x90: {  	s29 =	sshra.s32 s29, $0x2;
	[sflag:s20] =	ssyncset.done $0x0  }
0x91: {  	s30 =	sadd.s32 $0x80, s29;
	[sflag:s20] =	ssyncadd.s32 $0xFFFFC000  }
0x92: {  	[tilespmem:s21], [sflag:$0x2] =	stream.indirect.gather [hbm4b:s4+s19], $0x80, s30, s19, $0xb8;
	[tilespmem:$0x1E400] =	vst v63  }
0x93: {  	s30 =	sadd.s32 $0x1400, s29  }
0x94: {  	[spmem:s2] =	stream.indirect.scatter.add.f32 [tilespmem:s16], [sflag:$0x3], $0x80, s30, s19, $0xb8;
	[tilespmem:$0x1E400] =	vst v63  }
0x95: {  	_ =	swait.ge [sflag:s17], $0x4000  }
0x96: {  	[sflag:s17] =	ssyncset.done $0x0  }
0x97: {  	[sflag:s17] =	ssyncadd.s32 $0xFFFFC000  }
0x98: {  	_ =	swait.ge [sflag:s22], $0x4000  }
0x99: {  	[sflag:s22] =	ssyncset.done $0x0  }
0x9a: {  	s30 =	sadd.s32 $0x100, s29;
	[sflag:s22] =	ssyncadd.s32 $0xFFFFC000  }
0x9b: {  	[tilespmem:s16], [sflag:$0x1] =	stream.indirect.gather [hbm4b:s4+s19], $0x80, s30, s19, $0xb8;
	[tilespmem:$0x1E400] =	vst v63  }
.Ltmp2:
0x9c: {  	_ = 	snop;
	(pc) =	sbr.rel @p0 .LBB2_6-.Ltmp2, $4  }
0x9d: {  	s29 =	sadd.s32 $0x1480, s29  }
0x9e: {  	[spmem:s2] =	stream.indirect.scatter.add.f32 [tilespmem:s21], [sflag:$0x3], $0x80, s29, s19, $0xb8;
	[tilespmem:$0x1E400] =	vst v63  }
0x9f: {  	_ =	swait.ge [sflag:s17], $0x4000  }
0xa0: {  	[sflag:s17] =	ssyncset.done $0x0  }
0xa1: {  	[sflag:s17] =	ssyncadd.s32 $0xFFFFC000  }
0xa2: {  	_ =	swait.ge [sflag:s20], $0x4000  }
0xa3: {  	[sflag:s20] =	ssyncset.done $0x0  }
0xa4: {  	[sflag:s20] =	ssyncadd.s32 $0xFFFFC000  }
0xa5: {  	[tilespmem:s21], [sflag:$0x2] =	stream.indirect.gather [hbm4b:s4+s19], $0x80, s23, s19, $0xb8;
	[tilespmem:$0x1E400] =	vst v63  }
0xa6: {  	_ = 	snop  }
0xa7: {  	[spmem:s2] =	stream.indirect.scatter.add.f32 [tilespmem:s16], [sflag:$0x3], $0x80, s24, s19, $0xb8;
	[tilespmem:$0x1E400] =	vst v63  }
0xa8: {  	_ =	swait.ge [sflag:s17], $0x4000  }
0xa9: {  	[sflag:s17] =	ssyncset.done $0x0  }
0xaa: {  	[sflag:s17] =	ssyncadd.s32 $0xFFFFC000  }
0xab: {  	_ =	swait.ge [sflag:s22], $0x4000  }
0xac: {  	[sflag:s22] =	ssyncset.done $0x0  }
0xad: {  	[sflag:s22] =	ssyncadd.s32 $0xFFFFC000  }
0xae: {  	[spmem:s2] =	stream.indirect.scatter.add.f32 [tilespmem:s21], [sflag:$0x3], $0x80, s25, s19, $0xb8;
	[tilespmem:$0x1E400] =	vst v63  }
0xaf: {  	_ =	swait.ge [sflag:s17], $0x4000  }
0xb0: {  	s28 =	sshll.u32 s1, $0x6;
	s26 =	sadd.s32 $0x1, s26;
	[sflag:s17] =	ssyncset.done $0x0  }
0xb1: {  	s29 =	sshrl.u32 s5, $0x3;
	p0 =	sne.s32 s26, s15;
	[sflag:s17] =	ssyncadd.s32 $0xFFFFC000  }
.Ltmp3:
0xb2: {  	s28 =	sor.u32 $0x1C03, s28;
	[bflag:$0x0] =	sbarrier.arrive $0xFFFF;
	(pc) =	sbr.rel @p0 .LBB2_1-.Ltmp3, $4  }
0xb3: {  	[hbm:s14], [sflag:s28] =	dma.local [spmem:s29], $0x2780  }
0xb4: {  	_ =	swait.ge [sflag:s17], $0x2780  }
0xb5: {  	[sflag:s17] =	ssyncset.done $0x0  }
0xb6: {  	[sflag:s17] =	ssyncadd.s32 $0xFFFFD880  }
0xb7: {  	_ =	sfence.sel $0x180000  }
0xb8: {  	[bflag:$0x0] =	sbarrier.arrive $0xFFFF  }
0xb9: {  	p0 =	sne.s32 s1, $0x0;
	_ =	strace $0x9000004D  }
0xba: {  	s0 =	sadd.s32 @!p0 $0x100000, s0;
	[bflag:$0x2] =	sbarrier.arrive $0xFFFF  }
0xbb: {  	[sflag:s0] =	ssyncadd.tile.s32 @!p0 $0x1;
	_ =	shalt  }
.Lfunc_end2:
_tile_overlayer_lowered:
.L_overlay_start_2:
0xbc: {  	(tag) =	ssettag $0x2  }
0xbd: {  	s0 =	rddreg [dreg:$0x0];
	s2 =	stileid.u32  }
0xbe: {  	s1 =	rddreg [dreg:$0x1];
	p0 =	sne.s32 s2, $0x0  }
0xbf: {  	s3 =	rddreg [dreg:$0x2];
	[bflag:$0x3] =	sbarrier.arrive $0xFFFF;
	s2 =	simm.s32 @!p0 $0x1C03  }
0xc0: {  	[timem:s3], [sflag:s2] =	dma.local @!p0 [hbm:s0], s1  }
0xc1: {  	s0 =	simm.s32 @!p0 $0x3  }
0xc2: {  	_ =	swait.ge @!p0 [sflag:s0], s1  }
0xc3: {  	s1 =	ssub.s32 @!p0 $0x0, s1;
	[sflag:s0] =	ssyncset.done @!p0 $0x0  }
0xc4: {  	[sflag:s0] =	ssyncadd.s32 @!p0 s1  }
0xc5: {  	[bflag:$0x3] =	sbarrier.arrive $0xFFFF  }
0xc6: {  	_ =	shalt  }

// kernel: kernel.19.cloned.1.call-start
scs
__scs_entry_jumppad:
0x0: {  	(pc) =	sbr.rel $0x88, $3  }
0x1: {  	(tag) =	ssettag $0x0;
	lr =	simm.s32 $0x1  }
0x2: {  	[smem:$0x3F92] =	sst lr;
	_ =	strace $0xD0000000  }
0x3: {  	_ = 	snop  }
0x4: {  	_ = 	snop  }
0x5: {  	_ = 	snop  }
0x6: {  	_ = 	snop  }
0x7: {  	_ = 	snop  }
__scs_overlays_trampoline_lowered:
0x8: {  	[smem:$0x3FA1] =	sst s0  }
0x9: {  	[smem:$0x3FA2] =	sst s1  }
0xa: {  	[smem:$0x3FA3] =	sst s2  }
0xb: {  	[smem:$0x3FA4] =	sst s3  }
0xc: {  	[smem:$0x3FA5] =	sst s4  }
0xd: {  	[smem:$0x3FA6] =	sst s5  }
0xe: {  	[smem:$0x3FA7] =	sst s6  }
0xf: {  	[smem:$0x3FA8] =	sst s7  }
0x10: {  	[smem:$0x3FA9] =	sst s8  }
0x11: {  	[smem:$0x3FAA] =	sst s9;
	s0 =	simm.s32 @!p0 $0x0  }
0x12: {  	s1 =	sld [smem:$0x3F90];
	s0 =	simm.s32 @p0 $0x1  }
0x13: {  	[smem:$0x3FAB] =	sst s0;
	s0 =	simm.s32 @!p1 $0x0  }
0x14: {  	s2 =	sld [smem:$0x3F8F];
	s0 =	simm.s32 @p1 $0x1  }
0x15: {  	[smem:$0x3FAC] =	sst s0;
	s0 =	simm.s32 @!p2 $0x0  }
0x16: {  	s3 =	sld [smem:$0x3FDB];
	s0 =	simm.s32 @p2 $0x1  }
0x17: {  	s4 =	simm.s32 $0x1BF5;
	[smem:$0x3FAE] =	sst s0  }
0x18: {  	s0 =	sld [smem:$0x3F91];
	_ =	swait.ge [sflag:s4], $0x0  }
0x19: {  	s7 =	sld [smem:$0x3F92]  }
0x1a: {  	s8 =	sadd.s32 $0xFFFFE003, lr  }
0x1b: {  	s9 =	sadd.s32 $0xFFFFFEF7, lr;
	s5 =	simm.s32 $0xFFFFFFFF;
	p2 =	slt.u32 s8, $0xFFFFF086  }
0x1c: {  	p1 =	slt.u32 s9, $0xF7A;
	s5 =	simm.s32 @!p2 $0x0  }
0x1d: {  	s5 =	simm.s32 @p1 $0x1;
	p0 =	seq.s32 s7, s2  }
0x1e: {  	s7 =	smul.u32 @!p0 $0xF7A, s2;
	p2 =	seq.s32 @!p0 s5, $0x0  }
0x1f: {  	s9 =	smul.u32 $0xF7A, s1;
	s8 =	simm.s32 @!p0 $0x1BF5;
	p2 =	por !p2, p0  }
0x20: {  	[sflag:s8] =	ssyncset.s32 @!p0 $0xFFFFF086;
	s6 =	sadd.s32 @!p0 s3, s7;
	s7 =	simm.s32 @!p0 $0x108  }
0x21: {  	s3 =	sadd.s32 s3, s9;
	s6 =	sadd.s32 @!p0 $0x88, s6;
	s7 =	simm.s32 @p2 $0x1082  }
0x22: {  	[simem:s7], [sflag:s8] =	dma.local @!p0 [hbm:s6], $0xF7A  }
0x23: {  	s9 =	sor.u32 $0xD0000000, s2;
	s6 =	simm.s32 $0x108;
	_ =	swait.ge @!p0 [sflag:s8], $0x0  }
0x24: {  	s3 =	sadd.s32 $0x88, s3;
	s6 =	simm.s32 @!p1 $0x1082;
	[sflag:s4] =	ssyncset.s32 $0xFFFFF086  }
0x25: {  	[simem:s6], [sflag:s4] =	dma.local [hbm:s3], $0xF7A  }
0x26: {  	[smem:$0x3F92] =	sst s1;
	(tag) =	ssettag s2;
	_ =	strace s9  }
0x27: {  	s1 =	sld [smem:$0x3FA2]  }
0x28: {  	s2 =	sld [smem:$0x3FA3]  }
0x29: {  	s4 =	sld [smem:$0x3FA5]  }
0x2a: {  	p0 =	seq.s32 s5, $0x0;
	s5 =	sld [smem:$0x3FA6]  }
0x2b: {  	s6 =	sld [smem:$0x3FA7]  }
0x2c: {  	s7 =	sld [smem:$0x3FA8]  }
0x2d: {  	s3 =	simm.s32 $0x108;
	s8 =	sld [smem:$0x3FA9]  }
0x2e: {  	s3 =	simm.s32 @!p0 $0x1082;
	s9 =	sld [smem:$0x3FAA]  }
0x2f: {  	lr =	sadd.s32 s0, s3;
	s0 =	sld [smem:$0x3FA1]  }
0x30: {  	s3 =	sld [smem:$0x3FA4]  }
0x31: {  	[smem:$0x3FAD] =	sst s10  }
0x32: {  	s10 =	sld [smem:$0x3FAB];
	_ =	sdelay $0x3  }
0x33: {  	p0 =	seq.s32 s10, $0x1;
	s10 =	sld [smem:$0x3FAD];
	_ =	sdelay $0x3  }
0x34: {  	[smem:$0x3FAD] =	sst s10  }
0x35: {  	s10 =	sld [smem:$0x3FAC];
	_ =	sdelay $0x3  }
0x36: {  	p1 =	seq.s32 s10, $0x1;
	s10 =	sld [smem:$0x3FAD];
	_ =	sdelay $0x3  }
0x37: {  	[smem:$0x3FAD] =	sst s10  }
0x38: {  	s10 =	sld [smem:$0x3FAE]  }
0x39: {  	_ = 	snop;
	(pc) =	sbr.ind lr, $3  }
0x3a: {  	_ = 	snop  }
0x3b: {  	_ = 	snop  }
0x3c: {  	p2 =	seq.s32 s10, $0x1;
	s10 =	sld [smem:$0x3FAD]  }
0x3d: {  	_ =	shalt  }
0x3e: {  	_ =	shalt  }
0x3f: {  	_ =	shalt  }
0x40: {  	_ =	shalt  }
0x41: {  	_ =	shalt  }
0x42: {  	_ =	shalt  }
0x43: {  	_ =	shalt  }
0x44: {  	_ =	shalt  }
0x45: {  	_ =	shalt  }
0x46: {  	_ =	shalt  }
0x47: {  	_ =	shalt  }
0x48: {  	_ =	shalt  }
0x49: {  	_ =	shalt  }
0x4a: {  	_ =	shalt  }
0x4b: {  	_ =	shalt  }
0x4c: {  	_ =	shalt  }
0x4d: {  	_ =	shalt  }
0x4e: {  	_ =	shalt  }
0x4f: {  	_ =	shalt  }
0x50: {  	_ =	shalt  }
0x51: {  	_ =	shalt  }
0x52: {  	_ =	shalt  }
0x53: {  	_ =	shalt  }
0x54: {  	_ =	shalt  }
0x55: {  	_ =	shalt  }
0x56: {  	_ =	shalt  }
0x57: {  	_ =	shalt  }
0x58: {  	_ =	shalt  }
0x59: {  	_ =	shalt  }
0x5a: {  	_ =	shalt  }
0x5b: {  	_ =	shalt  }
0x5c: {  	_ =	shalt  }
0x5d: {  	_ =	shalt  }
0x5e: {  	_ =	shalt  }
0x5f: {  	_ =	shalt  }
0x60: {  	_ =	shalt  }
0x61: {  	_ =	shalt  }
0x62: {  	_ =	shalt  }
0x63: {  	_ =	shalt  }
0x64: {  	_ =	shalt  }
0x65: {  	_ =	shalt  }
0x66: {  	_ =	shalt  }
0x67: {  	_ =	shalt  }
0x68: {  	_ =	shalt  }
0x69: {  	_ =	shalt  }
0x6a: {  	_ =	shalt  }
0x6b: {  	_ =	shalt  }
0x6c: {  	_ =	shalt  }
0x6d: {  	_ =	shalt  }
0x6e: {  	_ =	shalt  }
0x6f: {  	_ =	shalt  }
0x70: {  	_ =	shalt  }
0x71: {  	_ =	shalt  }
0x72: {  	_ =	shalt  }
0x73: {  	_ =	shalt  }
0x74: {  	_ =	shalt  }
0x75: {  	_ =	shalt  }
0x76: {  	_ =	shalt  }
0x77: {  	_ =	shalt  }
0x78: {  	_ =	shalt  }
0x79: {  	_ =	shalt  }
0x7a: {  	_ =	shalt  }
0x7b: {  	_ =	shalt  }
0x7c: {  	_ =	shalt  }
0x7d: {  	_ =	shalt  }
0x7e: {  	_ =	shalt  }
0x7f: {  	_ =	shalt  }
0x80: {  	_ =	shalt  }
0x81: {  	_ =	shalt  }
0x82: {  	_ =	shalt  }
0x83: {  	_ =	shalt  }
0x84: {  	_ =	shalt  }
0x85: {  	_ =	shalt  }
0x86: {  	_ =	shalt  }
0x87: {  	_ =	shalt  }
.Lfunc_end0:
.L_simem_size_0:
called_computation.3_lowered:
.L_overlay_start_0:
0x88: {  	s2 =	sld [smem:$0x3FD9]  }
0x89: {  	s3 =	sld [smem:$0x3FFE];
	_ =	sdelay $0x1  }
0x8a: {  	s1 =	srdreg.scid  }
0x8b: {  	s0 =	sand.u32 $0x1, s1  }
0x8c: {  	s16 =	sshll.u32 s0, $0xA;
	s2 =	sadd.s32 s3, s2  }
0x8d: {  	s2 =	sadd.s32 s2, s16  }
0x8e: {  	[smem:$0x3FB9] =	sst s2  }
0x8f: {  	_ = 	snop  }
0x90: {  	(tm) =	ssettm $0x1  }
0x91: {  	s17 =	sld [smem:$0x3FFB];
	_ =	sdelay $0x3  }
0x92: {  	_ =	strace s17  }
0x93: {  	s2 =	sld [smem:$0x3FFC];
	_ =	sdelay $0x3  }
0x94: {  	_ =	strace s2  }
0x95: {  	s2 =	sld [smem:$0x3FFD];
	_ =	sdelay $0x3  }
0x96: {  	_ =	strace s2  }
0x97: {  	_ =	strace $0x8FFFFFFF  }
0x98: {  	s18 =	sld [smem:$0x3FDB];
	_ =	sdelay $0x1  }
0x99: {  	s19 =	simm.s32 $_scs_section_size  }
0x9a: {  	s4 =	simm.s32 $_size__tile_overlayer_lowered;
	s5 =	simm.s32 $_tile_overlayer_lowered  }
0x9b: {  	s22 =	simm.s32 $0x1BFF;
	s21 =	sshll.u32 s5, $0x1;
	s2 =	sadd.s32 s19, s18  }
0x9c: {  	s6 =	simm.s32 $0x0;
	s20 =	sshll.u32 s4, $0x1;
	s4 =	sadd.s32 s21, s2  }
0x9d: {  	[timem:s6], [sflag:s22] =	dma.local [hbm:s4], s20  }
0x9e: {  	_ =	swait.ge [sflag:s22], s20  }
0x9f: {  	s3 =	ssub.s32 $0x0, s20;
	[sflag:s22] =	ssyncset.done $0x0  }
0xa0: {  	[sflag:s22] =	ssyncadd.s32 s3;
	_ =	sdelay $0x1  }
0xa1: {  	s23 =	simm.s32 $0x1B8B  }
0xa2: {  	_ =	swait.ge [sflag:s23], $0x1  }
0xa3: {  	[sflag:s23] =	ssyncset.done $0x0  }
0xa4: {  	s25 =	simm.s32 $0x1B8E;
	s24 =	sld [smem:$0x3FFE];
	[sflag:s23] =	ssyncadd.s32 $0xFFFFFFFF  }
0xa5: {  	s26 =	simm.s32 $execute0_lowered;
	[smem:$0x3FD2] =	sst s25  }
0xa6: {  	s4 =	sshll.u32 s26, $0x1;
	_ =	strace $0x8000004F;
	[dreg:$0x1] =	wrdreg $0xFFFFFFFF  }
0xa7: {  	s28 =	simm.s32 $_size_execute0_lowered;
	s2 =	sadd.s32 s2, s4;
	[dreg:$0x0] =	wrdreg $0x0  }
0xa8: {  	s4 =	sshll.u32 s28, $0x1;
	[dreg:$0x2] =	wrdreg s2  }
0xa9: {  	[dreg:$0x3] =	wrdreg s4  }
0xaa: {  	[dreg:$0x4] =	wrdreg $0xC0  }
0xab: {  	_ =	task [dreg:s6], $0x5FFFF  }
0xac: {  	[dreg:$0x1] =	wrdreg $0xFFFFFFFF  }
0xad: {  	[dreg:$0x0] =	wrdreg $0x60  }
0xae: {  	[dreg:$0x2] =	wrdreg s24  }
0xaf: {  	[dreg:$0x3] =	wrdreg $0xA8000  }
0xb0: {  	[dreg:$0x4] =	wrdreg $0x9  }
0xb1: {  	_ =	task.clear_ibuf [dreg:s6], $0x5FFFF;
	_ =	strace $0x9000004F  }
0xb2: {  	s29 =	simm.s32 $0x9;
	_ =	strace $0x80000051  }
0xb3: {  	_ =	swait.ge [sflag:s29], $0x1  }
0xb4: {  	[sflag:s29] =	ssyncadd.s32 $0xFFFFFFFF  }
0xb5: {  	_ =	strace $0x90000051  }
0xb6: {  	_ =	sfence  }
0xb7: {  	s30 =	sld [smem:$0x0];
	_ =	sdelay $0x2  }
0xb8: {  	s31 =	sshll.u32 s1, $0xD;
	s1 =	sshrl.u32 s1, $0x2  }
0xb9: {  	s3 =	sand.u32 $0x4000, s31;
	s1 =	sadd.s32 s1, s30  }
0xba: {  	s0 =	sor.u32 s3, s0;
	s1 =	sshll.u32 s1, $0x11  }
0xbb: {  	s0 =	sor.u32 s1, s0  }
0xbc: {  	s0 =	sadd.s32 $0x8F2B, s0  }
0xbd: {  	[sflag:s0] =	ssyncadd.remote.s32 $0x1  }
0xbe: {  	_ =	sfence.sel $0xFFFF  }
0xbf: {  	[dreg:$0x0] =	wrdreg $0xFFFFFFFF;
	(pc) =	sbr.abs _section_cstart, $3  }
0xc0: {  	[dreg:$0x1] =	wrdreg $0xFFFFFFFF  }
0xc1: {  	_ =	task.clear_ibuf [dreg:s6], $0x2FFFF;
	_ =	strace $0x9FFFFFFF  }
0xc2: {  	(tm) =	ssettm $0x7FFFFFFF  }
0xc3: {  	_ =	shalt  }
tec
execute0_lowered:
.L_overlay_start_1:
0x0: {  	(tag) =	ssettag $0x1  }
0x1: {  	s5 =	rddreg [dreg:$0x0];
	s0 =	srdreg.scid  }
0x2: {  	s2 =	rddreg [dreg:$0x1];
	s1 =	stileid.u32  }
0x3: {  	s3 =	simm.s32 $0x0;
	s17 =	simm.s32 $0x3;
	s18 =	simm.s32 $0x1400  }
0x4: {  	s19 =	simm.s32 $0x80;
	s20 =	simm.s32 $0x1;
	s21 =	simm.s32 $0x6800  }
0x5: {  	s22 =	simm.s32 $0x2;
	s23 =	simm.s32 $0x1380;
	s24 =	simm.s32 $0x2700  }
0x6: {  	s25 =	simm.s32 $0x2780;
	s6 =	sand.u32 $0x1, s0;
	s0 =	rddreg [dreg:$0x2]  }
0x7: {  	s8 =	smul.u32 $0x13C00, s1;
	[smem:$0x7FF] =	sst s3;
	s4 =	sadd.s32 $0x18200, s5  }
0x8: {  	s12 =	sadd.s32 $0xE200, s5;
	s26 =	smul.u32 $0x4F000, s1;
	s13 =	sadd.s32 $0x4200, s5  }
0x9: {  	s28 =	sshll.u32 s1, $0x1;
	s7 =	smul.u32 $0x13C000, s6;
	_ =	strace $0x80000050  }
0xa: {  	s29 =	ssub.s32 $0x2, s6;
	s6 =	sor.u32 s6, s28;
	s30 =	sshrl.u32 s26, $0x2  }
0xb: {  	s31 =	sshrl.u32 s29, $0x1;
	s10 =	smul.u32 $0x2800, s6;
	s7 =	sadd.s32 s8, s7  }
0xc: {  	s26 =	simm.s32 $0x0;
	s15 =	ssub.s32 s29, s31;
	s7 =	sshrl.u32 s7, $0x3  }
0xd: {  	s16 =	sshrl.u32 s10, $0x3;
	s15 =	smax.u32 s15, $0x1;
	s14 =	sadd.s32 s7, s5  }
0xe: {  	s5 =	sadd.s32 s30, s2;
	s10 =	sadd.s32 s12, s16;
	s11 =	sadd.s32 s13, s16  }
0xf: {  	s16 =	sadd.s32 $0x280, s16;
	s6 =	sadd.s32 $0x4000, s5;
	s7 =	sadd.s32 $0x8000, s5  }
0x10: {  	s8 =	sadd.s32 $0xC000, s5;
	s9 =	sadd.s32 $0x10000, s5;
	s12 =	sadd.s32 s12, s16  }
0x11: {  	v0 =	vimm.f32 $0.0e+00;
	s13 =	sadd.s32 s13, s16;
	s14 =	sadd.s32 $0x3F400, s14;
	s16 =	simm.s32 $0x2800  }
.LBB2_1:
0x12: {  	s28 =	sand.u32 $0xFE00, s3  }
0x13: {  	s29 =	sand.u32 $0x70, s3;
	s30 =	sshrl.u32 s28, $0x2  }
0x14: {  	s28 =	simm.s32 $0x40;
	s30 =	sor.u32 s29, s30;
	s29 =	simm.s32 $0x0  }
.LBB2_2:
0x15: {  	p0 =	sne.s32 s28, $0xFFC0  }
0x16: {  	[tilespmem:s30+$0x2800] =	vst v0;
	s29 =	sadd.s32 $0x10, s29;
	s30 =	smov.u32 s28;
	s28 =	sadd.s32 $0x40, s28  }
.Ltmp0:
0x17: {  	(pc) =	sbr.rel @p0 .LBB2_2-.Ltmp0, $4  }
0x18: {  	_ = 	snop  }
0x19: {  	s30 =	sand.u32 $0xFE00, s30  }
0x1a: {  	s31 =	sand.u32 $0x70, s29;
	s30 =	sshrl.u32 s30, $0x2  }
0x1b: {  	s30 =	sor.u32 s31, s30  }
0x1c: {  	[tilespmem:s30+$0x2800] =	vst v0  }
0x1d: {  	[spmem:s5] =	stream.linear.scatter [tilespmem:s16], [sflag:$0x3], $0x4000, $0x38;
	[tilespmem:$0x1E400] =	vst v63  }
0x1e: {  	_ =	swait.ge [sflag:s17], $0x4000  }
0x1f: {  	[sflag:s17] =	ssyncset.done $0x0  }
0x20: {  	[sflag:s17] =	ssyncadd.s32 $0xFFFFC000  }
0x21: {  	[spmem:s6] =	stream.linear.scatter [tilespmem:s16], [sflag:$0x3], $0x4000, $0x38;
	[tilespmem:$0x1E400] =	vst v63  }
0x22: {  	_ =	swait.ge [sflag:s17], $0x4000  }
0x23: {  	[sflag:s17] =	ssyncset.done $0x0  }
0x24: {  	[sflag:s17] =	ssyncadd.s32 $0xFFFFC000  }
0x25: {  	[spmem:s7] =	stream.linear.scatter [tilespmem:s16], [sflag:$0x3], $0x4000, $0x38;
	[tilespmem:$0x1E400] =	vst v63  }
0x26: {  	_ =	swait.ge [sflag:s17], $0x4000  }
0x27: {  	[sflag:s17] =	ssyncset.done $0x0  }
0x28: {  	[sflag:s17] =	ssyncadd.s32 $0xFFFFC000  }
0x29: {  	[spmem:s8] =	stream.linear.scatter [tilespmem:s16], [sflag:$0x3], $0x4000, $0x38;
	[tilespmem:$0x1E400] =	vst v63  }
0x2a: {  	_ =	swait.ge [sflag:s17], $0x4000  }
0x2b: {  	[sflag:s17] =	ssyncset.done $0x0  }
0x2c: {  	[sflag:s17] =	ssyncadd.s32 $0xFFFFC000  }
0x2d: {  	[spmem:s9] =	stream.linear.scatter [tilespmem:s16], [sflag:$0x3], $0x3C00, $0x38;
	[tilespmem:$0x1E400] =	vst v63  }
0x2e: {  	_ =	swait.ge [sflag:s17], $0x3C00  }
0x2f: {  	[sflag:s17] =	ssyncset.done $0x0  }
0x30: {  	[sflag:s17] =	ssyncadd.s32 $0xFFFFC400  }
0x31: {  	s28 =	simm.s32 $0x0;
	[bflag:$0x0] =	sbarrier.arrive $0xFFFF  }
0x32: {  	[tilespmem:s28], [sflag:$0x3] =	stream.linear.gather [hbm4b:s10+s28], $0x1400, $0x38;
	[tilespmem:$0x1E400] =	vst v63  }
0x33: {  	_ =	swait.ge [sflag:s17], $0x1400  }
0x34: {  	[sflag:s17] =	ssyncset.done $0x0  }
0x35: {  	[sflag:s17] =	ssyncadd.s32 $0xFFFFEC00  }
0x36: {  	[tilespmem:s18], [sflag:$0x3] =	stream.linear.gather [hbm4b:s11+s28], $0x1400, $0x38;
	[tilespmem:$0x1E400] =	vst v63  }
0x37: {  	_ =	swait.ge [sflag:s17], $0x1400  }
0x38: {  	[sflag:s17] =	ssyncset.done $0x0  }
0x39: {  	[sflag:s17] =	ssyncadd.s32 $0xFFFFEC00  }
0x3a: {  	[tilespmem:s16], [sflag:$0x1] =	stream.indirect.gather [hbm4b:s4+s19], $0x80, s28, s19, $0xb8;
	[tilespmem:$0x1E400] =	vst v63  }
0x3b: {  	_ =	swait.ge [sflag:s20], $0x4000  }
0x3c: {  	[sflag:s20] =	ssyncset.done $0x0  }
0x3d: {  	s28 =	simm.s32 $0x80;
	[sflag:s20] =	ssyncadd.s32 $0xFFFFC000  }
0x3e: {  	[tilespmem:s21], [sflag:$0x2] =	stream.indirect.gather [hbm4b:s4+s19], $0x80, s28, s19, $0xb8;
	[tilespmem:$0x1E400] =	vst v63  }
0x3f: {  	s28 =	simm.s32 $0x1400  }
0x40: {  	[spmem:s2] =	stream.indirect.scatter.add.f32 [tilespmem:s16], [sflag:$0x3], $0x80, s28, s19, $0xb8;
	[tilespmem:$0x1E400] =	vst v63  }
0x41: {  	_ =	swait.ge [sflag:s17], $0x4000  }
0x42: {  	[sflag:s17] =	ssyncset.done $0x0  }
0x43: {  	[sflag:s17] =	ssyncadd.s32 $0xFFFFC000  }
0x44: {  	_ =	swait.ge [sflag:s22], $0x4000  }
0x45: {  	[sflag:s22] =	ssyncset.done $0x0  }
0x46: {  	s28 =	simm.s32 $0x100;
	[sflag:s22] =	ssyncadd.s32 $0xFFFFC000  }
0x47: {  	[tilespmem:s16], [sflag:$0x1] =	stream.indirect.gather [hbm4b:s4+s19], $0x80, s28, s19, $0xb8;
	[tilespmem:$0x1E400] =	vst v63  }
0x48: {  	s28 =	simm.s32 $0x1480  }
0x49: {  	[spmem:s2] =	stream.indirect.scatter.add.f32 [tilespmem:s21], [sflag:$0x3], $0x80, s28, s19, $0xb8;
	[tilespmem:$0x1E400] =	vst v63  }
0x4a: {  	_ =	swait.ge [sflag:s17], $0x4000  }
0x4b: {  	s28 =	simm.s32 $0x400;
	[sflag:s17] =	ssyncset.done $0x0  }
.LBB2_4:
0x4c: {  	p0 =	sne.s32 s28, $0x4800  }
0x4d: {  	[sflag:s17] =	ssyncadd.s32 $0xFFFFC000;
	s29 =	smov.u32 s28;
	s28 =	sadd.s32 $0x400, s28  }
0x4e: {  	_ = 	snop  }
0x4f: {  	_ =	swait.ge [sflag:s20], $0x4000  }
0x50: {  	s29 =	sshra.s32 s29, $0x2;
	[sflag:s20] =	ssyncset.done $0x0  }
0x51: {  	s30 =	sadd.s32 $0x80, s29;
	[sflag:s20] =	ssyncadd.s32 $0xFFFFC000  }
0x52: {  	[tilespmem:s21], [sflag:$0x2] =	stream.indirect.gather [hbm4b:s4+s19], $0x80, s30, s19, $0xb8;
	[tilespmem:$0x1E400] =	vst v63  }
0x53: {  	s30 =	sadd.s32 $0x1400, s29  }
0x54: {  	[spmem:s2] =	stream.indirect.scatter.add.f32 [tilespmem:s16], [sflag:$0x3], $0x80, s30, s19, $0xb8;
	[tilespmem:$0x1E400] =	vst v63  }
0x55: {  	_ =	swait.ge [sflag:s17], $0x4000  }
0x56: {  	[sflag:s17] =	ssyncset.done $0x0  }
0x57: {  	[sflag:s17] =	ssyncadd.s32 $0xFFFFC000  }
0x58: {  	_ =	swait.ge [sflag:s22], $0x4000  }
0x59: {  	[sflag:s22] =	ssyncset.done $0x0  }
0x5a: {  	s30 =	sadd.s32 $0x100, s29;
	[sflag:s22] =	ssyncadd.s32 $0xFFFFC000  }
0x5b: {  	[tilespmem:s16], [sflag:$0x1] =	stream.indirect.gather [hbm4b:s4+s19], $0x80, s30, s19, $0xb8;
	[tilespmem:$0x1E400] =	vst v63  }
.Ltmp1:
0x5c: {  	_ = 	snop;
	(pc) =	sbr.rel @p0 .LBB2_4-.Ltmp1, $4  }
0x5d: {  	s29 =	sadd.s32 $0x1480, s29  }
0x5e: {  	[spmem:s2] =	stream.indirect.scatter.add.f32 [tilespmem:s21], [sflag:$0x3], $0x80, s29, s19, $0xb8;
	[tilespmem:$0x1E400] =	vst v63  }
0x5f: {  	_ =	swait.ge [sflag:s17], $0x4000  }
0x60: {  	[sflag:s17] =	ssyncset.done $0x0  }
0x61: {  	[sflag:s17] =	ssyncadd.s32 $0xFFFFC000  }
0x62: {  	_ =	swait.ge [sflag:s20], $0x4000  }
0x63: {  	[sflag:s20] =	ssyncset.done $0x0  }
0x64: {  	[sflag:s20] =	ssyncadd.s32 $0xFFFFC000  }
0x65: {  	[tilespmem:s21], [sflag:$0x2] =	stream.indirect.gather [hbm4b:s4+s19], $0x80, s23, s19, $0xb8;
	[tilespmem:$0x1E400] =	vst v63  }
0x66: {  	_ = 	snop  }
0x67: {  	[spmem:s2] =	stream.indirect.scatter.add.f32 [tilespmem:s16], [sflag:$0x3], $0x80, s24, s19, $0xb8;
	[tilespmem:$0x1E400] =	vst v63  }
0x68: {  	_ =	swait.ge [sflag:s17], $0x4000  }
0x69: {  	[sflag:s17] =	ssyncset.done $0x0  }
0x6a: {  	[sflag:s17] =	ssyncadd.s32 $0xFFFFC000  }
0x6b: {  	_ =	swait.ge [sflag:s22], $0x4000  }
0x6c: {  	[sflag:s22] =	ssyncset.done $0x0  }
0x6d: {  	[sflag:s22] =	ssyncadd.s32 $0xFFFFC000  }
0x6e: {  	[spmem:s2] =	stream.indirect.scatter.add.f32 [tilespmem:s21], [sflag:$0x3], $0x80, s25, s19, $0xb8;
	[tilespmem:$0x1E400] =	vst v63  }
0x6f: {  	_ =	swait.ge [sflag:s17], $0x4000  }
0x70: {  	[sflag:s17] =	ssyncset.done $0x0  }
0x71: {  	s28 =	simm.s32 $0x0;
	[sflag:s17] =	ssyncadd.s32 $0xFFFFC000  }
0x72: {  	[tilespmem:s28], [sflag:$0x3] =	stream.linear.gather [hbm4b:s12+s28], $0x1400, $0x38;
	[tilespmem:$0x1E400] =	vst v63  }
0x73: {  	_ =	swait.ge [sflag:s17], $0x1400  }
0x74: {  	[sflag:s17] =	ssyncset.done $0x0  }
0x75: {  	[sflag:s17] =	ssyncadd.s32 $0xFFFFEC00  }
0x76: {  	[tilespmem:s18], [sflag:$0x3] =	stream.linear.gather [hbm4b:s13+s28], $0x1400, $0x38;
	[tilespmem:$0x1E400] =	vst v63  }
0x77: {  	_ =	swait.ge [sflag:s17], $0x1400  }
0x78: {  	[sflag:s17] =	ssyncset.done $0x0  }
0x79: {  	[sflag:s17] =	ssyncadd.s32 $0xFFFFEC00  }
0x7a: {  	[tilespmem:s16], [sflag:$0x1] =	stream.indirect.gather [hbm4b:s4+s19], $0x80, s28, s19, $0xb8;
	[tilespmem:$0x1E400] =	vst v63  }
0x7b: {  	_ =	swait.ge [sflag:s20], $0x4000  }
0x7c: {  	[sflag:s20] =	ssyncset.done $0x0  }
0x7d: {  	s28 =	simm.s32 $0x80;
	[sflag:s20] =	ssyncadd.s32 $0xFFFFC000  }
0x7e: {  	[tilespmem:s21], [sflag:$0x2] =	stream.indirect.gather [hbm4b:s4+s19], $0x80, s28, s19, $0xb8;
	[tilespmem:$0x1E400] =	vst v63  }
0x7f: {  	s28 =	simm.s32 $0x1400  }
0x80: {  	[spmem:s2] =	stream.indirect.scatter.add.f32 [tilespmem:s16], [sflag:$0x3], $0x80, s28, s19, $0xb8;
	[tilespmem:$0x1E400] =	vst v63  }
0x81: {  	_ =	swait.ge [sflag:s17], $0x4000  }
0x82: {  	[sflag:s17] =	ssyncset.done $0x0  }
0x83: {  	[sflag:s17] =	ssyncadd.s32 $0xFFFFC000  }
0x84: {  	_ =	swait.ge [sflag:s22], $0x4000  }
0x85: {  	[sflag:s22] =	ssyncset.done $0x0  }
0x86: {  	s28 =	simm.s32 $0x100;
	[sflag:s22] =	ssyncadd.s32 $0xFFFFC000  }
0x87: {  	[tilespmem:s16], [sflag:$0x1] =	stream.indirect.gather [hbm4b:s4+s19], $0x80, s28, s19, $0xb8;
	[tilespmem:$0x1E400] =	vst v63  }
0x88: {  	s28 =	simm.s32 $0x1480  }
0x89: {  	[spmem:s2] =	stream.indirect.scatter.add.f32 [tilespmem:s21], [sflag:$0x3], $0x80, s28, s19, $0xb8;
	[tilespmem:$0x1E400] =	vst v63  }
0x8a: {  	_ =	swait.ge [sflag:s17], $0x4000  }
0x8b: {  	s28 =	simm.s32 $0x400;
	[sflag:s17] =	ssyncset.done $0x0  }
.LBB2_6:
0x8c: {  	p0 =	sne.s32 s28, $0x4800  }
0x8d: {  	[sflag:s17] =	ssyncadd.s32 $0xFFFFC000;
	s29 =	smov.u32 s28;
	s28 =	sadd.s32 $0x400, s28  }
0x8e: {  	_ = 	snop  }
0x8f: {  	_ =	swait.ge [sflag:s20], $0x4000  }
0x90: {  	s29 =	sshra.s32 s29, $0x2;
	[sflag:s20] =	ssyncset.done $0x0  }
0x91: {  	s30 =	sadd.s32 $0x80, s29;
	[sflag:s20] =	ssyncadd.s32 $0xFFFFC000  }
0x92: {  	[tilespmem:s21], [sflag:$0x2] =	stream.indirect.gather [hbm4b:s4+s19], $0x80, s30, s19, $0xb8;
	[tilespmem:$0x1E400] =	vst v63  }
0x93: {  	s30 =	sadd.s32 $0x1400, s29  }
0x94: {  	[spmem:s2] =	stream.indirect.scatter.add.f32 [tilespmem:s16], [sflag:$0x3], $0x80, s30, s19, $0xb8;
	[tilespmem:$0x1E400] =	vst v63  }
0x95: {  	_ =	swait.ge [sflag:s17], $0x4000  }
0x96: {  	[sflag:s17] =	ssyncset.done $0x0  }
0x97: {  	[sflag:s17] =	ssyncadd.s32 $0xFFFFC000  }
0x98: {  	_ =	swait.ge [sflag:s22], $0x4000  }
0x99: {  	[sflag:s22] =	ssyncset.done $0x0  }
0x9a: {  	s30 =	sadd.s32 $0x100, s29;
	[sflag:s22] =	ssyncadd.s32 $0xFFFFC000  }
0x9b: {  	[tilespmem:s16], [sflag:$0x1] =	stream.indirect.gather [hbm4b:s4+s19], $0x80, s30, s19, $0xb8;
	[tilespmem:$0x1E400] =	vst v63  }
.Ltmp2:
0x9c: {  	_ = 	snop;
	(pc) =	sbr.rel @p0 .LBB2_6-.Ltmp2, $4  }
0x9d: {  	s29 =	sadd.s32 $0x1480, s29  }
0x9e: {  	[spmem:s2] =	stream.indirect.scatter.add.f32 [tilespmem:s21], [sflag:$0x3], $0x80, s29, s19, $0xb8;
	[tilespmem:$0x1E400] =	vst v63  }
0x9f: {  	_ =	swait.ge [sflag:s17], $0x4000  }
0xa0: {  	[sflag:s17] =	ssyncset.done $0x0  }
0xa1: {  	[sflag:s17] =	ssyncadd.s32 $0xFFFFC000  }
0xa2: {  	_ =	swait.ge [sflag:s20], $0x4000  }
0xa3: {  	[sflag:s20] =	ssyncset.done $0x0  }
0xa4: {  	[sflag:s20] =	ssyncadd.s32 $0xFFFFC000  }
0xa5: {  	[tilespmem:s21], [sflag:$0x2] =	stream.indirect.gather [hbm4b:s4+s19], $0x80, s23, s19, $0xb8;
	[tilespmem:$0x1E400] =	vst v63  }
0xa6: {  	_ = 	snop  }
0xa7: {  	[spmem:s2] =	stream.indirect.scatter.add.f32 [tilespmem:s16], [sflag:$0x3], $0x80, s24, s19, $0xb8;
	[tilespmem:$0x1E400] =	vst v63  }
0xa8: {  	_ =	swait.ge [sflag:s17], $0x4000  }
0xa9: {  	[sflag:s17] =	ssyncset.done $0x0  }
0xaa: {  	[sflag:s17] =	ssyncadd.s32 $0xFFFFC000  }
0xab: {  	_ =	swait.ge [sflag:s22], $0x4000  }
0xac: {  	[sflag:s22] =	ssyncset.done $0x0  }
0xad: {  	[sflag:s22] =	ssyncadd.s32 $0xFFFFC000  }
0xae: {  	[spmem:s2] =	stream.indirect.scatter.add.f32 [tilespmem:s21], [sflag:$0x3], $0x80, s25, s19, $0xb8;
	[tilespmem:$0x1E400] =	vst v63  }
0xaf: {  	_ =	swait.ge [sflag:s17], $0x4000  }
0xb0: {  	s28 =	sshll.u32 s1, $0x6;
	s26 =	sadd.s32 $0x1, s26;
	[sflag:s17] =	ssyncset.done $0x0  }
0xb1: {  	s29 =	sshrl.u32 s5, $0x3;
	p0 =	sne.s32 s26, s15;
	[sflag:s17] =	ssyncadd.s32 $0xFFFFC000  }
.Ltmp3:
0xb2: {  	s28 =	sor.u32 $0x1C03, s28;
	[bflag:$0x0] =	sbarrier.arrive $0xFFFF;
	(pc) =	sbr.rel @p0 .LBB2_1-.Ltmp3, $4  }
0xb3: {  	[hbm:s14], [sflag:s28] =	dma.local [spmem:s29], $0x2780  }
0xb4: {  	_ =	swait.ge [sflag:s17], $0x2780  }
0xb5: {  	[sflag:s17] =	ssyncset.done $0x0  }
0xb6: {  	[sflag:s17] =	ssyncadd.s32 $0xFFFFD880  }
0xb7: {  	_ =	sfence.sel $0x180000  }
0xb8: {  	[bflag:$0x0] =	sbarrier.arrive $0xFFFF  }
0xb9: {  	p0 =	sne.s32 s1, $0x0;
	_ =	strace $0x90000050  }
0xba: {  	s0 =	sadd.s32 @!p0 $0x100000, s0;
	[bflag:$0x2] =	sbarrier.arrive $0xFFFF  }
0xbb: {  	[sflag:s0] =	ssyncadd.tile.s32 @!p0 $0x1;
	_ =	shalt  }
.Lfunc_end2:
_tile_overlayer_lowered:
.L_overlay_start_2:
0xbc: {  	(tag) =	ssettag $0x2  }
0xbd: {  	s0 =	rddreg [dreg:$0x0];
	s2 =	stileid.u32  }
0xbe: {  	s1 =	rddreg [dreg:$0x1];
	p0 =	sne.s32 s2, $0x0  }
0xbf: {  	s3 =	rddreg [dreg:$0x2];
	[bflag:$0x3] =	sbarrier.arrive $0xFFFF;
	s2 =	simm.s32 @!p0 $0x1C03  }
0xc0: {  	[timem:s3], [sflag:s2] =	dma.local @!p0 [hbm:s0], s1  }
0xc1: {  	s0 =	simm.s32 @!p0 $0x3  }
0xc2: {  	_ =	swait.ge @!p0 [sflag:s0], s1  }
0xc3: {  	s1 =	ssub.s32 @!p0 $0x0, s1;
	[sflag:s0] =	ssyncset.done @!p0 $0x0  }
0xc4: {  	[sflag:s0] =	ssyncadd.s32 @!p0 s1  }
0xc5: {  	[bflag:$0x3] =	sbarrier.arrive $0xFFFF  }
0xc6: {  	_ =	shalt  }

</sc_bundles>
